<compile_context>
chip_gen: v7x
topology: tpu7x:2x2x1
jax: 0.10.2.dev20260603
libtpu: 0.0.44.dev20260713+nightly
codegen_flags: <defaults>
</compile_context>

<pallas_src>
import functools

import jax
import jax.numpy as jnp
from jax import lax
from jax.experimental import pallas as pl
from jax.experimental.pallas import tpu as pltpu
from jax.experimental.pallas import tpu_sc as plsc

_VOCAB = 100000
_PRE_DIM = 64
_EMB_DIM = 64
_HIDDEN = 256
_BATCH = 16384

_NC = 2
_NS = 16
_NW = _NC * _NS
_CPW = _PRE_DIM // _NW
_OCHUNK = 8192


def _sc_gather_t(idx, table_t):
    mesh = plsc.VectorSubcoreMesh(core_axis_name="c", subcore_axis_name="s")

    @functools.partial(
        pl.kernel,
        out_type=jax.ShapeDtypeStruct((_PRE_DIM, _BATCH), jnp.float32),
        mesh=mesh,
        compiler_params=pltpu.CompilerParams(needs_layout_passes=False),
        scratch_types=[
            pltpu.VMEM((_BATCH,), jnp.int32),
            pltpu.VMEM((_VOCAB + 1,), jnp.float32),
            pltpu.VMEM((_OCHUNK,), jnp.float32),
            pltpu.VMEM_SHARED((_BATCH,), jnp.int32),
            pltpu.SemaphoreType.DMA,
        ],
    )
    def k(idx_hbm, table_hbm, out_hbm, idx_v, col_v, obuf_v, idx_sp, sem):
        sid = lax.axis_index("s")
        wid = sid * _NC + lax.axis_index("c")
        col_cp = pltpu.async_copy(table_hbm.at[wid * _CPW], col_v, sem)
        @pl.when(sid == 0)
        def _():
            pltpu.sync_copy(idx_hbm, idx_sp)

        plsc.subcore_barrier()
        pltpu.sync_copy(idx_sp, idx_v)

        nhalf = _BATCH // _OCHUNK
        for c in range(_CPW):
            col = wid * _CPW + c
            col_cp.wait()
            for half in range(nhalf):

                def gather_body(i, carry, half=half):
                    for u in range(16):
                        si = pl.ds(
                            pl.multiple_of(half * _OCHUNK + i * 256 + u * 16, 16),
                            16)
                        so = pl.ds(pl.multiple_of(i * 256 + u * 16, 16), 16)
                        v = idx_v[si]
                        vi = jnp.where((v >= 1) & (v <= _VOCAB), v, 0)
                        obuf_v[so] = plsc.load_gather(col_v, [vi])
                    return carry

                lax.fori_loop(0, _OCHUNK // 256, gather_body, 0)
                pltpu.sync_copy(
                    obuf_v,
                    out_hbm.at[col].at[pl.ds(half * _OCHUNK, _OCHUNK)],
                )
            if c + 1 < _CPW:
                col_cp = pltpu.async_copy(table_hbm.at[col + 1], col_v, sem)

    return k(idx, table_t)


def _mlp_body(xt_ref, w1_ref, b1_ref, w2_ref, b2_ref, ot_ref):
    xt = xt_ref[...]
    h = jax.lax.dot_general(
        xt, w1_ref[...], (((0,), (0,)), ((), ())),
        preferred_element_type=jnp.float32)
    h = jnp.maximum(h + b1_ref[...], 0.0)
    ot = jax.lax.dot_general(
        w2_ref[...], h, (((0,), (1,)), ((), ())),
        preferred_element_type=jnp.float32)
    ot_ref[...] = ot + b2_ref[...]


def _tc_mlp_t(embt, W1, b1, W2, b2t):
    tm = 8192
    grid = (_BATCH // tm,)
    return pl.pallas_call(
        _mlp_body,
        grid=grid,
        in_specs=[
            pl.BlockSpec((_PRE_DIM, tm), lambda i: (0, i)),
            pl.BlockSpec((_PRE_DIM, _HIDDEN), lambda i: (0, 0)),
            pl.BlockSpec((1, _HIDDEN), lambda i: (0, 0)),
            pl.BlockSpec((_HIDDEN, _EMB_DIM), lambda i: (0, 0)),
            pl.BlockSpec((_EMB_DIM, 1), lambda i: (0, 0)),
        ],
        out_specs=pl.BlockSpec((_EMB_DIM, tm), lambda i: (0, i)),
        out_shape=jax.ShapeDtypeStruct((_EMB_DIM, _BATCH), jnp.float32),
    )(embt, W1, b1, W2, b2t)


def kernel(book_id, table, W1, b1, W2, b2):
    embt = _sc_gather_t(book_id, table.T)
    out_t = _tc_mlp_t(embt, W1, b1.reshape(1, _HIDDEN), W2,
                      b2.reshape(_EMB_DIM, 1))
    return out_t.T

# --- scband reference (transcript-rebuilt; emitter-appended) ---
"""Pipeline reference for scband-item-tower-52012053955195 (READ-ONLY COPY).

The authoritative reference and input builder live on the scoring server;
editing this copy changes nothing except your own understanding.
"""

import jax, jax.numpy as jnp
import numpy as np

VOCAB = 100000
PRE_DIM = 64
EMB_DIM = 64
HIDDEN = 256
BATCH = 16384

def setup_inputs(seed: int = 0) -> dict:
    key = jax.random.key(seed)
    ks = jax.random.split(key, 6)
    book_id = jax.random.randint(ks[0], (BATCH,), 0, VOCAB, dtype=jnp.int32)
    # Embedding table: row 0 is the OOV row, rows 1..VOCAB correspond to book ids 1..VOCAB
    table = jax.random.normal(ks[1], (VOCAB + 1, PRE_DIM), dtype=jnp.float32) * 0.05
    W1 = jax.random.normal(ks[2], (PRE_DIM, HIDDEN), dtype=jnp.float32) * (1.0 / np.sqrt(PRE_DIM))
    b1 = jnp.zeros((HIDDEN,), dtype=jnp.float32)
    W2 = jax.random.normal(ks[3], (HIDDEN, EMB_DIM), dtype=jnp.float32) * (1.0 / np.sqrt(HIDDEN))
    b2 = jnp.zeros((EMB_DIM,), dtype=jnp.float32)
    return {"book_id": book_id, "table": table, "W1": W1, "b1": b1, "W2": W2, "b2": b2}


def reference(book_id, table, W1, b1, W2, b2):
    # IntegerLookup(vocabulary=arange(1, VOCAB+1), num_oov_indices=1):
    # in-vocab id v maps to index v (identity since vocab is contiguous 1..VOCAB),
    # any out-of-vocab id maps to OOV index 0.
    idx = jnp.where((book_id >= 1) & (book_id <= VOCAB), book_id, 0)
    emb = jnp.take(table, idx, axis=0)            # gather -> SparseCore friendly
    h = jax.nn.relu(emb @ W1 + b1)                 # Dense(256, relu)
    # Dropout is identity at inference
    out = h @ W2 + b2                              # Dense(emb_dim)
    return out

if __name__ == "__main__":
    import jax
    _d = setup_inputs()
    print(jax.jit(kernel)(*tuple(_d.values())))

</pallas_src>

<mosaic_0001>
#map = affine_map<(d0, d1) -> (0)>
#map1 = affine_map<(d0, d1) -> (0, 0)>
module attributes {stable_mosaic.version = 14 : i64} {
  func.func @k(%arg0: i32, %arg1: i32, %arg2: memref<16384xi32, #tpu.memory_space<hbm>>, %arg3: memref<64x100001xf32, #tpu.memory_space<hbm>>, %arg4: memref<64x16384xf32, #tpu.memory_space<hbm>>, %arg5: memref<16384xi32, #tpu.memory_space<vmem>>, %arg6: memref<100001xf32, #tpu.memory_space<vmem>>, %arg7: memref<8192xf32, #tpu.memory_space<vmem>>, %arg8: memref<16384xi32, #tpu.memory_space<vmem_shared>>, %arg9: memref<!tpu.dma_semaphore, #tpu.memory_space<semaphore_mem>>) attributes {dimension_semantics = [#tpu.dimension_semantics<core_parallel>, #tpu.dimension_semantics<subcore_parallel>], iteration_bounds = array<i64: 2, 16>, scalar_prefetch = 0 : i64, scratch_operands = 5 : i64, tpu.core_type = #tpu.core_type<sc_vector_subcore>, window_params = [{transform_indices = #map}, {transform_indices = #map1}, {transform_indices = #map1}]} {
    %mul3A = arith.constant 2 : i32
    %mul3A_0 = arith.muli %arg1, %mul3A : i32
    %add3A = arith.addi %mul3A_0, %arg0 : i32
    %mul3A_1 = arith.constant 2 : i32
    %mul3A_2 = arith.muli %add3A, %mul3A_1 : i32
    %dma_start3A = arith.constant 0 : i32
    %dma_start3A_3 = tpu.memref_slice %arg3[%mul3A_2, %dma_start3A] : memref<64x100001xf32, #tpu.memory_space<hbm>> -> memref<1x100001xf32, #tpu.memory_space<hbm>>
    %dma_start3A_4 = tpu.memref_squeeze %dma_start3A_3 : memref<1x100001xf32, #tpu.memory_space<hbm>> -> memref<100001xf32, #tpu.memory_space<hbm>>
    %dma_start3A_5 = arith.constant 0 : i32
    %dma_start3A_6 = tpu.memref_slice %arg3[%mul3A_2, %dma_start3A_5] : memref<64x100001xf32, #tpu.memory_space<hbm>> -> memref<1x100001xf32, #tpu.memory_space<hbm>>
    %dma_start3A_7 = tpu.memref_squeeze %dma_start3A_6 : memref<1x100001xf32, #tpu.memory_space<hbm>> -> memref<100001xf32, #tpu.memory_space<hbm>>
    tpu.enqueue_dma source(%dma_start3A_7 : memref<100001xf32, #tpu.memory_space<hbm>>) target(%arg6 : memref<100001xf32, #tpu.memory_space<vmem>>) target_semaphore(%arg9 : memref<!tpu.dma_semaphore, #tpu.memory_space<semaphore_mem>>)
    %eq3A = arith.constant 0 : i32
    %eq3A_8 = arith.cmpi eq, %arg1, %eq3A : i32
    %convert_element_type3A = arith.extui %eq3A_8 : i1 to i32
    %cond3A = arith.constant 0 : i32
    %cond3A_9 = arith.cmpi ne, %convert_element_type3A, %cond3A : i32
    scf.if %cond3A_9 {
      "tpu.region"() ({
        %run_scoped3A = tpu.sem_alloc : memref<!tpu.dma_semaphore, #tpu.memory_space<semaphore_mem>>
        tpu.enqueue_dma source(%arg2 : memref<16384xi32, #tpu.memory_space<hbm>>) target(%arg8 : memref<16384xi32, #tpu.memory_space<vmem_shared>>) target_semaphore(%run_scoped3A : memref<!tpu.dma_semaphore, #tpu.memory_space<semaphore_mem>>)
        tpu.wait_dma2 semaphore(%run_scoped3A : memref<!tpu.dma_semaphore, #tpu.memory_space<semaphore_mem>>) src(%arg2 : memref<16384xi32, #tpu.memory_space<hbm>>) dst(%arg8 : memref<16384xi32, #tpu.memory_space<vmem_shared>>)
        tpu.yield
      }) : () -> ()
    } else {
    }
    %barrier3A = arith.constant 0 : index
    tpu.barrier barrier_id(%barrier3A)
    "tpu.region"() ({
      %run_scoped3A = tpu.sem_alloc : memref<!tpu.dma_semaphore, #tpu.memory_space<semaphore_mem>>
      tpu.enqueue_dma source(%arg8 : memref<16384xi32, #tpu.memory_space<vmem_shared>>) target(%arg5 : memref<16384xi32, #tpu.memory_space<vmem>>) target_semaphore(%run_scoped3A : memref<!tpu.dma_semaphore, #tpu.memory_space<semaphore_mem>>)
      tpu.wait_dma2 semaphore(%run_scoped3A : memref<!tpu.dma_semaphore, #tpu.memory_space<semaphore_mem>>) src(%arg8 : memref<16384xi32, #tpu.memory_space<vmem_shared>>) dst(%arg5 : memref<16384xi32, #tpu.memory_space<vmem>>)
      tpu.yield
    }) : () -> ()
    %mul3A_10 = arith.constant 2 : i32
    %mul3A_11 = arith.muli %add3A, %mul3A_10 : i32
    %add3A_12 = arith.constant 0 : i32
    %add3A_13 = arith.addi %mul3A_11, %add3A_12 : i32
    %dma_wait3A = arith.constant 0 : i32
    %dma_wait3A_14 = tpu.memref_slice %arg3[%mul3A_2, %dma_wait3A] : memref<64x100001xf32, #tpu.memory_space<hbm>> -> memref<1x100001xf32, #tpu.memory_space<hbm>>
    %dma_wait3A_15 = tpu.memref_squeeze %dma_wait3A_14 : memref<1x100001xf32, #tpu.memory_space<hbm>> -> memref<100001xf32, #tpu.memory_space<hbm>>
    %dma_wait3A_16 = arith.constant 0 : i32
    %dma_wait3A_17 = tpu.memref_slice %arg3[%mul3A_2, %dma_wait3A_16] : memref<64x100001xf32, #tpu.memory_space<hbm>> -> memref<1x100001xf32, #tpu.memory_space<hbm>>
    %dma_wait3A_18 = tpu.memref_squeeze %dma_wait3A_17 : memref<1x100001xf32, #tpu.memory_space<hbm>> -> memref<100001xf32, #tpu.memory_space<hbm>>
    tpu.wait_dma2 semaphore(%arg9 : memref<!tpu.dma_semaphore, #tpu.memory_space<semaphore_mem>>) src(%dma_wait3A_18 : memref<100001xf32, #tpu.memory_space<hbm>>) dst(%arg6 : memref<100001xf32, #tpu.memory_space<vmem>>)
    %scan3A = arith.constant 0 : i32
    %scan3A_19 = arith.constant 0 : i32
    %scan3A_20 = arith.constant 32 : i32
    %scan3A_21 = arith.addi %scan3A_19, %scan3A_20 : i32
    %scan3A_22 = arith.constant 1 : i32
    scf.for %scan3A_60 = %scan3A_19 to %scan3A_21 step %scan3A_22  : i32 {
      %mul3A_61 = arith.constant 256 : i32
      %mul3A_62 = arith.muli %scan3A_60, %mul3A_61 : i32
      %add3A_63 = arith.constant 0 : i32
      %add3A_64 = arith.addi %add3A_63, %mul3A_62 : i32
      %add3A_65 = arith.constant 0 : i32
      %add3A_66 = arith.addi %add3A_64, %add3A_65 : i32
      %multiple_of3A = tpu.assume_multiple %add3A_66, 16 : i32
      %mul3A_67 = arith.constant 256 : i32
      %mul3A_68 = arith.muli %scan3A_60, %mul3A_67 : i32
      %add3A_69 = arith.constant 0 : i32
      %add3A_70 = arith.addi %mul3A_68, %add3A_69 : i32
      %multiple_of3A_71 = tpu.assume_multiple %add3A_70, 16 : i32
      %get3A = arith.index_cast %multiple_of3A : i32 to index
      %get3A_72 = tpu.vector_load %arg5[%get3A] {strides = array<i32>} : memref<16384xi32, #tpu.memory_space<vmem>>, vector<16xi32>,
      %ge3A = arith.constant 1 : i32
      %ge3A_73 = vector.broadcast %ge3A : i32 to vector<16xi32>
      %ge3A_74 = arith.cmpi sge, %get3A_72, %ge3A_73 : vector<16xi32>
      %le3A = arith.constant 100000 : i32
      %le3A_75 = vector.broadcast %le3A : i32 to vector<16xi32>
      %le3A_76 = arith.cmpi sle, %get3A_72, %le3A_75 : vector<16xi32>
      %and3A = arith.andi %ge3A_74, %le3A_76 : vector<16xi1>
      %jit3A = arith.constant 0 : i32
      %broadcast_in_dim3A = vector.broadcast %jit3A : i32 to vector<16xi32>
      %select_n3A = arith.select %and3A, %get3A_72, %broadcast_in_dim3A : vector<16xi1>, vector<16xi32>
      %gather3A = tpu.vector_load_idx %arg6[%select_n3A] : memref<100001xf32, #tpu.memory_space<vmem>>[vector<16xi32>], vector<16xf32>,
      %swap3A = arith.index_cast %multiple_of3A_71 : i32 to index
      %swap3A_77 = tpu.vector_load %arg7[%swap3A] {strides = array<i32>} : memref<8192xf32, #tpu.memory_space<vmem>>, vector<16xf32>,
      tpu.vector_store %arg7[%swap3A], %gather3A {strides = array<i32>} : memref<8192xf32, #tpu.memory_space<vmem>>, vector<16xf32>,
      %mul3A_78 = arith.constant 256 : i32
      %mul3A_79 = arith.muli %scan3A_60, %mul3A_78 : i32
      %add3A_80 = arith.constant 0 : i32
      %add3A_81 = arith.addi %add3A_80, %mul3A_79 : i32
      %add3A_82 = arith.constant 16 : i32
      %add3A_83 = arith.addi %add3A_81, %add3A_82 : i32
      %multiple_of3A_84 = tpu.assume_multiple %add3A_83, 16 : i32
      %mul3A_85 = arith.constant 256 : i32
      %mul3A_86 = arith.muli %scan3A_60, %mul3A_85 : i32
      %add3A_87 = arith.constant 16 : i32
      %add3A_88 = arith.addi %mul3A_86, %add3A_87 : i32
      %multiple_of3A_89 = tpu.assume_multiple %add3A_88, 16 : i32
      %get3A_90 = arith.index_cast %multiple_of3A_84 : i32 to index
      %get3A_91 = tpu.vector_load %arg5[%get3A_90] {strides = array<i32>} : memref<16384xi32, #tpu.memory_space<vmem>>, vector<16xi32>,
      %ge3A_92 = arith.constant 1 : i32
      %ge3A_93 = vector.broadcast %ge3A_92 : i32 to vector<16xi32>
      %ge3A_94 = arith.cmpi sge, %get3A_91, %ge3A_93 : vector<16xi32>
      %le3A_95 = arith.constant 100000 : i32
      %le3A_96 = vector.broadcast %le3A_95 : i32 to vector<16xi32>
      %le3A_97 = arith.cmpi sle, %get3A_91, %le3A_96 : vector<16xi32>
      %and3A_98 = arith.andi %ge3A_94, %le3A_97 : vector<16xi1>
      %jit3A_99 = arith.constant 0 : i32
      %broadcast_in_dim3A_100 = vector.broadcast %jit3A_99 : i32 to vector<16xi32>
      %select_n3A_101 = arith.select %and3A_98, %get3A_91, %broadcast_in_dim3A_100 : vector<16xi1>, vector<16xi32>
      %gather3A_102 = tpu.vector_load_idx %arg6[%select_n3A_101] : memref<100001xf32, #tpu.memory_space<vmem>>[vector<16xi32>], vector<16xf32>,
      %swap3A_103 = arith.index_cast %multiple_of3A_89 : i32 to index
      %swap3A_104 = tpu.vector_load %arg7[%swap3A_103] {strides = array<i32>} : memref<8192xf32, #tpu.memory_space<vmem>>, vector<16xf32>,
      tpu.vector_store %arg7[%swap3A_103], %gather3A_102 {strides = array<i32>} : memref<8192xf32, #tpu.memory_space<vmem>>, vector<16xf32>,
      %mul3A_105 = arith.constant 256 : i32
      %mul3A_106 = arith.muli %scan3A_60, %mul3A_105 : i32
      %add3A_107 = arith.constant 0 : i32
      %add3A_108 = arith.addi %add3A_107, %mul3A_106 : i32
      %add3A_109 = arith.constant 32 : i32
      %add3A_110 = arith.addi %add3A_108, %add3A_109 : i32
      %multiple_of3A_111 = tpu.assume_multiple %add3A_110, 16 : i32
      %mul3A_112 = arith.constant 256 : i32
      %mul3A_113 = arith.muli %scan3A_60, %mul3A_112 : i32
      %add3A_114 = arith.constant 32 : i32
      %add3A_115 = arith.addi %mul3A_113, %add3A_114 : i32
      %multiple_of3A_116 = tpu.assume_multiple %add3A_115, 16 : i32
      %get3A_117 = arith.index_cast %multiple_of3A_111 : i32 to index
      %get3A_118 = tpu.vector_load %arg5[%get3A_117] {strides = array<i32>} : memref<16384xi32, #tpu.memory_space<vmem>>, vector<16xi32>,
      %ge3A_119 = arith.constant 1 : i32
      %ge3A_120 = vector.broadcast %ge3A_119 : i32 to vector<16xi32>
      %ge3A_121 = arith.cmpi sge, %get3A_118, %ge3A_120 : vector<16xi32>
      %le3A_122 = arith.constant 100000 : i32
      %le3A_123 = vector.broadcast %le3A_122 : i32 to vector<16xi32>
      %le3A_124 = arith.cmpi sle, %get3A_118, %le3A_123 : vector<16xi32>
      %and3A_125 = arith.andi %ge3A_121, %le3A_124 : vector<16xi1>
      %jit3A_126 = arith.constant 0 : i32
      %broadcast_in_dim3A_127 = vector.broadcast %jit3A_126 : i32 to vector<16xi32>
      %select_n3A_128 = arith.select %and3A_125, %get3A_118, %broadcast_in_dim3A_127 : vector<16xi1>, vector<16xi32>
      %gather3A_129 = tpu.vector_load_idx %arg6[%select_n3A_128] : memref<100001xf32, #tpu.memory_space<vmem>>[vector<16xi32>], vector<16xf32>,
      %swap3A_130 = arith.index_cast %multiple_of3A_116 : i32 to index
      %swap3A_131 = tpu.vector_load %arg7[%swap3A_130] {strides = array<i32>} : memref<8192xf32, #tpu.memory_space<vmem>>, vector<16xf32>,
      tpu.vector_store %arg7[%swap3A_130], %gather3A_129 {strides = array<i32>} : memref<8192xf32, #tpu.memory_space<vmem>>, vector<16xf32>,
      %mul3A_132 = arith.constant 256 : i32
      %mul3A_133 = arith.muli %scan3A_60, %mul3A_132 : i32
      %add3A_134 = arith.constant 0 : i32
      %add3A_135 = arith.addi %add3A_134, %mul3A_133 : i32
      %add3A_136 = arith.constant 48 : i32
      %add3A_137 = arith.addi %add3A_135, %add3A_136 : i32
      %multiple_of3A_138 = tpu.assume_multiple %add3A_137, 16 : i32
      %mul3A_139 = arith.constant 256 : i32
      %mul3A_140 = arith.muli %scan3A_60, %mul3A_139 : i32
      %add3A_141 = arith.constant 48 : i32
      %add3A_142 = arith.addi %mul3A_140, %add3A_141 : i32
      %multiple_of3A_143 = tpu.assume_multiple %add3A_142, 16 : i32
      %get3A_144 = arith.index_cast %multiple_of3A_138 : i32 to index
      %get3A_145 = tpu.vector_load %arg5[%get3A_144] {strides = array<i32>} : memref<16384xi32, #tpu.memory_space<vmem>>, vector<16xi32>,
      %ge3A_146 = arith.constant 1 : i32
      %ge3A_147 = vector.broadcast %ge3A_146 : i32 to vector<16xi32>
      %ge3A_148 = arith.cmpi sge, %get3A_145, %ge3A_147 : vector<16xi32>
      %le3A_149 = arith.constant 100000 : i32
      %le3A_150 = vector.broadcast %le3A_149 : i32 to vector<16xi32>
      %le3A_151 = arith.cmpi sle, %get3A_145, %le3A_150 : vector<16xi32>
      %and3A_152 = arith.andi %ge3A_148, %le3A_151 : vector<16xi1>
      %jit3A_153 = arith.constant 0 : i32
      %broadcast_in_dim3A_154 = vector.broadcast %jit3A_153 : i32 to vector<16xi32>
      %select_n3A_155 = arith.select %and3A_152, %get3A_145, %broadcast_in_dim3A_154 : vector<16xi1>, vector<16xi32>
      %gather3A_156 = tpu.vector_load_idx %arg6[%select_n3A_155] : memref<100001xf32, #tpu.memory_space<vmem>>[vector<16xi32>], vector<16xf32>,
      %swap3A_157 = arith.index_cast %multiple_of3A_143 : i32 to index
      %swap3A_158 = tpu.vector_load %arg7[%swap3A_157] {strides = array<i32>} : memref<8192xf32, #tpu.memory_space<vmem>>, vector<16xf32>,
      tpu.vector_store %arg7[%swap3A_157], %gather3A_156 {strides = array<i32>} : memref<8192xf32, #tpu.memory_space<vmem>>, vector<16xf32>,
      %mul3A_159 = arith.constant 256 : i32
      %mul3A_160 = arith.muli %scan3A_60, %mul3A_159 : i32
      %add3A_161 = arith.constant 0 : i32
      %add3A_162 = arith.addi %add3A_161, %mul3A_160 : i32
      %add3A_163 = arith.constant 64 : i32
      %add3A_164 = arith.addi %add3A_162, %add3A_163 : i32
      %multiple_of3A_165 = tpu.assume_multiple %add3A_164, 16 : i32
      %mul3A_166 = arith.constant 256 : i32
      %mul3A_167 = arith.muli %scan3A_60, %mul3A_166 : i32
      %add3A_168 = arith.constant 64 : i32
      %add3A_169 = arith.addi %mul3A_167, %add3A_168 : i32
      %multiple_of3A_170 = tpu.assume_multiple %add3A_169, 16 : i32
      %get3A_171 = arith.index_cast %multiple_of3A_165 : i32 to index
      %get3A_172 = tpu.vector_load %arg5[%get3A_171] {strides = array<i32>} : memref<16384xi32, #tpu.memory_space<vmem>>, vector<16xi32>,
      %ge3A_173 = arith.constant 1 : i32
      %ge3A_174 = vector.broadcast %ge3A_173 : i32 to vector<16xi32>
      %ge3A_175 = arith.cmpi sge, %get3A_172, %ge3A_174 : vector<16xi32>
      %le3A_176 = arith.constant 100000 : i32
      %le3A_177 = vector.broadcast %le3A_176 : i32 to vector<16xi32>
      %le3A_178 = arith.cmpi sle, %get3A_172, %le3A_177 : vector<16xi32>
      %and3A_179 = arith.andi %ge3A_175, %le3A_178 : vector<16xi1>
      %jit3A_180 = arith.constant 0 : i32
      %broadcast_in_dim3A_181 = vector.broadcast %jit3A_180 : i32 to vector<16xi32>
      %select_n3A_182 = arith.select %and3A_179, %get3A_172, %broadcast_in_dim3A_181 : vector<16xi1>, vector<16xi32>
      %gather3A_183 = tpu.vector_load_idx %arg6[%select_n3A_182] : memref<100001xf32, #tpu.memory_space<vmem>>[vector<16xi32>], vector<16xf32>,
      %swap3A_184 = arith.index_cast %multiple_of3A_170 : i32 to index
      %swap3A_185 = tpu.vector_load %arg7[%swap3A_184] {strides = array<i32>} : memref<8192xf32, #tpu.memory_space<vmem>>, vector<16xf32>,
      tpu.vector_store %arg7[%swap3A_184], %gather3A_183 {strides = array<i32>} : memref<8192xf32, #tpu.memory_space<vmem>>, vector<16xf32>,
      %mul3A_186 = arith.constant 256 : i32
      %mul3A_187 = arith.muli %scan3A_60, %mul3A_186 : i32
      %add3A_188 = arith.constant 0 : i32
      %add3A_189 = arith.addi %add3A_188, %mul3A_187 : i32
      %add3A_190 = arith.constant 80 : i32
      %add3A_191 = arith.addi %add3A_189, %add3A_190 : i32
      %multiple_of3A_192 = tpu.assume_multiple %add3A_191, 16 : i32
      %mul3A_193 = arith.constant 256 : i32
      %mul3A_194 = arith.muli %scan3A_60, %mul3A_193 : i32
      %add3A_195 = arith.constant 80 : i32
      %add3A_196 = arith.addi %mul3A_194, %add3A_195 : i32
      %multiple_of3A_197 = tpu.assume_multiple %add3A_196, 16 : i32
      %get3A_198 = arith.index_cast %multiple_of3A_192 : i32 to index
      %get3A_199 = tpu.vector_load %arg5[%get3A_198] {strides = array<i32>} : memref<16384xi32, #tpu.memory_space<vmem>>, vector<16xi32>,
      %ge3A_200 = arith.constant 1 : i32
      %ge3A_201 = vector.broadcast %ge3A_200 : i32 to vector<16xi32>
      %ge3A_202 = arith.cmpi sge, %get3A_199, %ge3A_201 : vector<16xi32>
      %le3A_203 = arith.constant 100000 : i32
      %le3A_204 = vector.broadcast %le3A_203 : i32 to vector<16xi32>
      %le3A_205 = arith.cmpi sle, %get3A_199, %le3A_204 : vector<16xi32>
      %and3A_206 = arith.andi %ge3A_202, %le3A_205 : vector<16xi1>
      %jit3A_207 = arith.constant 0 : i32
      %broadcast_in_dim3A_208 = vector.broadcast %jit3A_207 : i32 to vector<16xi32>
      %select_n3A_209 = arith.select %and3A_206, %get3A_199, %broadcast_in_dim3A_208 : vector<16xi1>, vector<16xi32>
      %gather3A_210 = tpu.vector_load_idx %arg6[%select_n3A_209] : memref<100001xf32, #tpu.memory_space<vmem>>[vector<16xi32>], vector<16xf32>,
      %swap3A_211 = arith.index_cast %multiple_of3A_197 : i32 to index
      %swap3A_212 = tpu.vector_load %arg7[%swap3A_211] {strides = array<i32>} : memref<8192xf32, #tpu.memory_space<vmem>>, vector<16xf32>,
      tpu.vector_store %arg7[%swap3A_211], %gather3A_210 {strides = array<i32>} : memref<8192xf32, #tpu.memory_space<vmem>>, vector<16xf32>,
      %mul3A_213 = arith.constant 256 : i32
      %mul3A_214 = arith.muli %scan3A_60, %mul3A_213 : i32
      %add3A_215 = arith.constant 0 : i32
      %add3A_216 = arith.addi %add3A_215, %mul3A_214 : i32
      %add3A_217 = arith.constant 96 : i32
      %add3A_218 = arith.addi %add3A_216, %add3A_217 : i32
      %multiple_of3A_219 = tpu.assume_multiple %add3A_218, 16 : i32
      %mul3A_220 = arith.constant 256 : i32
      %mul3A_221 = arith.muli %scan3A_60, %mul3A_220 : i32
      %add3A_222 = arith.constant 96 : i32
      %add3A_223 = arith.addi %mul3A_221, %add3A_222 : i32
      %multiple_of3A_224 = tpu.assume_multiple %add3A_223, 16 : i32
      %get3A_225 = arith.index_cast %multiple_of3A_219 : i32 to index
      %get3A_226 = tpu.vector_load %arg5[%get3A_225] {strides = array<i32>} : memref<16384xi32, #tpu.memory_space<vmem>>, vector<16xi32>,
      %ge3A_227 = arith.constant 1 : i32
      %ge3A_228 = vector.broadcast %ge3A_227 : i32 to vector<16xi32>
      %ge3A_229 = arith.cmpi sge, %get3A_226, %ge3A_228 : vector<16xi32>
      %le3A_230 = arith.constant 100000 : i32
      %le3A_231 = vector.broadcast %le3A_230 : i32 to vector<16xi32>
      %le3A_232 = arith.cmpi sle, %get3A_226, %le3A_231 : vector<16xi32>
      %and3A_233 = arith.andi %ge3A_229, %le3A_232 : vector<16xi1>
      %jit3A_234 = arith.constant 0 : i32
      %broadcast_in_dim3A_235 = vector.broadcast %jit3A_234 : i32 to vector<16xi32>
      %select_n3A_236 = arith.select %and3A_233, %get3A_226, %broadcast_in_dim3A_235 : vector<16xi1>, vector<16xi32>
      %gather3A_237 = tpu.vector_load_idx %arg6[%select_n3A_236] : memref<100001xf32, #tpu.memory_space<vmem>>[vector<16xi32>], vector<16xf32>,
      %swap3A_238 = arith.index_cast %multiple_of3A_224 : i32 to index
      %swap3A_239 = tpu.vector_load %arg7[%swap3A_238] {strides = array<i32>} : memref<8192xf32, #tpu.memory_space<vmem>>, vector<16xf32>,
      tpu.vector_store %arg7[%swap3A_238], %gather3A_237 {strides = array<i32>} : memref<8192xf32, #tpu.memory_space<vmem>>, vector<16xf32>,
      %mul3A_240 = arith.constant 256 : i32
      %mul3A_241 = arith.muli %scan3A_60, %mul3A_240 : i32
      %add3A_242 = arith.constant 0 : i32
      %add3A_243 = arith.addi %add3A_242, %mul3A_241 : i32
      %add3A_244 = arith.constant 112 : i32
      %add3A_245 = arith.addi %add3A_243, %add3A_244 : i32
      %multiple_of3A_246 = tpu.assume_multiple %add3A_245, 16 : i32
      %mul3A_247 = arith.constant 256 : i32
      %mul3A_248 = arith.muli %scan3A_60, %mul3A_247 : i32
      %add3A_249 = arith.constant 112 : i32
      %add3A_250 = arith.addi %mul3A_248, %add3A_249 : i32
      %multiple_of3A_251 = tpu.assume_multiple %add3A_250, 16 : i32
      %get3A_252 = arith.index_cast %multiple_of3A_246 : i32 to index
      %get3A_253 = tpu.vector_load %arg5[%get3A_252] {strides = array<i32>} : memref<16384xi32, #tpu.memory_space<vmem>>, vector<16xi32>,
      %ge3A_254 = arith.constant 1 : i32
      %ge3A_255 = vector.broadcast %ge3A_254 : i32 to vector<16xi32>
      %ge3A_256 = arith.cmpi sge, %get3A_253, %ge3A_255 : vector<16xi32>
      %le3A_257 = arith.constant 100000 : i32
      %le3A_258 = vector.broadcast %le3A_257 : i32 to vector<16xi32>
      %le3A_259 = arith.cmpi sle, %get3A_253, %le3A_258 : vector<16xi32>
      %and3A_260 = arith.andi %ge3A_256, %le3A_259 : vector<16xi1>
      %jit3A_261 = arith.constant 0 : i32
      %broadcast_in_dim3A_262 = vector.broadcast %jit3A_261 : i32 to vector<16xi32>
      %select_n3A_263 = arith.select %and3A_260, %get3A_253, %broadcast_in_dim3A_262 : vector<16xi1>, vector<16xi32>
      %gather3A_264 = tpu.vector_load_idx %arg6[%select_n3A_263] : memref<100001xf32, #tpu.memory_space<vmem>>[vector<16xi32>], vector<16xf32>,
      %swap3A_265 = arith.index_cast %multiple_of3A_251 : i32 to index
      %swap3A_266 = tpu.vector_load %arg7[%swap3A_265] {strides = array<i32>} : memref<8192xf32, #tpu.memory_space<vmem>>, vector<16xf32>,
      tpu.vector_store %arg7[%swap3A_265], %gather3A_264 {strides = array<i32>} : memref<8192xf32, #tpu.memory_space<vmem>>, vector<16xf32>,
      %mul3A_267 = arith.constant 256 : i32
      %mul3A_268 = arith.muli %scan3A_60, %mul3A_267 : i32
      %add3A_269 = arith.constant 0 : i32
      %add3A_270 = arith.addi %add3A_269, %mul3A_268 : i32
      %add3A_271 = arith.constant 128 : i32
      %add3A_272 = arith.addi %add3A_270, %add3A_271 : i32
      %multiple_of3A_273 = tpu.assume_multiple %add3A_272, 16 : i32
      %mul3A_274 = arith.constant 256 : i32
      %mul3A_275 = arith.muli %scan3A_60, %mul3A_274 : i32
      %add3A_276 = arith.constant 128 : i32
      %add3A_277 = arith.addi %mul3A_275, %add3A_276 : i32
      %multiple_of3A_278 = tpu.assume_multiple %add3A_277, 16 : i32
      %get3A_279 = arith.index_cast %multiple_of3A_273 : i32 to index
      %get3A_280 = tpu.vector_load %arg5[%get3A_279] {strides = array<i32>} : memref<16384xi32, #tpu.memory_space<vmem>>, vector<16xi32>,
      %ge3A_281 = arith.constant 1 : i32
      %ge3A_282 = vector.broadcast %ge3A_281 : i32 to vector<16xi32>
      %ge3A_283 = arith.cmpi sge, %get3A_280, %ge3A_282 : vector<16xi32>
      %le3A_284 = arith.constant 100000 : i32
      %le3A_285 = vector.broadcast %le3A_284 : i32 to vector<16xi32>
      %le3A_286 = arith.cmpi sle, %get3A_280, %le3A_285 : vector<16xi32>
      %and3A_287 = arith.andi %ge3A_283, %le3A_286 : vector<16xi1>
      %jit3A_288 = arith.constant 0 : i32
      %broadcast_in_dim3A_289 = vector.broadcast %jit3A_288 : i32 to vector<16xi32>
      %select_n3A_290 = arith.select %and3A_287, %get3A_280, %broadcast_in_dim3A_289 : vector<16xi1>, vector<16xi32>
      %gather3A_291 = tpu.vector_load_idx %arg6[%select_n3A_290] : memref<100001xf32, #tpu.memory_space<vmem>>[vector<16xi32>], vector<16xf32>,
      %swap3A_292 = arith.index_cast %multiple_of3A_278 : i32 to index
      %swap3A_293 = tpu.vector_load %arg7[%swap3A_292] {strides = array<i32>} : memref<8192xf32, #tpu.memory_space<vmem>>, vector<16xf32>,
      tpu.vector_store %arg7[%swap3A_292], %gather3A_291 {strides = array<i32>} : memref<8192xf32, #tpu.memory_space<vmem>>, vector<16xf32>,
      %mul3A_294 = arith.constant 256 : i32
      %mul3A_295 = arith.muli %scan3A_60, %mul3A_294 : i32
      %add3A_296 = arith.constant 0 : i32
      %add3A_297 = arith.addi %add3A_296, %mul3A_295 : i32
      %add3A_298 = arith.constant 144 : i32
      %add3A_299 = arith.addi %add3A_297, %add3A_298 : i32
      %multiple_of3A_300 = tpu.assume_multiple %add3A_299, 16 : i32
      %mul3A_301 = arith.constant 256 : i32
      %mul3A_302 = arith.muli %scan3A_60, %mul3A_301 : i32
      %add3A_303 = arith.constant 144 : i32
      %add3A_304 = arith.addi %mul3A_302, %add3A_303 : i32
      %multiple_of3A_305 = tpu.assume_multiple %add3A_304, 16 : i32
      %get3A_306 = arith.index_cast %multiple_of3A_300 : i32 to index
      %get3A_307 = tpu.vector_load %arg5[%get3A_306] {strides = array<i32>} : memref<16384xi32, #tpu.memory_space<vmem>>, vector<16xi32>,
      %ge3A_308 = arith.constant 1 : i32
      %ge3A_309 = vector.broadcast %ge3A_308 : i32 to vector<16xi32>
      %ge3A_310 = arith.cmpi sge, %get3A_307, %ge3A_309 : vector<16xi32>
      %le3A_311 = arith.constant 100000 : i32
      %le3A_312 = vector.broadcast %le3A_311 : i32 to vector<16xi32>
      %le3A_313 = arith.cmpi sle, %get3A_307, %le3A_312 : vector<16xi32>
      %and3A_314 = arith.andi %ge3A_310, %le3A_313 : vector<16xi1>
      %jit3A_315 = arith.constant 0 : i32
      %broadcast_in_dim3A_316 = vector.broadcast %jit3A_315 : i32 to vector<16xi32>
      %select_n3A_317 = arith.select %and3A_314, %get3A_307, %broadcast_in_dim3A_316 : vector<16xi1>, vector<16xi32>
      %gather3A_318 = tpu.vector_load_idx %arg6[%select_n3A_317] : memref<100001xf32, #tpu.memory_space<vmem>>[vector<16xi32>], vector<16xf32>,
      %swap3A_319 = arith.index_cast %multiple_of3A_305 : i32 to index
      %swap3A_320 = tpu.vector_load %arg7[%swap3A_319] {strides = array<i32>} : memref<8192xf32, #tpu.memory_space<vmem>>, vector<16xf32>,
      tpu.vector_store %arg7[%swap3A_319], %gather3A_318 {strides = array<i32>} : memref<8192xf32, #tpu.memory_space<vmem>>, vector<16xf32>,
      %mul3A_321 = arith.constant 256 : i32
      %mul3A_322 = arith.muli %scan3A_60, %mul3A_321 : i32
      %add3A_323 = arith.constant 0 : i32
      %add3A_324 = arith.addi %add3A_323, %mul3A_322 : i32
      %add3A_325 = arith.constant 160 : i32
      %add3A_326 = arith.addi %add3A_324, %add3A_325 : i32
      %multiple_of3A_327 = tpu.assume_multiple %add3A_326, 16 : i32
      %mul3A_328 = arith.constant 256 : i32
      %mul3A_329 = arith.muli %scan3A_60, %mul3A_328 : i32
      %add3A_330 = arith.constant 160 : i32
      %add3A_331 = arith.addi %mul3A_329, %add3A_330 : i32
      %multiple_of3A_332 = tpu.assume_multiple %add3A_331, 16 : i32
      %get3A_333 = arith.index_cast %multiple_of3A_327 : i32 to index
      %get3A_334 = tpu.vector_load %arg5[%get3A_333] {strides = array<i32>} : memref<16384xi32, #tpu.memory_space<vmem>>, vector<16xi32>,
      %ge3A_335 = arith.constant 1 : i32
      %ge3A_336 = vector.broadcast %ge3A_335 : i32 to vector<16xi32>
      %ge3A_337 = arith.cmpi sge, %get3A_334, %ge3A_336 : vector<16xi32>
      %le3A_338 = arith.constant 100000 : i32
      %le3A_339 = vector.broadcast %le3A_338 : i32 to vector<16xi32>
      %le3A_340 = arith.cmpi sle, %get3A_334, %le3A_339 : vector<16xi32>
      %and3A_341 = arith.andi %ge3A_337, %le3A_340 : vector<16xi1>
      %jit3A_342 = arith.constant 0 : i32
      %broadcast_in_dim3A_343 = vector.broadcast %jit3A_342 : i32 to vector<16xi32>
      %select_n3A_344 = arith.select %and3A_341, %get3A_334, %broadcast_in_dim3A_343 : vector<16xi1>, vector<16xi32>
      %gather3A_345 = tpu.vector_load_idx %arg6[%select_n3A_344] : memref<100001xf32, #tpu.memory_space<vmem>>[vector<16xi32>], vector<16xf32>,
      %swap3A_346 = arith.index_cast %multiple_of3A_332 : i32 to index
      %swap3A_347 = tpu.vector_load %arg7[%swap3A_346] {strides = array<i32>} : memref<8192xf32, #tpu.memory_space<vmem>>, vector<16xf32>,
      tpu.vector_store %arg7[%swap3A_346], %gather3A_345 {strides = array<i32>} : memref<8192xf32, #tpu.memory_space<vmem>>, vector<16xf32>,
      %mul3A_348 = arith.constant 256 : i32
      %mul3A_349 = arith.muli %scan3A_60, %mul3A_348 : i32
      %add3A_350 = arith.constant 0 : i32
      %add3A_351 = arith.addi %add3A_350, %mul3A_349 : i32
      %add3A_352 = arith.constant 176 : i32
      %add3A_353 = arith.addi %add3A_351, %add3A_352 : i32
      %multiple_of3A_354 = tpu.assume_multiple %add3A_353, 16 : i32
      %mul3A_355 = arith.constant 256 : i32
      %mul3A_356 = arith.muli %scan3A_60, %mul3A_355 : i32
      %add3A_357 = arith.constant 176 : i32
      %add3A_358 = arith.addi %mul3A_356, %add3A_357 : i32
      %multiple_of3A_359 = tpu.assume_multiple %add3A_358, 16 : i32
      %get3A_360 = arith.index_cast %multiple_of3A_354 : i32 to index
      %get3A_361 = tpu.vector_load %arg5[%get3A_360] {strides = array<i32>} : memref<16384xi32, #tpu.memory_space<vmem>>, vector<16xi32>,
      %ge3A_362 = arith.constant 1 : i32
      %ge3A_363 = vector.broadcast %ge3A_362 : i32 to vector<16xi32>
      %ge3A_364 = arith.cmpi sge, %get3A_361, %ge3A_363 : vector<16xi32>
      %le3A_365 = arith.constant 100000 : i32
      %le3A_366 = vector.broadcast %le3A_365 : i32 to vector<16xi32>
      %le3A_367 = arith.cmpi sle, %get3A_361, %le3A_366 : vector<16xi32>
      %and3A_368 = arith.andi %ge3A_364, %le3A_367 : vector<16xi1>
      %jit3A_369 = arith.constant 0 : i32
      %broadcast_in_dim3A_370 = vector.broadcast %jit3A_369 : i32 to vector<16xi32>
      %select_n3A_371 = arith.select %and3A_368, %get3A_361, %broadcast_in_dim3A_370 : vector<16xi1>, vector<16xi32>
      %gather3A_372 = tpu.vector_load_idx %arg6[%select_n3A_371] : memref<100001xf32, #tpu.memory_space<vmem>>[vector<16xi32>], vector<16xf32>,
      %swap3A_373 = arith.index_cast %multiple_of3A_359 : i32 to index
      %swap3A_374 = tpu.vector_load %arg7[%swap3A_373] {strides = array<i32>} : memref<8192xf32, #tpu.memory_space<vmem>>, vector<16xf32>,
      tpu.vector_store %arg7[%swap3A_373], %gather3A_372 {strides = array<i32>} : memref<8192xf32, #tpu.memory_space<vmem>>, vector<16xf32>,
      %mul3A_375 = arith.constant 256 : i32
      %mul3A_376 = arith.muli %scan3A_60, %mul3A_375 : i32
      %add3A_377 = arith.constant 0 : i32
      %add3A_378 = arith.addi %add3A_377, %mul3A_376 : i32
      %add3A_379 = arith.constant 192 : i32
      %add3A_380 = arith.addi %add3A_378, %add3A_379 : i32
      %multiple_of3A_381 = tpu.assume_multiple %add3A_380, 16 : i32
      %mul3A_382 = arith.constant 256 : i32
      %mul3A_383 = arith.muli %scan3A_60, %mul3A_382 : i32
      %add3A_384 = arith.constant 192 : i32
      %add3A_385 = arith.addi %mul3A_383, %add3A_384 : i32
      %multiple_of3A_386 = tpu.assume_multiple %add3A_385, 16 : i32
      %get3A_387 = arith.index_cast %multiple_of3A_381 : i32 to index
      %get3A_388 = tpu.vector_load %arg5[%get3A_387] {strides = array<i32>} : memref<16384xi32, #tpu.memory_space<vmem>>, vector<16xi32>,
      %ge3A_389 = arith.constant 1 : i32
      %ge3A_390 = vector.broadcast %ge3A_389 : i32 to vector<16xi32>
      %ge3A_391 = arith.cmpi sge, %get3A_388, %ge3A_390 : vector<16xi32>
      %le3A_392 = arith.constant 100000 : i32
      %le3A_393 = vector.broadcast %le3A_392 : i32 to vector<16xi32>
      %le3A_394 = arith.cmpi sle, %get3A_388, %le3A_393 : vector<16xi32>
      %and3A_395 = arith.andi %ge3A_391, %le3A_394 : vector<16xi1>
      %jit3A_396 = arith.constant 0 : i32
      %broadcast_in_dim3A_397 = vector.broadcast %jit3A_396 : i32 to vector<16xi32>
      %select_n3A_398 = arith.select %and3A_395, %get3A_388, %broadcast_in_dim3A_397 : vector<16xi1>, vector<16xi32>
      %gather3A_399 = tpu.vector_load_idx %arg6[%select_n3A_398] : memref<100001xf32, #tpu.memory_space<vmem>>[vector<16xi32>], vector<16xf32>,
      %swap3A_400 = arith.index_cast %multiple_of3A_386 : i32 to index
      %swap3A_401 = tpu.vector_load %arg7[%swap3A_400] {strides = array<i32>} : memref<8192xf32, #tpu.memory_space<vmem>>, vector<16xf32>,
      tpu.vector_store %arg7[%swap3A_400], %gather3A_399 {strides = array<i32>} : memref<8192xf32, #tpu.memory_space<vmem>>, vector<16xf32>,
      %mul3A_402 = arith.constant 256 : i32
      %mul3A_403 = arith.muli %scan3A_60, %mul3A_402 : i32
      %add3A_404 = arith.constant 0 : i32
      %add3A_405 = arith.addi %add3A_404, %mul3A_403 : i32
      %add3A_406 = arith.constant 208 : i32
      %add3A_407 = arith.addi %add3A_405, %add3A_406 : i32
      %multiple_of3A_408 = tpu.assume_multiple %add3A_407, 16 : i32
      %mul3A_409 = arith.constant 256 : i32
      %mul3A_410 = arith.muli %scan3A_60, %mul3A_409 : i32
      %add3A_411 = arith.constant 208 : i32
      %add3A_412 = arith.addi %mul3A_410, %add3A_411 : i32
      %multiple_of3A_413 = tpu.assume_multiple %add3A_412, 16 : i32
      %get3A_414 = arith.index_cast %multiple_of3A_408 : i32 to index
      %get3A_415 = tpu.vector_load %arg5[%get3A_414] {strides = array<i32>} : memref<16384xi32, #tpu.memory_space<vmem>>, vector<16xi32>,
      %ge3A_416 = arith.constant 1 : i32
      %ge3A_417 = vector.broadcast %ge3A_416 : i32 to vector<16xi32>
      %ge3A_418 = arith.cmpi sge, %get3A_415, %ge3A_417 : vector<16xi32>
      %le3A_419 = arith.constant 100000 : i32
      %le3A_420 = vector.broadcast %le3A_419 : i32 to vector<16xi32>
      %le3A_421 = arith.cmpi sle, %get3A_415, %le3A_420 : vector<16xi32>
      %and3A_422 = arith.andi %ge3A_418, %le3A_421 : vector<16xi1>
      %jit3A_423 = arith.constant 0 : i32
      %broadcast_in_dim3A_424 = vector.broadcast %jit3A_423 : i32 to vector<16xi32>
      %select_n3A_425 = arith.select %and3A_422, %get3A_415, %broadcast_in_dim3A_424 : vector<16xi1>, vector<16xi32>
      %gather3A_426 = tpu.vector_load_idx %arg6[%select_n3A_425] : memref<100001xf32, #tpu.memory_space<vmem>>[vector<16xi32>], vector<16xf32>,
      %swap3A_427 = arith.index_cast %multiple_of3A_413 : i32 to index
      %swap3A_428 = tpu.vector_load %arg7[%swap3A_427] {strides = array<i32>} : memref<8192xf32, #tpu.memory_space<vmem>>, vector<16xf32>,
      tpu.vector_store %arg7[%swap3A_427], %gather3A_426 {strides = array<i32>} : memref<8192xf32, #tpu.memory_space<vmem>>, vector<16xf32>,
      %mul3A_429 = arith.constant 256 : i32
      %mul3A_430 = arith.muli %scan3A_60, %mul3A_429 : i32
      %add3A_431 = arith.constant 0 : i32
      %add3A_432 = arith.addi %add3A_431, %mul3A_430 : i32
      %add3A_433 = arith.constant 224 : i32
      %add3A_434 = arith.addi %add3A_432, %add3A_433 : i32
      %multiple_of3A_435 = tpu.assume_multiple %add3A_434, 16 : i32
      %mul3A_436 = arith.constant 256 : i32
      %mul3A_437 = arith.muli %scan3A_60, %mul3A_436 : i32
      %add3A_438 = arith.constant 224 : i32
      %add3A_439 = arith.addi %mul3A_437, %add3A_438 : i32
      %multiple_of3A_440 = tpu.assume_multiple %add3A_439, 16 : i32
      %get3A_441 = arith.index_cast %multiple_of3A_435 : i32 to index
      %get3A_442 = tpu.vector_load %arg5[%get3A_441] {strides = array<i32>} : memref<16384xi32, #tpu.memory_space<vmem>>, vector<16xi32>,
      %ge3A_443 = arith.constant 1 : i32
      %ge3A_444 = vector.broadcast %ge3A_443 : i32 to vector<16xi32>
      %ge3A_445 = arith.cmpi sge, %get3A_442, %ge3A_444 : vector<16xi32>
      %le3A_446 = arith.constant 100000 : i32
      %le3A_447 = vector.broadcast %le3A_446 : i32 to vector<16xi32>
      %le3A_448 = arith.cmpi sle, %get3A_442, %le3A_447 : vector<16xi32>
      %and3A_449 = arith.andi %ge3A_445, %le3A_448 : vector<16xi1>
      %jit3A_450 = arith.constant 0 : i32
      %broadcast_in_dim3A_451 = vector.broadcast %jit3A_450 : i32 to vector<16xi32>
      %select_n3A_452 = arith.select %and3A_449, %get3A_442, %broadcast_in_dim3A_451 : vector<16xi1>, vector<16xi32>
      %gather3A_453 = tpu.vector_load_idx %arg6[%select_n3A_452] : memref<100001xf32, #tpu.memory_space<vmem>>[vector<16xi32>], vector<16xf32>,
      %swap3A_454 = arith.index_cast %multiple_of3A_440 : i32 to index
      %swap3A_455 = tpu.vector_load %arg7[%swap3A_454] {strides = array<i32>} : memref<8192xf32, #tpu.memory_space<vmem>>, vector<16xf32>,
      tpu.vector_store %arg7[%swap3A_454], %gather3A_453 {strides = array<i32>} : memref<8192xf32, #tpu.memory_space<vmem>>, vector<16xf32>,
      %mul3A_456 = arith.constant 256 : i32
      %mul3A_457 = arith.muli %scan3A_60, %mul3A_456 : i32
      %add3A_458 = arith.constant 0 : i32
      %add3A_459 = arith.addi %add3A_458, %mul3A_457 : i32
      %add3A_460 = arith.constant 240 : i32
      %add3A_461 = arith.addi %add3A_459, %add3A_460 : i32
      %multiple_of3A_462 = tpu.assume_multiple %add3A_461, 16 : i32
      %mul3A_463 = arith.constant 256 : i32
      %mul3A_464 = arith.muli %scan3A_60, %mul3A_463 : i32
      %add3A_465 = arith.constant 240 : i32
      %add3A_466 = arith.addi %mul3A_464, %add3A_465 : i32
      %multiple_of3A_467 = tpu.assume_multiple %add3A_466, 16 : i32
      %get3A_468 = arith.index_cast %multiple_of3A_462 : i32 to index
      %get3A_469 = tpu.vector_load %arg5[%get3A_468] {strides = array<i32>} : memref<16384xi32, #tpu.memory_space<vmem>>, vector<16xi32>,
      %ge3A_470 = arith.constant 1 : i32
      %ge3A_471 = vector.broadcast %ge3A_470 : i32 to vector<16xi32>
      %ge3A_472 = arith.cmpi sge, %get3A_469, %ge3A_471 : vector<16xi32>
      %le3A_473 = arith.constant 100000 : i32
      %le3A_474 = vector.broadcast %le3A_473 : i32 to vector<16xi32>
      %le3A_475 = arith.cmpi sle, %get3A_469, %le3A_474 : vector<16xi32>
      %and3A_476 = arith.andi %ge3A_472, %le3A_475 : vector<16xi1>
      %jit3A_477 = arith.constant 0 : i32
      %broadcast_in_dim3A_478 = vector.broadcast %jit3A_477 : i32 to vector<16xi32>
      %select_n3A_479 = arith.select %and3A_476, %get3A_469, %broadcast_in_dim3A_478 : vector<16xi1>, vector<16xi32>
      %gather3A_480 = tpu.vector_load_idx %arg6[%select_n3A_479] : memref<100001xf32, #tpu.memory_space<vmem>>[vector<16xi32>], vector<16xf32>,
      %swap3A_481 = arith.index_cast %multiple_of3A_467 : i32 to index
      %swap3A_482 = tpu.vector_load %arg7[%swap3A_481] {strides = array<i32>} : memref<8192xf32, #tpu.memory_space<vmem>>, vector<16xf32>,
      tpu.vector_store %arg7[%swap3A_481], %gather3A_480 {strides = array<i32>} : memref<8192xf32, #tpu.memory_space<vmem>>, vector<16xf32>,
    }
    %scan3A_23 = arith.constant 32 : i32
    "tpu.region"() ({
      %run_scoped3A = tpu.sem_alloc : memref<!tpu.dma_semaphore, #tpu.memory_space<semaphore_mem>>
      %dma_start3A_60 = arith.constant 0 : i32
      %dma_start3A_61 = tpu.memref_slice %arg4[%add3A_13, %dma_start3A_60] : memref<64x16384xf32, #tpu.memory_space<hbm>> -> memref<1x16384xf32, #tpu.memory_space<hbm>>
      %dma_start3A_62 = tpu.memref_squeeze %dma_start3A_61 : memref<1x16384xf32, #tpu.memory_space<hbm>> -> memref<16384xf32, #tpu.memory_space<hbm>>
      %dma_start3A_63 = arith.constant 0 : i32
      %dma_start3A_64 = tpu.memref_slice %dma_start3A_62[%dma_start3A_63] : memref<16384xf32, #tpu.memory_space<hbm>> -> memref<8192xf32, #tpu.memory_space<hbm>>
      %dma_start3A_65 = arith.constant 0 : i32
      %dma_start3A_66 = tpu.memref_slice %arg4[%add3A_13, %dma_start3A_65] : memref<64x16384xf32, #tpu.memory_space<hbm>> -> memref<1x16384xf32, #tpu.memory_space<hbm>>
      %dma_start3A_67 = tpu.memref_squeeze %dma_start3A_66 : memref<1x16384xf32, #tpu.memory_space<hbm>> -> memref<16384xf32, #tpu.memory_space<hbm>>
      %dma_start3A_68 = arith.constant 0 : i32
      %dma_start3A_69 = tpu.memref_slice %dma_start3A_67[%dma_start3A_68] : memref<16384xf32, #tpu.memory_space<hbm>> -> memref<8192xf32, #tpu.memory_space<hbm>>
      tpu.enqueue_dma source(%arg7 : memref<8192xf32, #tpu.memory_space<vmem>>) target(%dma_start3A_69 : memref<8192xf32, #tpu.memory_space<hbm>>) target_semaphore(%run_scoped3A : memref<!tpu.dma_semaphore, #tpu.memory_space<semaphore_mem>>)
      %dma_wait3A_70 = arith.constant 0 : i32
      %dma_wait3A_71 = tpu.memref_slice %arg4[%add3A_13, %dma_wait3A_70] : memref<64x16384xf32, #tpu.memory_space<hbm>> -> memref<1x16384xf32, #tpu.memory_space<hbm>>
      %dma_wait3A_72 = tpu.memref_squeeze %dma_wait3A_71 : memref<1x16384xf32, #tpu.memory_space<hbm>> -> memref<16384xf32, #tpu.memory_space<hbm>>
      %dma_wait3A_73 = arith.constant 0 : i32
      %dma_wait3A_74 = tpu.memref_slice %dma_wait3A_72[%dma_wait3A_73] : memref<16384xf32, #tpu.memory_space<hbm>> -> memref<8192xf32, #tpu.memory_space<hbm>>
      %dma_wait3A_75 = arith.constant 0 : i32
      %dma_wait3A_76 = tpu.memref_slice %arg4[%add3A_13, %dma_wait3A_75] : memref<64x16384xf32, #tpu.memory_space<hbm>> -> memref<1x16384xf32, #tpu.memory_space<hbm>>
      %dma_wait3A_77 = tpu.memref_squeeze %dma_wait3A_76 : memref<1x16384xf32, #tpu.memory_space<hbm>> -> memref<16384xf32, #tpu.memory_space<hbm>>
      %dma_wait3A_78 = arith.constant 0 : i32
      %dma_wait3A_79 = tpu.memref_slice %dma_wait3A_77[%dma_wait3A_78] : memref<16384xf32, #tpu.memory_space<hbm>> -> memref<8192xf32, #tpu.memory_space<hbm>>
      tpu.wait_dma2 semaphore(%run_scoped3A : memref<!tpu.dma_semaphore, #tpu.memory_space<semaphore_mem>>) src(%arg7 : memref<8192xf32, #tpu.memory_space<vmem>>) dst(%dma_wait3A_79 : memref<8192xf32, #tpu.memory_space<hbm>>)
      tpu.yield
    }) : () -> ()
    %scan3A_24 = arith.constant 0 : i32
    %scan3A_25 = arith.constant 0 : i32
    %scan3A_26 = arith.constant 32 : i32
    %scan3A_27 = arith.addi %scan3A_25, %scan3A_26 : i32
    %scan3A_28 = arith.constant 1 : i32
    scf.for %scan3A_60 = %scan3A_25 to %scan3A_27 step %scan3A_28  : i32 {
      %mul3A_61 = arith.constant 256 : i32
      %mul3A_62 = arith.muli %scan3A_60, %mul3A_61 : i32
      %add3A_63 = arith.constant 8192 : i32
      %add3A_64 = arith.addi %add3A_63, %mul3A_62 : i32
      %add3A_65 = arith.constant 0 : i32
      %add3A_66 = arith.addi %add3A_64, %add3A_65 : i32
      %multiple_of3A = tpu.assume_multiple %add3A_66, 16 : i32
      %mul3A_67 = arith.constant 256 : i32
      %mul3A_68 = arith.muli %scan3A_60, %mul3A_67 : i32
      %add3A_69 = arith.constant 0 : i32
      %add3A_70 = arith.addi %mul3A_68, %add3A_69 : i32
      %multiple_of3A_71 = tpu.assume_multiple %add3A_70, 16 : i32
      %get3A = arith.index_cast %multiple_of3A : i32 to index
      %get3A_72 = tpu.vector_load %arg5[%get3A] {strides = array<i32>} : memref<16384xi32, #tpu.memory_space<vmem>>, vector<16xi32>,
      %ge3A = arith.constant 1 : i32
      %ge3A_73 = vector.broadcast %ge3A : i32 to vector<16xi32>
      %ge3A_74 = arith.cmpi sge, %get3A_72, %ge3A_73 : vector<16xi32>
      %le3A = arith.constant 100000 : i32
      %le3A_75 = vector.broadcast %le3A : i32 to vector<16xi32>
      %le3A_76 = arith.cmpi sle, %get3A_72, %le3A_75 : vector<16xi32>
      %and3A = arith.andi %ge3A_74, %le3A_76 : vector<16xi1>
      %jit3A = arith.constant 0 : i32
      %broadcast_in_dim3A = vector.broadcast %jit3A : i32 to vector<16xi32>
      %select_n3A = arith.select %and3A, %get3A_72, %broadcast_in_dim3A : vector<16xi1>, vector<16xi32>
      %gather3A = tpu.vector_load_idx %arg6[%select_n3A] : memref<100001xf32, #tpu.memory_space<vmem>>[vector<16xi32>], vector<16xf32>,
      %swap3A = arith.index_cast %multiple_of3A_71 : i32 to index
      %swap3A_77 = tpu.vector_load %arg7[%swap3A] {strides = array<i32>} : memref<8192xf32, #tpu.memory_space<vmem>>, vector<16xf32>,
      tpu.vector_store %arg7[%swap3A], %gather3A {strides = array<i32>} : memref<8192xf32, #tpu.memory_space<vmem>>, vector<16xf32>,
      %mul3A_78 = arith.constant 256 : i32
      %mul3A_79 = arith.muli %scan3A_60, %mul3A_78 : i32
      %add3A_80 = arith.constant 8192 : i32
      %add3A_81 = arith.addi %add3A_80, %mul3A_79 : i32
      %add3A_82 = arith.constant 16 : i32
      %add3A_83 = arith.addi %add3A_81, %add3A_82 : i32
      %multiple_of3A_84 = tpu.assume_multiple %add3A_83, 16 : i32
      %mul3A_85 = arith.constant 256 : i32
      %mul3A_86 = arith.muli %scan3A_60, %mul3A_85 : i32
      %add3A_87 = arith.constant 16 : i32
      %add3A_88 = arith.addi %mul3A_86, %add3A_87 : i32
      %multiple_of3A_89 = tpu.assume_multiple %add3A_88, 16 : i32
      %get3A_90 = arith.index_cast %multiple_of3A_84 : i32 to index
      %get3A_91 = tpu.vector_load %arg5[%get3A_90] {strides = array<i32>} : memref<16384xi32, #tpu.memory_space<vmem>>, vector<16xi32>,
      %ge3A_92 = arith.constant 1 : i32
      %ge3A_93 = vector.broadcast %ge3A_92 : i32 to vector<16xi32>
      %ge3A_94 = arith.cmpi sge, %get3A_91, %ge3A_93 : vector<16xi32>
      %le3A_95 = arith.constant 100000 : i32
      %le3A_96 = vector.broadcast %le3A_95 : i32 to vector<16xi32>
      %le3A_97 = arith.cmpi sle, %get3A_91, %le3A_96 : vector<16xi32>
      %and3A_98 = arith.andi %ge3A_94, %le3A_97 : vector<16xi1>
      %jit3A_99 = arith.constant 0 : i32
      %broadcast_in_dim3A_100 = vector.broadcast %jit3A_99 : i32 to vector<16xi32>
      %select_n3A_101 = arith.select %and3A_98, %get3A_91, %broadcast_in_dim3A_100 : vector<16xi1>, vector<16xi32>
      %gather3A_102 = tpu.vector_load_idx %arg6[%select_n3A_101] : memref<100001xf32, #tpu.memory_space<vmem>>[vector<16xi32>], vector<16xf32>,
      %swap3A_103 = arith.index_cast %multiple_of3A_89 : i32 to index
      %swap3A_104 = tpu.vector_load %arg7[%swap3A_103] {strides = array<i32>} : memref<8192xf32, #tpu.memory_space<vmem>>, vector<16xf32>,
      tpu.vector_store %arg7[%swap3A_103], %gather3A_102 {strides = array<i32>} : memref<8192xf32, #tpu.memory_space<vmem>>, vector<16xf32>,
      %mul3A_105 = arith.constant 256 : i32
      %mul3A_106 = arith.muli %scan3A_60, %mul3A_105 : i32
      %add3A_107 = arith.constant 8192 : i32
      %add3A_108 = arith.addi %add3A_107, %mul3A_106 : i32
      %add3A_109 = arith.constant 32 : i32
      %add3A_110 = arith.addi %add3A_108, %add3A_109 : i32
      %multiple_of3A_111 = tpu.assume_multiple %add3A_110, 16 : i32
      %mul3A_112 = arith.constant 256 : i32
      %mul3A_113 = arith.muli %scan3A_60, %mul3A_112 : i32
      %add3A_114 = arith.constant 32 : i32
      %add3A_115 = arith.addi %mul3A_113, %add3A_114 : i32
      %multiple_of3A_116 = tpu.assume_multiple %add3A_115, 16 : i32
      %get3A_117 = arith.index_cast %multiple_of3A_111 : i32 to index
      %get3A_118 = tpu.vector_load %arg5[%get3A_117] {strides = array<i32>} : memref<16384xi32, #tpu.memory_space<vmem>>, vector<16xi32>,
      %ge3A_119 = arith.constant 1 : i32
      %ge3A_120 = vector.broadcast %ge3A_119 : i32 to vector<16xi32>
      %ge3A_121 = arith.cmpi sge, %get3A_118, %ge3A_120 : vector<16xi32>
      %le3A_122 = arith.constant 100000 : i32
      %le3A_123 = vector.broadcast %le3A_122 : i32 to vector<16xi32>
      %le3A_124 = arith.cmpi sle, %get3A_118, %le3A_123 : vector<16xi32>
      %and3A_125 = arith.andi %ge3A_121, %le3A_124 : vector<16xi1>
      %jit3A_126 = arith.constant 0 : i32
      %broadcast_in_dim3A_127 = vector.broadcast %jit3A_126 : i32 to vector<16xi32>
      %select_n3A_128 = arith.select %and3A_125, %get3A_118, %broadcast_in_dim3A_127 : vector<16xi1>, vector<16xi32>
      %gather3A_129 = tpu.vector_load_idx %arg6[%select_n3A_128] : memref<100001xf32, #tpu.memory_space<vmem>>[vector<16xi32>], vector<16xf32>,
      %swap3A_130 = arith.index_cast %multiple_of3A_116 : i32 to index
      %swap3A_131 = tpu.vector_load %arg7[%swap3A_130] {strides = array<i32>} : memref<8192xf32, #tpu.memory_space<vmem>>, vector<16xf32>,
      tpu.vector_store %arg7[%swap3A_130], %gather3A_129 {strides = array<i32>} : memref<8192xf32, #tpu.memory_space<vmem>>, vector<16xf32>,
      %mul3A_132 = arith.constant 256 : i32
      %mul3A_133 = arith.muli %scan3A_60, %mul3A_132 : i32
      %add3A_134 = arith.constant 8192 : i32
      %add3A_135 = arith.addi %add3A_134, %mul3A_133 : i32
      %add3A_136 = arith.constant 48 : i32
      %add3A_137 = arith.addi %add3A_135, %add3A_136 : i32
      %multiple_of3A_138 = tpu.assume_multiple %add3A_137, 16 : i32
      %mul3A_139 = arith.constant 256 : i32
      %mul3A_140 = arith.muli %scan3A_60, %mul3A_139 : i32
      %add3A_141 = arith.constant 48 : i32
      %add3A_142 = arith.addi %mul3A_140, %add3A_141 : i32
      %multiple_of3A_143 = tpu.assume_multiple %add3A_142, 16 : i32
      %get3A_144 = arith.index_cast %multiple_of3A_138 : i32 to index
      %get3A_145 = tpu.vector_load %arg5[%get3A_144] {strides = array<i32>} : memref<16384xi32, #tpu.memory_space<vmem>>, vector<16xi32>,
      %ge3A_146 = arith.constant 1 : i32
      %ge3A_147 = vector.broadcast %ge3A_146 : i32 to vector<16xi32>
      %ge3A_148 = arith.cmpi sge, %get3A_145, %ge3A_147 : vector<16xi32>
      %le3A_149 = arith.constant 100000 : i32
      %le3A_150 = vector.broadcast %le3A_149 : i32 to vector<16xi32>
      %le3A_151 = arith.cmpi sle, %get3A_145, %le3A_150 : vector<16xi32>
      %and3A_152 = arith.andi %ge3A_148, %le3A_151 : vector<16xi1>
      %jit3A_153 = arith.constant 0 : i32
      %broadcast_in_dim3A_154 = vector.broadcast %jit3A_153 : i32 to vector<16xi32>
      %select_n3A_155 = arith.select %and3A_152, %get3A_145, %broadcast_in_dim3A_154 : vector<16xi1>, vector<16xi32>
      %gather3A_156 = tpu.vector_load_idx %arg6[%select_n3A_155] : memref<100001xf32, #tpu.memory_space<vmem>>[vector<16xi32>], vector<16xf32>,
      %swap3A_157 = arith.index_cast %multiple_of3A_143 : i32 to index
      %swap3A_158 = tpu.vector_load %arg7[%swap3A_157] {strides = array<i32>} : memref<8192xf32, #tpu.memory_space<vmem>>, vector<16xf32>,
      tpu.vector_store %arg7[%swap3A_157], %gather3A_156 {strides = array<i32>} : memref<8192xf32, #tpu.memory_space<vmem>>, vector<16xf32>,
      %mul3A_159 = arith.constant 256 : i32
      %mul3A_160 = arith.muli %scan3A_60, %mul3A_159 : i32
      %add3A_161 = arith.constant 8192 : i32
      %add3A_162 = arith.addi %add3A_161, %mul3A_160 : i32
      %add3A_163 = arith.constant 64 : i32
      %add3A_164 = arith.addi %add3A_162, %add3A_163 : i32
      %multiple_of3A_165 = tpu.assume_multiple %add3A_164, 16 : i32
      %mul3A_166 = arith.constant 256 : i32
      %mul3A_167 = arith.muli %scan3A_60, %mul3A_166 : i32
      %add3A_168 = arith.constant 64 : i32
      %add3A_169 = arith.addi %mul3A_167, %add3A_168 : i32
      %multiple_of3A_170 = tpu.assume_multiple %add3A_169, 16 : i32
      %get3A_171 = arith.index_cast %multiple_of3A_165 : i32 to index
      %get3A_172 = tpu.vector_load %arg5[%get3A_171] {strides = array<i32>} : memref<16384xi32, #tpu.memory_space<vmem>>, vector<16xi32>,
      %ge3A_173 = arith.constant 1 : i32
      %ge3A_174 = vector.broadcast %ge3A_173 : i32 to vector<16xi32>
      %ge3A_175 = arith.cmpi sge, %get3A_172, %ge3A_174 : vector<16xi32>
      %le3A_176 = arith.constant 100000 : i32
      %le3A_177 = vector.broadcast %le3A_176 : i32 to vector<16xi32>
      %le3A_178 = arith.cmpi sle, %get3A_172, %le3A_177 : vector<16xi32>
      %and3A_179 = arith.andi %ge3A_175, %le3A_178 : vector<16xi1>
      %jit3A_180 = arith.constant 0 : i32
      %broadcast_in_dim3A_181 = vector.broadcast %jit3A_180 : i32 to vector<16xi32>
      %select_n3A_182 = arith.select %and3A_179, %get3A_172, %broadcast_in_dim3A_181 : vector<16xi1>, vector<16xi32>
      %gather3A_183 = tpu.vector_load_idx %arg6[%select_n3A_182] : memref<100001xf32, #tpu.memory_space<vmem>>[vector<16xi32>], vector<16xf32>,
      %swap3A_184 = arith.index_cast %multiple_of3A_170 : i32 to index
      %swap3A_185 = tpu.vector_load %arg7[%swap3A_184] {strides = array<i32>} : memref<8192xf32, #tpu.memory_space<vmem>>, vector<16xf32>,
      tpu.vector_store %arg7[%swap3A_184], %gather3A_183 {strides = array<i32>} : memref<8192xf32, #tpu.memory_space<vmem>>, vector<16xf32>,
      %mul3A_186 = arith.constant 256 : i32
      %mul3A_187 = arith.muli %scan3A_60, %mul3A_186 : i32
      %add3A_188 = arith.constant 8192 : i32
      %add3A_189 = arith.addi %add3A_188, %mul3A_187 : i32
      %add3A_190 = arith.constant 80 : i32
      %add3A_191 = arith.addi %add3A_189, %add3A_190 : i32
      %multiple_of3A_192 = tpu.assume_multiple %add3A_191, 16 : i32
      %mul3A_193 = arith.constant 256 : i32
      %mul3A_194 = arith.muli %scan3A_60, %mul3A_193 : i32
      %add3A_195 = arith.constant 80 : i32
      %add3A_196 = arith.addi %mul3A_194, %add3A_195 : i32
      %multiple_of3A_197 = tpu.assume_multiple %add3A_196, 16 : i32
      %get3A_198 = arith.index_cast %multiple_of3A_192 : i32 to index
      %get3A_199 = tpu.vector_load %arg5[%get3A_198] {strides = array<i32>} : memref<16384xi32, #tpu.memory_space<vmem>>, vector<16xi32>,
      %ge3A_200 = arith.constant 1 : i32
      %ge3A_201 = vector.broadcast %ge3A_200 : i32 to vector<16xi32>
      %ge3A_202 = arith.cmpi sge, %get3A_199, %ge3A_201 : vector<16xi32>
      %le3A_203 = arith.constant 100000 : i32
      %le3A_204 = vector.broadcast %le3A_203 : i32 to vector<16xi32>
      %le3A_205 = arith.cmpi sle, %get3A_199, %le3A_204 : vector<16xi32>
      %and3A_206 = arith.andi %ge3A_202, %le3A_205 : vector<16xi1>
      %jit3A_207 = arith.constant 0 : i32
      %broadcast_in_dim3A_208 = vector.broadcast %jit3A_207 : i32 to vector<16xi32>
      %select_n3A_209 = arith.select %and3A_206, %get3A_199, %broadcast_in_dim3A_208 : vector<16xi1>, vector<16xi32>
      %gather3A_210 = tpu.vector_load_idx %arg6[%select_n3A_209] : memref<100001xf32, #tpu.memory_space<vmem>>[vector<16xi32>], vector<16xf32>,
      %swap3A_211 = arith.index_cast %multiple_of3A_197 : i32 to index
      %swap3A_212 = tpu.vector_load %arg7[%swap3A_211] {strides = array<i32>} : memref<8192xf32, #tpu.memory_space<vmem>>, vector<16xf32>,
      tpu.vector_store %arg7[%swap3A_211], %gather3A_210 {strides = array<i32>} : memref<8192xf32, #tpu.memory_space<vmem>>, vector<16xf32>,
      %mul3A_213 = arith.constant 256 : i32
      %mul3A_214 = arith.muli %scan3A_60, %mul3A_213 : i32
      %add3A_215 = arith.constant 8192 : i32
      %add3A_216 = arith.addi %add3A_215, %mul3A_214 : i32
      %add3A_217 = arith.constant 96 : i32
      %add3A_218 = arith.addi %add3A_216, %add3A_217 : i32
      %multiple_of3A_219 = tpu.assume_multiple %add3A_218, 16 : i32
      %mul3A_220 = arith.constant 256 : i32
      %mul3A_221 = arith.muli %scan3A_60, %mul3A_220 : i32
      %add3A_222 = arith.constant 96 : i32
      %add3A_223 = arith.addi %mul3A_221, %add3A_222 : i32
      %multiple_of3A_224 = tpu.assume_multiple %add3A_223, 16 : i32
      %get3A_225 = arith.index_cast %multiple_of3A_219 : i32 to index
      %get3A_226 = tpu.vector_load %arg5[%get3A_225] {strides = array<i32>} : memref<16384xi32, #tpu.memory_space<vmem>>, vector<16xi32>,
      %ge3A_227 = arith.constant 1 : i32
      %ge3A_228 = vector.broadcast %ge3A_227 : i32 to vector<16xi32>
      %ge3A_229 = arith.cmpi sge, %get3A_226, %ge3A_228 : vector<16xi32>
      %le3A_230 = arith.constant 100000 : i32
      %le3A_231 = vector.broadcast %le3A_230 : i32 to vector<16xi32>
      %le3A_232 = arith.cmpi sle, %get3A_226, %le3A_231 : vector<16xi32>
      %and3A_233 = arith.andi %ge3A_229, %le3A_232 : vector<16xi1>
      %jit3A_234 = arith.constant 0 : i32
      %broadcast_in_dim3A_235 = vector.broadcast %jit3A_234 : i32 to vector<16xi32>
      %select_n3A_236 = arith.select %and3A_233, %get3A_226, %broadcast_in_dim3A_235 : vector<16xi1>, vector<16xi32>
      %gather3A_237 = tpu.vector_load_idx %arg6[%select_n3A_236] : memref<100001xf32, #tpu.memory_space<vmem>>[vector<16xi32>], vector<16xf32>,
      %swap3A_238 = arith.index_cast %multiple_of3A_224 : i32 to index
      %swap3A_239 = tpu.vector_load %arg7[%swap3A_238] {strides = array<i32>} : memref<8192xf32, #tpu.memory_space<vmem>>, vector<16xf32>,
      tpu.vector_store %arg7[%swap3A_238], %gather3A_237 {strides = array<i32>} : memref<8192xf32, #tpu.memory_space<vmem>>, vector<16xf32>,
      %mul3A_240 = arith.constant 256 : i32
      %mul3A_241 = arith.muli %scan3A_60, %mul3A_240 : i32
      %add3A_242 = arith.constant 8192 : i32
      %add3A_243 = arith.addi %add3A_242, %mul3A_241 : i32
      %add3A_244 = arith.constant 112 : i32
      %add3A_245 = arith.addi %add3A_243, %add3A_244 : i32
      %multiple_of3A_246 = tpu.assume_multiple %add3A_245, 16 : i32
      %mul3A_247 = arith.constant 256 : i32
      %mul3A_248 = arith.muli %scan3A_60, %mul3A_247 : i32
      %add3A_249 = arith.constant 112 : i32
      %add3A_250 = arith.addi %mul3A_248, %add3A_249 : i32
      %multiple_of3A_251 = tpu.assume_multiple %add3A_250, 16 : i32
      %get3A_252 = arith.index_cast %multiple_of3A_246 : i32 to index
      %get3A_253 = tpu.vector_load %arg5[%get3A_252] {strides = array<i32>} : memref<16384xi32, #tpu.memory_space<vmem>>, vector<16xi32>,
      %ge3A_254 = arith.constant 1 : i32
      %ge3A_255 = vector.broadcast %ge3A_254 : i32 to vector<16xi32>
      %ge3A_256 = arith.cmpi sge, %get3A_253, %ge3A_255 : vector<16xi32>
      %le3A_257 = arith.constant 100000 : i32
      %le3A_258 = vector.broadcast %le3A_257 : i32 to vector<16xi32>
      %le3A_259 = arith.cmpi sle, %get3A_253, %le3A_258 : vector<16xi32>
      %and3A_260 = arith.andi %ge3A_256, %le3A_259 : vector<16xi1>
      %jit3A_261 = arith.constant 0 : i32
      %broadcast_in_dim3A_262 = vector.broadcast %jit3A_261 : i32 to vector<16xi32>
      %select_n3A_263 = arith.select %and3A_260, %get3A_253, %broadcast_in_dim3A_262 : vector<16xi1>, vector<16xi32>
      %gather3A_264 = tpu.vector_load_idx %arg6[%select_n3A_263] : memref<100001xf32, #tpu.memory_space<vmem>>[vector<16xi32>], vector<16xf32>,
      %swap3A_265 = arith.index_cast %multiple_of3A_251 : i32 to index
      %swap3A_266 = tpu.vector_load %arg7[%swap3A_265] {strides = array<i32>} : memref<8192xf32, #tpu.memory_space<vmem>>, vector<16xf32>,
      tpu.vector_store %arg7[%swap3A_265], %gather3A_264 {strides = array<i32>} : memref<8192xf32, #tpu.memory_space<vmem>>, vector<16xf32>,
      %mul3A_267 = arith.constant 256 : i32
      %mul3A_268 = arith.muli %scan3A_60, %mul3A_267 : i32
      %add3A_269 = arith.constant 8192 : i32
      %add3A_270 = arith.addi %add3A_269, %mul3A_268 : i32
      %add3A_271 = arith.constant 128 : i32
      %add3A_272 = arith.addi %add3A_270, %add3A_271 : i32
      %multiple_of3A_273 = tpu.assume_multiple %add3A_272, 16 : i32
      %mul3A_274 = arith.constant 256 : i32
      %mul3A_275 = arith.muli %scan3A_60, %mul3A_274 : i32
      %add3A_276 = arith.constant 128 : i32
      %add3A_277 = arith.addi %mul3A_275, %add3A_276 : i32
      %multiple_of3A_278 = tpu.assume_multiple %add3A_277, 16 : i32
      %get3A_279 = arith.index_cast %multiple_of3A_273 : i32 to index
      %get3A_280 = tpu.vector_load %arg5[%get3A_279] {strides = array<i32>} : memref<16384xi32, #tpu.memory_space<vmem>>, vector<16xi32>,
      %ge3A_281 = arith.constant 1 : i32
      %ge3A_282 = vector.broadcast %ge3A_281 : i32 to vector<16xi32>
      %ge3A_283 = arith.cmpi sge, %get3A_280, %ge3A_282 : vector<16xi32>
      %le3A_284 = arith.constant 100000 : i32
      %le3A_285 = vector.broadcast %le3A_284 : i32 to vector<16xi32>
      %le3A_286 = arith.cmpi sle, %get3A_280, %le3A_285 : vector<16xi32>
      %and3A_287 = arith.andi %ge3A_283, %le3A_286 : vector<16xi1>
      %jit3A_288 = arith.constant 0 : i32
      %broadcast_in_dim3A_289 = vector.broadcast %jit3A_288 : i32 to vector<16xi32>
      %select_n3A_290 = arith.select %and3A_287, %get3A_280, %broadcast_in_dim3A_289 : vector<16xi1>, vector<16xi32>
      %gather3A_291 = tpu.vector_load_idx %arg6[%select_n3A_290] : memref<100001xf32, #tpu.memory_space<vmem>>[vector<16xi32>], vector<16xf32>,
      %swap3A_292 = arith.index_cast %multiple_of3A_278 : i32 to index
      %swap3A_293 = tpu.vector_load %arg7[%swap3A_292] {strides = array<i32>} : memref<8192xf32, #tpu.memory_space<vmem>>, vector<16xf32>,
      tpu.vector_store %arg7[%swap3A_292], %gather3A_291 {strides = array<i32>} : memref<8192xf32, #tpu.memory_space<vmem>>, vector<16xf32>,
      %mul3A_294 = arith.constant 256 : i32
      %mul3A_295 = arith.muli %scan3A_60, %mul3A_294 : i32
      %add3A_296 = arith.constant 8192 : i32
      %add3A_297 = arith.addi %add3A_296, %mul3A_295 : i32
      %add3A_298 = arith.constant 144 : i32
      %add3A_299 = arith.addi %add3A_297, %add3A_298 : i32
      %multiple_of3A_300 = tpu.assume_multiple %add3A_299, 16 : i32
      %mul3A_301 = arith.constant 256 : i32
      %mul3A_302 = arith.muli %scan3A_60, %mul3A_301 : i32
      %add3A_303 = arith.constant 144 : i32
      %add3A_304 = arith.addi %mul3A_302, %add3A_303 : i32
      %multiple_of3A_305 = tpu.assume_multiple %add3A_304, 16 : i32
      %get3A_306 = arith.index_cast %multiple_of3A_300 : i32 to index
      %get3A_307 = tpu.vector_load %arg5[%get3A_306] {strides = array<i32>} : memref<16384xi32, #tpu.memory_space<vmem>>, vector<16xi32>,
      %ge3A_308 = arith.constant 1 : i32
      %ge3A_309 = vector.broadcast %ge3A_308 : i32 to vector<16xi32>
      %ge3A_310 = arith.cmpi sge, %get3A_307, %ge3A_309 : vector<16xi32>
      %le3A_311 = arith.constant 100000 : i32
      %le3A_312 = vector.broadcast %le3A_311 : i32 to vector<16xi32>
      %le3A_313 = arith.cmpi sle, %get3A_307, %le3A_312 : vector<16xi32>
      %and3A_314 = arith.andi %ge3A_310, %le3A_313 : vector<16xi1>
      %jit3A_315 = arith.constant 0 : i32
      %broadcast_in_dim3A_316 = vector.broadcast %jit3A_315 : i32 to vector<16xi32>
      %select_n3A_317 = arith.select %and3A_314, %get3A_307, %broadcast_in_dim3A_316 : vector<16xi1>, vector<16xi32>
      %gather3A_318 = tpu.vector_load_idx %arg6[%select_n3A_317] : memref<100001xf32, #tpu.memory_space<vmem>>[vector<16xi32>], vector<16xf32>,
      %swap3A_319 = arith.index_cast %multiple_of3A_305 : i32 to index
      %swap3A_320 = tpu.vector_load %arg7[%swap3A_319] {strides = array<i32>} : memref<8192xf32, #tpu.memory_space<vmem>>, vector<16xf32>,
      tpu.vector_store %arg7[%swap3A_319], %gather3A_318 {strides = array<i32>} : memref<8192xf32, #tpu.memory_space<vmem>>, vector<16xf32>,
      %mul3A_321 = arith.constant 256 : i32
      %mul3A_322 = arith.muli %scan3A_60, %mul3A_321 : i32
      %add3A_323 = arith.constant 8192 : i32
      %add3A_324 = arith.addi %add3A_323, %mul3A_322 : i32
      %add3A_325 = arith.constant 160 : i32
      %add3A_326 = arith.addi %add3A_324, %add3A_325 : i32
      %multiple_of3A_327 = tpu.assume_multiple %add3A_326, 16 : i32
      %mul3A_328 = arith.constant 256 : i32
      %mul3A_329 = arith.muli %scan3A_60, %mul3A_328 : i32
      %add3A_330 = arith.constant 160 : i32
      %add3A_331 = arith.addi %mul3A_329, %add3A_330 : i32
      %multiple_of3A_332 = tpu.assume_multiple %add3A_331, 16 : i32
      %get3A_333 = arith.index_cast %multiple_of3A_327 : i32 to index
      %get3A_334 = tpu.vector_load %arg5[%get3A_333] {strides = array<i32>} : memref<16384xi32, #tpu.memory_space<vmem>>, vector<16xi32>,
      %ge3A_335 = arith.constant 1 : i32
      %ge3A_336 = vector.broadcast %ge3A_335 : i32 to vector<16xi32>
      %ge3A_337 = arith.cmpi sge, %get3A_334, %ge3A_336 : vector<16xi32>
      %le3A_338 = arith.constant 100000 : i32
      %le3A_339 = vector.broadcast %le3A_338 : i32 to vector<16xi32>
      %le3A_340 = arith.cmpi sle, %get3A_334, %le3A_339 : vector<16xi32>
      %and3A_341 = arith.andi %ge3A_337, %le3A_340 : vector<16xi1>
      %jit3A_342 = arith.constant 0 : i32
      %broadcast_in_dim3A_343 = vector.broadcast %jit3A_342 : i32 to vector<16xi32>
      %select_n3A_344 = arith.select %and3A_341, %get3A_334, %broadcast_in_dim3A_343 : vector<16xi1>, vector<16xi32>
      %gather3A_345 = tpu.vector_load_idx %arg6[%select_n3A_344] : memref<100001xf32, #tpu.memory_space<vmem>>[vector<16xi32>], vector<16xf32>,
      %swap3A_346 = arith.index_cast %multiple_of3A_332 : i32 to index
      %swap3A_347 = tpu.vector_load %arg7[%swap3A_346] {strides = array<i32>} : memref<8192xf32, #tpu.memory_space<vmem>>, vector<16xf32>,
      tpu.vector_store %arg7[%swap3A_346], %gather3A_345 {strides = array<i32>} : memref<8192xf32, #tpu.memory_space<vmem>>, vector<16xf32>,
      %mul3A_348 = arith.constant 256 : i32
      %mul3A_349 = arith.muli %scan3A_60, %mul3A_348 : i32
      %add3A_350 = arith.constant 8192 : i32
      %add3A_351 = arith.addi %add3A_350, %mul3A_349 : i32
      %add3A_352 = arith.constant 176 : i32
      %add3A_353 = arith.addi %add3A_351, %add3A_352 : i32
      %multiple_of3A_354 = tpu.assume_multiple %add3A_353, 16 : i32
      %mul3A_355 = arith.constant 256 : i32
      %mul3A_356 = arith.muli %scan3A_60, %mul3A_355 : i32
      %add3A_357 = arith.constant 176 : i32
      %add3A_358 = arith.addi %mul3A_356, %add3A_357 : i32
      %multiple_of3A_359 = tpu.assume_multiple %add3A_358, 16 : i32
      %get3A_360 = arith.index_cast %multiple_of3A_354 : i32 to index
      %get3A_361 = tpu.vector_load %arg5[%get3A_360] {strides = array<i32>} : memref<16384xi32, #tpu.memory_space<vmem>>, vector<16xi32>,
      %ge3A_362 = arith.constant 1 : i32
      %ge3A_363 = vector.broadcast %ge3A_362 : i32 to vector<16xi32>
      %ge3A_364 = arith.cmpi sge, %get3A_361, %ge3A_363 : vector<16xi32>
      %le3A_365 = arith.constant 100000 : i32
      %le3A_366 = vector.broadcast %le3A_365 : i32 to vector<16xi32>
      %le3A_367 = arith.cmpi sle, %get3A_361, %le3A_366 : vector<16xi32>
      %and3A_368 = arith.andi %ge3A_364, %le3A_367 : vector<16xi1>
      %jit3A_369 = arith.constant 0 : i32
      %broadcast_in_dim3A_370 = vector.broadcast %jit3A_369 : i32 to vector<16xi32>
      %select_n3A_371 = arith.select %and3A_368, %get3A_361, %broadcast_in_dim3A_370 : vector<16xi1>, vector<16xi32>
      %gather3A_372 = tpu.vector_load_idx %arg6[%select_n3A_371] : memref<100001xf32, #tpu.memory_space<vmem>>[vector<16xi32>], vector<16xf32>,
      %swap3A_373 = arith.index_cast %multiple_of3A_359 : i32 to index
      %swap3A_374 = tpu.vector_load %arg7[%swap3A_373] {strides = array<i32>} : memref<8192xf32, #tpu.memory_space<vmem>>, vector<16xf32>,
      tpu.vector_store %arg7[%swap3A_373], %gather3A_372 {strides = array<i32>} : memref<8192xf32, #tpu.memory_space<vmem>>, vector<16xf32>,
      %mul3A_375 = arith.constant 256 : i32
      %mul3A_376 = arith.muli %scan3A_60, %mul3A_375 : i32
      %add3A_377 = arith.constant 8192 : i32
      %add3A_378 = arith.addi %add3A_377, %mul3A_376 : i32
      %add3A_379 = arith.constant 192 : i32
      %add3A_380 = arith.addi %add3A_378, %add3A_379 : i32
      %multiple_of3A_381 = tpu.assume_multiple %add3A_380, 16 : i32
      %mul3A_382 = arith.constant 256 : i32
      %mul3A_383 = arith.muli %scan3A_60, %mul3A_382 : i32
      %add3A_384 = arith.constant 192 : i32
      %add3A_385 = arith.addi %mul3A_383, %add3A_384 : i32
      %multiple_of3A_386 = tpu.assume_multiple %add3A_385, 16 : i32
      %get3A_387 = arith.index_cast %multiple_of3A_381 : i32 to index
      %get3A_388 = tpu.vector_load %arg5[%get3A_387] {strides = array<i32>} : memref<16384xi32, #tpu.memory_space<vmem>>, vector<16xi32>,
      %ge3A_389 = arith.constant 1 : i32
      %ge3A_390 = vector.broadcast %ge3A_389 : i32 to vector<16xi32>
      %ge3A_391 = arith.cmpi sge, %get3A_388, %ge3A_390 : vector<16xi32>
      %le3A_392 = arith.constant 100000 : i32
      %le3A_393 = vector.broadcast %le3A_392 : i32 to vector<16xi32>
      %le3A_394 = arith.cmpi sle, %get3A_388, %le3A_393 : vector<16xi32>
      %and3A_395 = arith.andi %ge3A_391, %le3A_394 : vector<16xi1>
      %jit3A_396 = arith.constant 0 : i32
      %broadcast_in_dim3A_397 = vector.broadcast %jit3A_396 : i32 to vector<16xi32>
      %select_n3A_398 = arith.select %and3A_395, %get3A_388, %broadcast_in_dim3A_397 : vector<16xi1>, vector<16xi32>
      %gather3A_399 = tpu.vector_load_idx %arg6[%select_n3A_398] : memref<100001xf32, #tpu.memory_space<vmem>>[vector<16xi32>], vector<16xf32>,
      %swap3A_400 = arith.index_cast %multiple_of3A_386 : i32 to index
      %swap3A_401 = tpu.vector_load %arg7[%swap3A_400] {strides = array<i32>} : memref<8192xf32, #tpu.memory_space<vmem>>, vector<16xf32>,
      tpu.vector_store %arg7[%swap3A_400], %gather3A_399 {strides = array<i32>} : memref<8192xf32, #tpu.memory_space<vmem>>, vector<16xf32>,
      %mul3A_402 = arith.constant 256 : i32
      %mul3A_403 = arith.muli %scan3A_60, %mul3A_402 : i32
      %add3A_404 = arith.constant 8192 : i32
      %add3A_405 = arith.addi %add3A_404, %mul3A_403 : i32
      %add3A_406 = arith.constant 208 : i32
      %add3A_407 = arith.addi %add3A_405, %add3A_406 : i32
      %multiple_of3A_408 = tpu.assume_multiple %add3A_407, 16 : i32
      %mul3A_409 = arith.constant 256 : i32
      %mul3A_410 = arith.muli %scan3A_60, %mul3A_409 : i32
      %add3A_411 = arith.constant 208 : i32
      %add3A_412 = arith.addi %mul3A_410, %add3A_411 : i32
      %multiple_of3A_413 = tpu.assume_multiple %add3A_412, 16 : i32
      %get3A_414 = arith.index_cast %multiple_of3A_408 : i32 to index
      %get3A_415 = tpu.vector_load %arg5[%get3A_414] {strides = array<i32>} : memref<16384xi32, #tpu.memory_space<vmem>>, vector<16xi32>,
      %ge3A_416 = arith.constant 1 : i32
      %ge3A_417 = vector.broadcast %ge3A_416 : i32 to vector<16xi32>
      %ge3A_418 = arith.cmpi sge, %get3A_415, %ge3A_417 : vector<16xi32>
      %le3A_419 = arith.constant 100000 : i32
      %le3A_420 = vector.broadcast %le3A_419 : i32 to vector<16xi32>
      %le3A_421 = arith.cmpi sle, %get3A_415, %le3A_420 : vector<16xi32>
      %and3A_422 = arith.andi %ge3A_418, %le3A_421 : vector<16xi1>
      %jit3A_423 = arith.constant 0 : i32
      %broadcast_in_dim3A_424 = vector.broadcast %jit3A_423 : i32 to vector<16xi32>
      %select_n3A_425 = arith.select %and3A_422, %get3A_415, %broadcast_in_dim3A_424 : vector<16xi1>, vector<16xi32>
      %gather3A_426 = tpu.vector_load_idx %arg6[%select_n3A_425] : memref<100001xf32, #tpu.memory_space<vmem>>[vector<16xi32>], vector<16xf32>,
      %swap3A_427 = arith.index_cast %multiple_of3A_413 : i32 to index
      %swap3A_428 = tpu.vector_load %arg7[%swap3A_427] {strides = array<i32>} : memref<8192xf32, #tpu.memory_space<vmem>>, vector<16xf32>,
      tpu.vector_store %arg7[%swap3A_427], %gather3A_426 {strides = array<i32>} : memref<8192xf32, #tpu.memory_space<vmem>>, vector<16xf32>,
      %mul3A_429 = arith.constant 256 : i32
      %mul3A_430 = arith.muli %scan3A_60, %mul3A_429 : i32
      %add3A_431 = arith.constant 8192 : i32
      %add3A_432 = arith.addi %add3A_431, %mul3A_430 : i32
      %add3A_433 = arith.constant 224 : i32
      %add3A_434 = arith.addi %add3A_432, %add3A_433 : i32
      %multiple_of3A_435 = tpu.assume_multiple %add3A_434, 16 : i32
      %mul3A_436 = arith.constant 256 : i32
      %mul3A_437 = arith.muli %scan3A_60, %mul3A_436 : i32
      %add3A_438 = arith.constant 224 : i32
      %add3A_439 = arith.addi %mul3A_437, %add3A_438 : i32
      %multiple_of3A_440 = tpu.assume_multiple %add3A_439, 16 : i32
      %get3A_441 = arith.index_cast %multiple_of3A_435 : i32 to index
      %get3A_442 = tpu.vector_load %arg5[%get3A_441] {strides = array<i32>} : memref<16384xi32, #tpu.memory_space<vmem>>, vector<16xi32>,
      %ge3A_443 = arith.constant 1 : i32
      %ge3A_444 = vector.broadcast %ge3A_443 : i32 to vector<16xi32>
      %ge3A_445 = arith.cmpi sge, %get3A_442, %ge3A_444 : vector<16xi32>
      %le3A_446 = arith.constant 100000 : i32
      %le3A_447 = vector.broadcast %le3A_446 : i32 to vector<16xi32>
      %le3A_448 = arith.cmpi sle, %get3A_442, %le3A_447 : vector<16xi32>
      %and3A_449 = arith.andi %ge3A_445, %le3A_448 : vector<16xi1>
      %jit3A_450 = arith.constant 0 : i32
      %broadcast_in_dim3A_451 = vector.broadcast %jit3A_450 : i32 to vector<16xi32>
      %select_n3A_452 = arith.select %and3A_449, %get3A_442, %broadcast_in_dim3A_451 : vector<16xi1>, vector<16xi32>
      %gather3A_453 = tpu.vector_load_idx %arg6[%select_n3A_452] : memref<100001xf32, #tpu.memory_space<vmem>>[vector<16xi32>], vector<16xf32>,
      %swap3A_454 = arith.index_cast %multiple_of3A_440 : i32 to index
      %swap3A_455 = tpu.vector_load %arg7[%swap3A_454] {strides = array<i32>} : memref<8192xf32, #tpu.memory_space<vmem>>, vector<16xf32>,
      tpu.vector_store %arg7[%swap3A_454], %gather3A_453 {strides = array<i32>} : memref<8192xf32, #tpu.memory_space<vmem>>, vector<16xf32>,
      %mul3A_456 = arith.constant 256 : i32
      %mul3A_457 = arith.muli %scan3A_60, %mul3A_456 : i32
      %add3A_458 = arith.constant 8192 : i32
      %add3A_459 = arith.addi %add3A_458, %mul3A_457 : i32
      %add3A_460 = arith.constant 240 : i32
      %add3A_461 = arith.addi %add3A_459, %add3A_460 : i32
      %multiple_of3A_462 = tpu.assume_multiple %add3A_461, 16 : i32
      %mul3A_463 = arith.constant 256 : i32
      %mul3A_464 = arith.muli %scan3A_60, %mul3A_463 : i32
      %add3A_465 = arith.constant 240 : i32
      %add3A_466 = arith.addi %mul3A_464, %add3A_465 : i32
      %multiple_of3A_467 = tpu.assume_multiple %add3A_466, 16 : i32
      %get3A_468 = arith.index_cast %multiple_of3A_462 : i32 to index
      %get3A_469 = tpu.vector_load %arg5[%get3A_468] {strides = array<i32>} : memref<16384xi32, #tpu.memory_space<vmem>>, vector<16xi32>,
      %ge3A_470 = arith.constant 1 : i32
      %ge3A_471 = vector.broadcast %ge3A_470 : i32 to vector<16xi32>
      %ge3A_472 = arith.cmpi sge, %get3A_469, %ge3A_471 : vector<16xi32>
      %le3A_473 = arith.constant 100000 : i32
      %le3A_474 = vector.broadcast %le3A_473 : i32 to vector<16xi32>
      %le3A_475 = arith.cmpi sle, %get3A_469, %le3A_474 : vector<16xi32>
      %and3A_476 = arith.andi %ge3A_472, %le3A_475 : vector<16xi1>
      %jit3A_477 = arith.constant 0 : i32
      %broadcast_in_dim3A_478 = vector.broadcast %jit3A_477 : i32 to vector<16xi32>
      %select_n3A_479 = arith.select %and3A_476, %get3A_469, %broadcast_in_dim3A_478 : vector<16xi1>, vector<16xi32>
      %gather3A_480 = tpu.vector_load_idx %arg6[%select_n3A_479] : memref<100001xf32, #tpu.memory_space<vmem>>[vector<16xi32>], vector<16xf32>,
      %swap3A_481 = arith.index_cast %multiple_of3A_467 : i32 to index
      %swap3A_482 = tpu.vector_load %arg7[%swap3A_481] {strides = array<i32>} : memref<8192xf32, #tpu.memory_space<vmem>>, vector<16xf32>,
      tpu.vector_store %arg7[%swap3A_481], %gather3A_480 {strides = array<i32>} : memref<8192xf32, #tpu.memory_space<vmem>>, vector<16xf32>,
    }
    %scan3A_29 = arith.constant 32 : i32
    "tpu.region"() ({
      %run_scoped3A = tpu.sem_alloc : memref<!tpu.dma_semaphore, #tpu.memory_space<semaphore_mem>>
      %dma_start3A_60 = arith.constant 0 : i32
      %dma_start3A_61 = tpu.memref_slice %arg4[%add3A_13, %dma_start3A_60] : memref<64x16384xf32, #tpu.memory_space<hbm>> -> memref<1x16384xf32, #tpu.memory_space<hbm>>
      %dma_start3A_62 = tpu.memref_squeeze %dma_start3A_61 : memref<1x16384xf32, #tpu.memory_space<hbm>> -> memref<16384xf32, #tpu.memory_space<hbm>>
      %dma_start3A_63 = arith.constant 8192 : i32
      %dma_start3A_64 = tpu.memref_slice %dma_start3A_62[%dma_start3A_63] : memref<16384xf32, #tpu.memory_space<hbm>> -> memref<8192xf32, #tpu.memory_space<hbm>>
      %dma_start3A_65 = arith.constant 0 : i32
      %dma_start3A_66 = tpu.memref_slice %arg4[%add3A_13, %dma_start3A_65] : memref<64x16384xf32, #tpu.memory_space<hbm>> -> memref<1x16384xf32, #tpu.memory_space<hbm>>
      %dma_start3A_67 = tpu.memref_squeeze %dma_start3A_66 : memref<1x16384xf32, #tpu.memory_space<hbm>> -> memref<16384xf32, #tpu.memory_space<hbm>>
      %dma_start3A_68 = arith.constant 8192 : i32
      %dma_start3A_69 = tpu.memref_slice %dma_start3A_67[%dma_start3A_68] : memref<16384xf32, #tpu.memory_space<hbm>> -> memref<8192xf32, #tpu.memory_space<hbm>>
      tpu.enqueue_dma source(%arg7 : memref<8192xf32, #tpu.memory_space<vmem>>) target(%dma_start3A_69 : memref<8192xf32, #tpu.memory_space<hbm>>) target_semaphore(%run_scoped3A : memref<!tpu.dma_semaphore, #tpu.memory_space<semaphore_mem>>)
      %dma_wait3A_70 = arith.constant 0 : i32
      %dma_wait3A_71 = tpu.memref_slice %arg4[%add3A_13, %dma_wait3A_70] : memref<64x16384xf32, #tpu.memory_space<hbm>> -> memref<1x16384xf32, #tpu.memory_space<hbm>>
      %dma_wait3A_72 = tpu.memref_squeeze %dma_wait3A_71 : memref<1x16384xf32, #tpu.memory_space<hbm>> -> memref<16384xf32, #tpu.memory_space<hbm>>
      %dma_wait3A_73 = arith.constant 8192 : i32
      %dma_wait3A_74 = tpu.memref_slice %dma_wait3A_72[%dma_wait3A_73] : memref<16384xf32, #tpu.memory_space<hbm>> -> memref<8192xf32, #tpu.memory_space<hbm>>
      %dma_wait3A_75 = arith.constant 0 : i32
      %dma_wait3A_76 = tpu.memref_slice %arg4[%add3A_13, %dma_wait3A_75] : memref<64x16384xf32, #tpu.memory_space<hbm>> -> memref<1x16384xf32, #tpu.memory_space<hbm>>
      %dma_wait3A_77 = tpu.memref_squeeze %dma_wait3A_76 : memref<1x16384xf32, #tpu.memory_space<hbm>> -> memref<16384xf32, #tpu.memory_space<hbm>>
      %dma_wait3A_78 = arith.constant 8192 : i32
      %dma_wait3A_79 = tpu.memref_slice %dma_wait3A_77[%dma_wait3A_78] : memref<16384xf32, #tpu.memory_space<hbm>> -> memref<8192xf32, #tpu.memory_space<hbm>>
      tpu.wait_dma2 semaphore(%run_scoped3A : memref<!tpu.dma_semaphore, #tpu.memory_space<semaphore_mem>>) src(%arg7 : memref<8192xf32, #tpu.memory_space<vmem>>) dst(%dma_wait3A_79 : memref<8192xf32, #tpu.memory_space<hbm>>)
      tpu.yield
    }) : () -> ()
    %add3A_30 = arith.constant 1 : i32
    %add3A_31 = arith.addi %add3A_13, %add3A_30 : i32
    %dma_start3A_32 = arith.constant 0 : i32
    %dma_start3A_33 = tpu.memref_slice %arg3[%add3A_31, %dma_start3A_32] : memref<64x100001xf32, #tpu.memory_space<hbm>> -> memref<1x100001xf32, #tpu.memory_space<hbm>>
    %dma_start3A_34 = tpu.memref_squeeze %dma_start3A_33 : memref<1x100001xf32, #tpu.memory_space<hbm>> -> memref<100001xf32, #tpu.memory_space<hbm>>
    %dma_start3A_35 = arith.constant 0 : i32
    %dma_start3A_36 = tpu.memref_slice %arg3[%add3A_31, %dma_start3A_35] : memref<64x100001xf32, #tpu.memory_space<hbm>> -> memref<1x100001xf32, #tpu.memory_space<hbm>>
    %dma_start3A_37 = tpu.memref_squeeze %dma_start3A_36 : memref<1x100001xf32, #tpu.memory_space<hbm>> -> memref<100001xf32, #tpu.memory_space<hbm>>
    tpu.enqueue_dma source(%dma_start3A_37 : memref<100001xf32, #tpu.memory_space<hbm>>) target(%arg6 : memref<100001xf32, #tpu.memory_space<vmem>>) target_semaphore(%arg9 : memref<!tpu.dma_semaphore, #tpu.memory_space<semaphore_mem>>)
    %mul3A_38 = arith.constant 2 : i32
    %mul3A_39 = arith.muli %add3A, %mul3A_38 : i32
    %add3A_40 = arith.constant 1 : i32
    %add3A_41 = arith.addi %mul3A_39, %add3A_40 : i32
    %dma_wait3A_42 = arith.constant 0 : i32
    %dma_wait3A_43 = tpu.memref_slice %arg3[%add3A_31, %dma_wait3A_42] : memref<64x100001xf32, #tpu.memory_space<hbm>> -> memref<1x100001xf32, #tpu.memory_space<hbm>>
    %dma_wait3A_44 = tpu.memref_squeeze %dma_wait3A_43 : memref<1x100001xf32, #tpu.memory_space<hbm>> -> memref<100001xf32, #tpu.memory_space<hbm>>
    %dma_wait3A_45 = arith.constant 0 : i32
    %dma_wait3A_46 = tpu.memref_slice %arg3[%add3A_31, %dma_wait3A_45] : memref<64x100001xf32, #tpu.memory_space<hbm>> -> memref<1x100001xf32, #tpu.memory_space<hbm>>
    %dma_wait3A_47 = tpu.memref_squeeze %dma_wait3A_46 : memref<1x100001xf32, #tpu.memory_space<hbm>> -> memref<100001xf32, #tpu.memory_space<hbm>>
    tpu.wait_dma2 semaphore(%arg9 : memref<!tpu.dma_semaphore, #tpu.memory_space<semaphore_mem>>) src(%dma_wait3A_47 : memref<100001xf32, #tpu.memory_space<hbm>>) dst(%arg6 : memref<100001xf32, #tpu.memory_space<vmem>>)
    %scan3A_48 = arith.constant 0 : i32
    %scan3A_49 = arith.constant 0 : i32
    %scan3A_50 = arith.constant 32 : i32
    %scan3A_51 = arith.addi %scan3A_49, %scan3A_50 : i32
    %scan3A_52 = arith.constant 1 : i32
    scf.for %scan3A_60 = %scan3A_49 to %scan3A_51 step %scan3A_52  : i32 {
      %mul3A_61 = arith.constant 256 : i32
      %mul3A_62 = arith.muli %scan3A_60, %mul3A_61 : i32
      %add3A_63 = arith.constant 0 : i32
      %add3A_64 = arith.addi %add3A_63, %mul3A_62 : i32
      %add3A_65 = arith.constant 0 : i32
      %add3A_66 = arith.addi %add3A_64, %add3A_65 : i32
      %multiple_of3A = tpu.assume_multiple %add3A_66, 16 : i32
      %mul3A_67 = arith.constant 256 : i32
      %mul3A_68 = arith.muli %scan3A_60, %mul3A_67 : i32
      %add3A_69 = arith.constant 0 : i32
      %add3A_70 = arith.addi %mul3A_68, %add3A_69 : i32
      %multiple_of3A_71 = tpu.assume_multiple %add3A_70, 16 : i32
      %get3A = arith.index_cast %multiple_of3A : i32 to index
      %get3A_72 = tpu.vector_load %arg5[%get3A] {strides = array<i32>} : memref<16384xi32, #tpu.memory_space<vmem>>, vector<16xi32>,
      %ge3A = arith.constant 1 : i32
      %ge3A_73 = vector.broadcast %ge3A : i32 to vector<16xi32>
      %ge3A_74 = arith.cmpi sge, %get3A_72, %ge3A_73 : vector<16xi32>
      %le3A = arith.constant 100000 : i32
      %le3A_75 = vector.broadcast %le3A : i32 to vector<16xi32>
      %le3A_76 = arith.cmpi sle, %get3A_72, %le3A_75 : vector<16xi32>
      %and3A = arith.andi %ge3A_74, %le3A_76 : vector<16xi1>
      %jit3A = arith.constant 0 : i32
      %broadcast_in_dim3A = vector.broadcast %jit3A : i32 to vector<16xi32>
      %select_n3A = arith.select %and3A, %get3A_72, %broadcast_in_dim3A : vector<16xi1>, vector<16xi32>
      %gather3A = tpu.vector_load_idx %arg6[%select_n3A] : memref<100001xf32, #tpu.memory_space<vmem>>[vector<16xi32>], vector<16xf32>,
      %swap3A = arith.index_cast %multiple_of3A_71 : i32 to index
      %swap3A_77 = tpu.vector_load %arg7[%swap3A] {strides = array<i32>} : memref<8192xf32, #tpu.memory_space<vmem>>, vector<16xf32>,
      tpu.vector_store %arg7[%swap3A], %gather3A {strides = array<i32>} : memref<8192xf32, #tpu.memory_space<vmem>>, vector<16xf32>,
      %mul3A_78 = arith.constant 256 : i32
      %mul3A_79 = arith.muli %scan3A_60, %mul3A_78 : i32
      %add3A_80 = arith.constant 0 : i32
      %add3A_81 = arith.addi %add3A_80, %mul3A_79 : i32
      %add3A_82 = arith.constant 16 : i32
      %add3A_83 = arith.addi %add3A_81, %add3A_82 : i32
      %multiple_of3A_84 = tpu.assume_multiple %add3A_83, 16 : i32
      %mul3A_85 = arith.constant 256 : i32
      %mul3A_86 = arith.muli %scan3A_60, %mul3A_85 : i32
      %add3A_87 = arith.constant 16 : i32
      %add3A_88 = arith.addi %mul3A_86, %add3A_87 : i32
      %multiple_of3A_89 = tpu.assume_multiple %add3A_88, 16 : i32
      %get3A_90 = arith.index_cast %multiple_of3A_84 : i32 to index
      %get3A_91 = tpu.vector_load %arg5[%get3A_90] {strides = array<i32>} : memref<16384xi32, #tpu.memory_space<vmem>>, vector<16xi32>,
      %ge3A_92 = arith.constant 1 : i32
      %ge3A_93 = vector.broadcast %ge3A_92 : i32 to vector<16xi32>
      %ge3A_94 = arith.cmpi sge, %get3A_91, %ge3A_93 : vector<16xi32>
      %le3A_95 = arith.constant 100000 : i32
      %le3A_96 = vector.broadcast %le3A_95 : i32 to vector<16xi32>
      %le3A_97 = arith.cmpi sle, %get3A_91, %le3A_96 : vector<16xi32>
      %and3A_98 = arith.andi %ge3A_94, %le3A_97 : vector<16xi1>
      %jit3A_99 = arith.constant 0 : i32
      %broadcast_in_dim3A_100 = vector.broadcast %jit3A_99 : i32 to vector<16xi32>
      %select_n3A_101 = arith.select %and3A_98, %get3A_91, %broadcast_in_dim3A_100 : vector<16xi1>, vector<16xi32>
      %gather3A_102 = tpu.vector_load_idx %arg6[%select_n3A_101] : memref<100001xf32, #tpu.memory_space<vmem>>[vector<16xi32>], vector<16xf32>,
      %swap3A_103 = arith.index_cast %multiple_of3A_89 : i32 to index
      %swap3A_104 = tpu.vector_load %arg7[%swap3A_103] {strides = array<i32>} : memref<8192xf32, #tpu.memory_space<vmem>>, vector<16xf32>,
      tpu.vector_store %arg7[%swap3A_103], %gather3A_102 {strides = array<i32>} : memref<8192xf32, #tpu.memory_space<vmem>>, vector<16xf32>,
      %mul3A_105 = arith.constant 256 : i32
      %mul3A_106 = arith.muli %scan3A_60, %mul3A_105 : i32
      %add3A_107 = arith.constant 0 : i32
      %add3A_108 = arith.addi %add3A_107, %mul3A_106 : i32
      %add3A_109 = arith.constant 32 : i32
      %add3A_110 = arith.addi %add3A_108, %add3A_109 : i32
      %multiple_of3A_111 = tpu.assume_multiple %add3A_110, 16 : i32
      %mul3A_112 = arith.constant 256 : i32
      %mul3A_113 = arith.muli %scan3A_60, %mul3A_112 : i32
      %add3A_114 = arith.constant 32 : i32
      %add3A_115 = arith.addi %mul3A_113, %add3A_114 : i32
      %multiple_of3A_116 = tpu.assume_multiple %add3A_115, 16 : i32
      %get3A_117 = arith.index_cast %multiple_of3A_111 : i32 to index
      %get3A_118 = tpu.vector_load %arg5[%get3A_117] {strides = array<i32>} : memref<16384xi32, #tpu.memory_space<vmem>>, vector<16xi32>,
      %ge3A_119 = arith.constant 1 : i32
      %ge3A_120 = vector.broadcast %ge3A_119 : i32 to vector<16xi32>
      %ge3A_121 = arith.cmpi sge, %get3A_118, %ge3A_120 : vector<16xi32>
      %le3A_122 = arith.constant 100000 : i32
      %le3A_123 = vector.broadcast %le3A_122 : i32 to vector<16xi32>
      %le3A_124 = arith.cmpi sle, %get3A_118, %le3A_123 : vector<16xi32>
      %and3A_125 = arith.andi %ge3A_121, %le3A_124 : vector<16xi1>
      %jit3A_126 = arith.constant 0 : i32
      %broadcast_in_dim3A_127 = vector.broadcast %jit3A_126 : i32 to vector<16xi32>
      %select_n3A_128 = arith.select %and3A_125, %get3A_118, %broadcast_in_dim3A_127 : vector<16xi1>, vector<16xi32>
      %gather3A_129 = tpu.vector_load_idx %arg6[%select_n3A_128] : memref<100001xf32, #tpu.memory_space<vmem>>[vector<16xi32>], vector<16xf32>,
      %swap3A_130 = arith.index_cast %multiple_of3A_116 : i32 to index
      %swap3A_131 = tpu.vector_load %arg7[%swap3A_130] {strides = array<i32>} : memref<8192xf32, #tpu.memory_space<vmem>>, vector<16xf32>,
      tpu.vector_store %arg7[%swap3A_130], %gather3A_129 {strides = array<i32>} : memref<8192xf32, #tpu.memory_space<vmem>>, vector<16xf32>,
      %mul3A_132 = arith.constant 256 : i32
      %mul3A_133 = arith.muli %scan3A_60, %mul3A_132 : i32
      %add3A_134 = arith.constant 0 : i32
      %add3A_135 = arith.addi %add3A_134, %mul3A_133 : i32
      %add3A_136 = arith.constant 48 : i32
      %add3A_137 = arith.addi %add3A_135, %add3A_136 : i32
      %multiple_of3A_138 = tpu.assume_multiple %add3A_137, 16 : i32
      %mul3A_139 = arith.constant 256 : i32
      %mul3A_140 = arith.muli %scan3A_60, %mul3A_139 : i32
      %add3A_141 = arith.constant 48 : i32
      %add3A_142 = arith.addi %mul3A_140, %add3A_141 : i32
      %multiple_of3A_143 = tpu.assume_multiple %add3A_142, 16 : i32
      %get3A_144 = arith.index_cast %multiple_of3A_138 : i32 to index
      %get3A_145 = tpu.vector_load %arg5[%get3A_144] {strides = array<i32>} : memref<16384xi32, #tpu.memory_space<vmem>>, vector<16xi32>,
      %ge3A_146 = arith.constant 1 : i32
      %ge3A_147 = vector.broadcast %ge3A_146 : i32 to vector<16xi32>
      %ge3A_148 = arith.cmpi sge, %get3A_145, %ge3A_147 : vector<16xi32>
      %le3A_149 = arith.constant 100000 : i32
      %le3A_150 = vector.broadcast %le3A_149 : i32 to vector<16xi32>
      %le3A_151 = arith.cmpi sle, %get3A_145, %le3A_150 : vector<16xi32>
      %and3A_152 = arith.andi %ge3A_148, %le3A_151 : vector<16xi1>
      %jit3A_153 = arith.constant 0 : i32
      %broadcast_in_dim3A_154 = vector.broadcast %jit3A_153 : i32 to vector<16xi32>
      %select_n3A_155 = arith.select %and3A_152, %get3A_145, %broadcast_in_dim3A_154 : vector<16xi1>, vector<16xi32>
      %gather3A_156 = tpu.vector_load_idx %arg6[%select_n3A_155] : memref<100001xf32, #tpu.memory_space<vmem>>[vector<16xi32>], vector<16xf32>,
      %swap3A_157 = arith.index_cast %multiple_of3A_143 : i32 to index
      %swap3A_158 = tpu.vector_load %arg7[%swap3A_157] {strides = array<i32>} : memref<8192xf32, #tpu.memory_space<vmem>>, vector<16xf32>,
      tpu.vector_store %arg7[%swap3A_157], %gather3A_156 {strides = array<i32>} : memref<8192xf32, #tpu.memory_space<vmem>>, vector<16xf32>,
      %mul3A_159 = arith.constant 256 : i32
      %mul3A_160 = arith.muli %scan3A_60, %mul3A_159 : i32
      %add3A_161 = arith.constant 0 : i32
      %add3A_162 = arith.addi %add3A_161, %mul3A_160 : i32
      %add3A_163 = arith.constant 64 : i32
      %add3A_164 = arith.addi %add3A_162, %add3A_163 : i32
      %multiple_of3A_165 = tpu.assume_multiple %add3A_164, 16 : i32
      %mul3A_166 = arith.constant 256 : i32
      %mul3A_167 = arith.muli %scan3A_60, %mul3A_166 : i32
      %add3A_168 = arith.constant 64 : i32
      %add3A_169 = arith.addi %mul3A_167, %add3A_168 : i32
      %multiple_of3A_170 = tpu.assume_multiple %add3A_169, 16 : i32
      %get3A_171 = arith.index_cast %multiple_of3A_165 : i32 to index
      %get3A_172 = tpu.vector_load %arg5[%get3A_171] {strides = array<i32>} : memref<16384xi32, #tpu.memory_space<vmem>>, vector<16xi32>,
      %ge3A_173 = arith.constant 1 : i32
      %ge3A_174 = vector.broadcast %ge3A_173 : i32 to vector<16xi32>
      %ge3A_175 = arith.cmpi sge, %get3A_172, %ge3A_174 : vector<16xi32>
      %le3A_176 = arith.constant 100000 : i32
      %le3A_177 = vector.broadcast %le3A_176 : i32 to vector<16xi32>
      %le3A_178 = arith.cmpi sle, %get3A_172, %le3A_177 : vector<16xi32>
      %and3A_179 = arith.andi %ge3A_175, %le3A_178 : vector<16xi1>
      %jit3A_180 = arith.constant 0 : i32
      %broadcast_in_dim3A_181 = vector.broadcast %jit3A_180 : i32 to vector<16xi32>
      %select_n3A_182 = arith.select %and3A_179, %get3A_172, %broadcast_in_dim3A_181 : vector<16xi1>, vector<16xi32>
      %gather3A_183 = tpu.vector_load_idx %arg6[%select_n3A_182] : memref<100001xf32, #tpu.memory_space<vmem>>[vector<16xi32>], vector<16xf32>,
      %swap3A_184 = arith.index_cast %multiple_of3A_170 : i32 to index
      %swap3A_185 = tpu.vector_load %arg7[%swap3A_184] {strides = array<i32>} : memref<8192xf32, #tpu.memory_space<vmem>>, vector<16xf32>,
      tpu.vector_store %arg7[%swap3A_184], %gather3A_183 {strides = array<i32>} : memref<8192xf32, #tpu.memory_space<vmem>>, vector<16xf32>,
      %mul3A_186 = arith.constant 256 : i32
      %mul3A_187 = arith.muli %scan3A_60, %mul3A_186 : i32
      %add3A_188 = arith.constant 0 : i32
      %add3A_189 = arith.addi %add3A_188, %mul3A_187 : i32
      %add3A_190 = arith.constant 80 : i32
      %add3A_191 = arith.addi %add3A_189, %add3A_190 : i32
      %multiple_of3A_192 = tpu.assume_multiple %add3A_191, 16 : i32
      %mul3A_193 = arith.constant 256 : i32
      %mul3A_194 = arith.muli %scan3A_60, %mul3A_193 : i32
      %add3A_195 = arith.constant 80 : i32
      %add3A_196 = arith.addi %mul3A_194, %add3A_195 : i32
      %multiple_of3A_197 = tpu.assume_multiple %add3A_196, 16 : i32
      %get3A_198 = arith.index_cast %multiple_of3A_192 : i32 to index
      %get3A_199 = tpu.vector_load %arg5[%get3A_198] {strides = array<i32>} : memref<16384xi32, #tpu.memory_space<vmem>>, vector<16xi32>,
      %ge3A_200 = arith.constant 1 : i32
      %ge3A_201 = vector.broadcast %ge3A_200 : i32 to vector<16xi32>
      %ge3A_202 = arith.cmpi sge, %get3A_199, %ge3A_201 : vector<16xi32>
      %le3A_203 = arith.constant 100000 : i32
      %le3A_204 = vector.broadcast %le3A_203 : i32 to vector<16xi32>
      %le3A_205 = arith.cmpi sle, %get3A_199, %le3A_204 : vector<16xi32>
      %and3A_206 = arith.andi %ge3A_202, %le3A_205 : vector<16xi1>
      %jit3A_207 = arith.constant 0 : i32
      %broadcast_in_dim3A_208 = vector.broadcast %jit3A_207 : i32 to vector<16xi32>
      %select_n3A_209 = arith.select %and3A_206, %get3A_199, %broadcast_in_dim3A_208 : vector<16xi1>, vector<16xi32>
      %gather3A_210 = tpu.vector_load_idx %arg6[%select_n3A_209] : memref<100001xf32, #tpu.memory_space<vmem>>[vector<16xi32>], vector<16xf32>,
      %swap3A_211 = arith.index_cast %multiple_of3A_197 : i32 to index
      %swap3A_212 = tpu.vector_load %arg7[%swap3A_211] {strides = array<i32>} : memref<8192xf32, #tpu.memory_space<vmem>>, vector<16xf32>,
      tpu.vector_store %arg7[%swap3A_211], %gather3A_210 {strides = array<i32>} : memref<8192xf32, #tpu.memory_space<vmem>>, vector<16xf32>,
      %mul3A_213 = arith.constant 256 : i32
      %mul3A_214 = arith.muli %scan3A_60, %mul3A_213 : i32
      %add3A_215 = arith.constant 0 : i32
      %add3A_216 = arith.addi %add3A_215, %mul3A_214 : i32
      %add3A_217 = arith.constant 96 : i32
      %add3A_218 = arith.addi %add3A_216, %add3A_217 : i32
      %multiple_of3A_219 = tpu.assume_multiple %add3A_218, 16 : i32
      %mul3A_220 = arith.constant 256 : i32
      %mul3A_221 = arith.muli %scan3A_60, %mul3A_220 : i32
      %add3A_222 = arith.constant 96 : i32
      %add3A_223 = arith.addi %mul3A_221, %add3A_222 : i32
      %multiple_of3A_224 = tpu.assume_multiple %add3A_223, 16 : i32
      %get3A_225 = arith.index_cast %multiple_of3A_219 : i32 to index
      %get3A_226 = tpu.vector_load %arg5[%get3A_225] {strides = array<i32>} : memref<16384xi32, #tpu.memory_space<vmem>>, vector<16xi32>,
      %ge3A_227 = arith.constant 1 : i32
      %ge3A_228 = vector.broadcast %ge3A_227 : i32 to vector<16xi32>
      %ge3A_229 = arith.cmpi sge, %get3A_226, %ge3A_228 : vector<16xi32>
      %le3A_230 = arith.constant 100000 : i32
      %le3A_231 = vector.broadcast %le3A_230 : i32 to vector<16xi32>
      %le3A_232 = arith.cmpi sle, %get3A_226, %le3A_231 : vector<16xi32>
      %and3A_233 = arith.andi %ge3A_229, %le3A_232 : vector<16xi1>
      %jit3A_234 = arith.constant 0 : i32
      %broadcast_in_dim3A_235 = vector.broadcast %jit3A_234 : i32 to vector<16xi32>
      %select_n3A_236 = arith.select %and3A_233, %get3A_226, %broadcast_in_dim3A_235 : vector<16xi1>, vector<16xi32>
      %gather3A_237 = tpu.vector_load_idx %arg6[%select_n3A_236] : memref<100001xf32, #tpu.memory_space<vmem>>[vector<16xi32>], vector<16xf32>,
      %swap3A_238 = arith.index_cast %multiple_of3A_224 : i32 to index
      %swap3A_239 = tpu.vector_load %arg7[%swap3A_238] {strides = array<i32>} : memref<8192xf32, #tpu.memory_space<vmem>>, vector<16xf32>,
      tpu.vector_store %arg7[%swap3A_238], %gather3A_237 {strides = array<i32>} : memref<8192xf32, #tpu.memory_space<vmem>>, vector<16xf32>,
      %mul3A_240 = arith.constant 256 : i32
      %mul3A_241 = arith.muli %scan3A_60, %mul3A_240 : i32
      %add3A_242 = arith.constant 0 : i32
      %add3A_243 = arith.addi %add3A_242, %mul3A_241 : i32
      %add3A_244 = arith.constant 112 : i32
      %add3A_245 = arith.addi %add3A_243, %add3A_244 : i32
      %multiple_of3A_246 = tpu.assume_multiple %add3A_245, 16 : i32
      %mul3A_247 = arith.constant 256 : i32
      %mul3A_248 = arith.muli %scan3A_60, %mul3A_247 : i32
      %add3A_249 = arith.constant 112 : i32
      %add3A_250 = arith.addi %mul3A_248, %add3A_249 : i32
      %multiple_of3A_251 = tpu.assume_multiple %add3A_250, 16 : i32
      %get3A_252 = arith.index_cast %multiple_of3A_246 : i32 to index
      %get3A_253 = tpu.vector_load %arg5[%get3A_252] {strides = array<i32>} : memref<16384xi32, #tpu.memory_space<vmem>>, vector<16xi32>,
      %ge3A_254 = arith.constant 1 : i32
      %ge3A_255 = vector.broadcast %ge3A_254 : i32 to vector<16xi32>
      %ge3A_256 = arith.cmpi sge, %get3A_253, %ge3A_255 : vector<16xi32>
      %le3A_257 = arith.constant 100000 : i32
      %le3A_258 = vector.broadcast %le3A_257 : i32 to vector<16xi32>
      %le3A_259 = arith.cmpi sle, %get3A_253, %le3A_258 : vector<16xi32>
      %and3A_260 = arith.andi %ge3A_256, %le3A_259 : vector<16xi1>
      %jit3A_261 = arith.constant 0 : i32
      %broadcast_in_dim3A_262 = vector.broadcast %jit3A_261 : i32 to vector<16xi32>
      %select_n3A_263 = arith.select %and3A_260, %get3A_253, %broadcast_in_dim3A_262 : vector<16xi1>, vector<16xi32>
      %gather3A_264 = tpu.vector_load_idx %arg6[%select_n3A_263] : memref<100001xf32, #tpu.memory_space<vmem>>[vector<16xi32>], vector<16xf32>,
      %swap3A_265 = arith.index_cast %multiple_of3A_251 : i32 to index
      %swap3A_266 = tpu.vector_load %arg7[%swap3A_265] {strides = array<i32>} : memref<8192xf32, #tpu.memory_space<vmem>>, vector<16xf32>,
      tpu.vector_store %arg7[%swap3A_265], %gather3A_264 {strides = array<i32>} : memref<8192xf32, #tpu.memory_space<vmem>>, vector<16xf32>,
      %mul3A_267 = arith.constant 256 : i32
      %mul3A_268 = arith.muli %scan3A_60, %mul3A_267 : i32
      %add3A_269 = arith.constant 0 : i32
      %add3A_270 = arith.addi %add3A_269, %mul3A_268 : i32
      %add3A_271 = arith.constant 128 : i32
      %add3A_272 = arith.addi %add3A_270, %add3A_271 : i32
      %multiple_of3A_273 = tpu.assume_multiple %add3A_272, 16 : i32
      %mul3A_274 = arith.constant 256 : i32
      %mul3A_275 = arith.muli %scan3A_60, %mul3A_274 : i32
      %add3A_276 = arith.constant 128 : i32
      %add3A_277 = arith.addi %mul3A_275, %add3A_276 : i32
      %multiple_of3A_278 = tpu.assume_multiple %add3A_277, 16 : i32
      %get3A_279 = arith.index_cast %multiple_of3A_273 : i32 to index
      %get3A_280 = tpu.vector_load %arg5[%get3A_279] {strides = array<i32>} : memref<16384xi32, #tpu.memory_space<vmem>>, vector<16xi32>,
      %ge3A_281 = arith.constant 1 : i32
      %ge3A_282 = vector.broadcast %ge3A_281 : i32 to vector<16xi32>
      %ge3A_283 = arith.cmpi sge, %get3A_280, %ge3A_282 : vector<16xi32>
      %le3A_284 = arith.constant 100000 : i32
      %le3A_285 = vector.broadcast %le3A_284 : i32 to vector<16xi32>
      %le3A_286 = arith.cmpi sle, %get3A_280, %le3A_285 : vector<16xi32>
      %and3A_287 = arith.andi %ge3A_283, %le3A_286 : vector<16xi1>
      %jit3A_288 = arith.constant 0 : i32
      %broadcast_in_dim3A_289 = vector.broadcast %jit3A_288 : i32 to vector<16xi32>
      %select_n3A_290 = arith.select %and3A_287, %get3A_280, %broadcast_in_dim3A_289 : vector<16xi1>, vector<16xi32>
      %gather3A_291 = tpu.vector_load_idx %arg6[%select_n3A_290] : memref<100001xf32, #tpu.memory_space<vmem>>[vector<16xi32>], vector<16xf32>,
      %swap3A_292 = arith.index_cast %multiple_of3A_278 : i32 to index
      %swap3A_293 = tpu.vector_load %arg7[%swap3A_292] {strides = array<i32>} : memref<8192xf32, #tpu.memory_space<vmem>>, vector<16xf32>,
      tpu.vector_store %arg7[%swap3A_292], %gather3A_291 {strides = array<i32>} : memref<8192xf32, #tpu.memory_space<vmem>>, vector<16xf32>,
      %mul3A_294 = arith.constant 256 : i32
      %mul3A_295 = arith.muli %scan3A_60, %mul3A_294 : i32
      %add3A_296 = arith.constant 0 : i32
      %add3A_297 = arith.addi %add3A_296, %mul3A_295 : i32
      %add3A_298 = arith.constant 144 : i32
      %add3A_299 = arith.addi %add3A_297, %add3A_298 : i32
      %multiple_of3A_300 = tpu.assume_multiple %add3A_299, 16 : i32
      %mul3A_301 = arith.constant 256 : i32
      %mul3A_302 = arith.muli %scan3A_60, %mul3A_301 : i32
      %add3A_303 = arith.constant 144 : i32
      %add3A_304 = arith.addi %mul3A_302, %add3A_303 : i32
      %multiple_of3A_305 = tpu.assume_multiple %add3A_304, 16 : i32
      %get3A_306 = arith.index_cast %multiple_of3A_300 : i32 to index
      %get3A_307 = tpu.vector_load %arg5[%get3A_306] {strides = array<i32>} : memref<16384xi32, #tpu.memory_space<vmem>>, vector<16xi32>,
      %ge3A_308 = arith.constant 1 : i32
      %ge3A_309 = vector.broadcast %ge3A_308 : i32 to vector<16xi32>
      %ge3A_310 = arith.cmpi sge, %get3A_307, %ge3A_309 : vector<16xi32>
      %le3A_311 = arith.constant 100000 : i32
      %le3A_312 = vector.broadcast %le3A_311 : i32 to vector<16xi32>
      %le3A_313 = arith.cmpi sle, %get3A_307, %le3A_312 : vector<16xi32>
      %and3A_314 = arith.andi %ge3A_310, %le3A_313 : vector<16xi1>
      %jit3A_315 = arith.constant 0 : i32
      %broadcast_in_dim3A_316 = vector.broadcast %jit3A_315 : i32 to vector<16xi32>
      %select_n3A_317 = arith.select %and3A_314, %get3A_307, %broadcast_in_dim3A_316 : vector<16xi1>, vector<16xi32>
      %gather3A_318 = tpu.vector_load_idx %arg6[%select_n3A_317] : memref<100001xf32, #tpu.memory_space<vmem>>[vector<16xi32>], vector<16xf32>,
      %swap3A_319 = arith.index_cast %multiple_of3A_305 : i32 to index
      %swap3A_320 = tpu.vector_load %arg7[%swap3A_319] {strides = array<i32>} : memref<8192xf32, #tpu.memory_space<vmem>>, vector<16xf32>,
      tpu.vector_store %arg7[%swap3A_319], %gather3A_318 {strides = array<i32>} : memref<8192xf32, #tpu.memory_space<vmem>>, vector<16xf32>,
      %mul3A_321 = arith.constant 256 : i32
      %mul3A_322 = arith.muli %scan3A_60, %mul3A_321 : i32
      %add3A_323 = arith.constant 0 : i32
      %add3A_324 = arith.addi %add3A_323, %mul3A_322 : i32
      %add3A_325 = arith.constant 160 : i32
      %add3A_326 = arith.addi %add3A_324, %add3A_325 : i32
      %multiple_of3A_327 = tpu.assume_multiple %add3A_326, 16 : i32
      %mul3A_328 = arith.constant 256 : i32
      %mul3A_329 = arith.muli %scan3A_60, %mul3A_328 : i32
      %add3A_330 = arith.constant 160 : i32
      %add3A_331 = arith.addi %mul3A_329, %add3A_330 : i32
      %multiple_of3A_332 = tpu.assume_multiple %add3A_331, 16 : i32
      %get3A_333 = arith.index_cast %multiple_of3A_327 : i32 to index
      %get3A_334 = tpu.vector_load %arg5[%get3A_333] {strides = array<i32>} : memref<16384xi32, #tpu.memory_space<vmem>>, vector<16xi32>,
      %ge3A_335 = arith.constant 1 : i32
      %ge3A_336 = vector.broadcast %ge3A_335 : i32 to vector<16xi32>
      %ge3A_337 = arith.cmpi sge, %get3A_334, %ge3A_336 : vector<16xi32>
      %le3A_338 = arith.constant 100000 : i32
      %le3A_339 = vector.broadcast %le3A_338 : i32 to vector<16xi32>
      %le3A_340 = arith.cmpi sle, %get3A_334, %le3A_339 : vector<16xi32>
      %and3A_341 = arith.andi %ge3A_337, %le3A_340 : vector<16xi1>
      %jit3A_342 = arith.constant 0 : i32
      %broadcast_in_dim3A_343 = vector.broadcast %jit3A_342 : i32 to vector<16xi32>
      %select_n3A_344 = arith.select %and3A_341, %get3A_334, %broadcast_in_dim3A_343 : vector<16xi1>, vector<16xi32>
      %gather3A_345 = tpu.vector_load_idx %arg6[%select_n3A_344] : memref<100001xf32, #tpu.memory_space<vmem>>[vector<16xi32>], vector<16xf32>,
      %swap3A_346 = arith.index_cast %multiple_of3A_332 : i32 to index
      %swap3A_347 = tpu.vector_load %arg7[%swap3A_346] {strides = array<i32>} : memref<8192xf32, #tpu.memory_space<vmem>>, vector<16xf32>,
      tpu.vector_store %arg7[%swap3A_346], %gather3A_345 {strides = array<i32>} : memref<8192xf32, #tpu.memory_space<vmem>>, vector<16xf32>,
      %mul3A_348 = arith.constant 256 : i32
      %mul3A_349 = arith.muli %scan3A_60, %mul3A_348 : i32
      %add3A_350 = arith.constant 0 : i32
      %add3A_351 = arith.addi %add3A_350, %mul3A_349 : i32
      %add3A_352 = arith.constant 176 : i32
      %add3A_353 = arith.addi %add3A_351, %add3A_352 : i32
      %multiple_of3A_354 = tpu.assume_multiple %add3A_353, 16 : i32
      %mul3A_355 = arith.constant 256 : i32
      %mul3A_356 = arith.muli %scan3A_60, %mul3A_355 : i32
      %add3A_357 = arith.constant 176 : i32
      %add3A_358 = arith.addi %mul3A_356, %add3A_357 : i32
      %multiple_of3A_359 = tpu.assume_multiple %add3A_358, 16 : i32
      %get3A_360 = arith.index_cast %multiple_of3A_354 : i32 to index
      %get3A_361 = tpu.vector_load %arg5[%get3A_360] {strides = array<i32>} : memref<16384xi32, #tpu.memory_space<vmem>>, vector<16xi32>,
      %ge3A_362 = arith.constant 1 : i32
      %ge3A_363 = vector.broadcast %ge3A_362 : i32 to vector<16xi32>
      %ge3A_364 = arith.cmpi sge, %get3A_361, %ge3A_363 : vector<16xi32>
      %le3A_365 = arith.constant 100000 : i32
      %le3A_366 = vector.broadcast %le3A_365 : i32 to vector<16xi32>
      %le3A_367 = arith.cmpi sle, %get3A_361, %le3A_366 : vector<16xi32>
      %and3A_368 = arith.andi %ge3A_364, %le3A_367 : vector<16xi1>
      %jit3A_369 = arith.constant 0 : i32
      %broadcast_in_dim3A_370 = vector.broadcast %jit3A_369 : i32 to vector<16xi32>
      %select_n3A_371 = arith.select %and3A_368, %get3A_361, %broadcast_in_dim3A_370 : vector<16xi1>, vector<16xi32>
      %gather3A_372 = tpu.vector_load_idx %arg6[%select_n3A_371] : memref<100001xf32, #tpu.memory_space<vmem>>[vector<16xi32>], vector<16xf32>,
      %swap3A_373 = arith.index_cast %multiple_of3A_359 : i32 to index
      %swap3A_374 = tpu.vector_load %arg7[%swap3A_373] {strides = array<i32>} : memref<8192xf32, #tpu.memory_space<vmem>>, vector<16xf32>,
      tpu.vector_store %arg7[%swap3A_373], %gather3A_372 {strides = array<i32>} : memref<8192xf32, #tpu.memory_space<vmem>>, vector<16xf32>,
      %mul3A_375 = arith.constant 256 : i32
      %mul3A_376 = arith.muli %scan3A_60, %mul3A_375 : i32
      %add3A_377 = arith.constant 0 : i32
      %add3A_378 = arith.addi %add3A_377, %mul3A_376 : i32
      %add3A_379 = arith.constant 192 : i32
      %add3A_380 = arith.addi %add3A_378, %add3A_379 : i32
      %multiple_of3A_381 = tpu.assume_multiple %add3A_380, 16 : i32
      %mul3A_382 = arith.constant 256 : i32
      %mul3A_383 = arith.muli %scan3A_60, %mul3A_382 : i32
      %add3A_384 = arith.constant 192 : i32
      %add3A_385 = arith.addi %mul3A_383, %add3A_384 : i32
      %multiple_of3A_386 = tpu.assume_multiple %add3A_385, 16 : i32
      %get3A_387 = arith.index_cast %multiple_of3A_381 : i32 to index
      %get3A_388 = tpu.vector_load %arg5[%get3A_387] {strides = array<i32>} : memref<16384xi32, #tpu.memory_space<vmem>>, vector<16xi32>,
      %ge3A_389 = arith.constant 1 : i32
      %ge3A_390 = vector.broadcast %ge3A_389 : i32 to vector<16xi32>
      %ge3A_391 = arith.cmpi sge, %get3A_388, %ge3A_390 : vector<16xi32>
      %le3A_392 = arith.constant 100000 : i32
      %le3A_393 = vector.broadcast %le3A_392 : i32 to vector<16xi32>
      %le3A_394 = arith.cmpi sle, %get3A_388, %le3A_393 : vector<16xi32>
      %and3A_395 = arith.andi %ge3A_391, %le3A_394 : vector<16xi1>
      %jit3A_396 = arith.constant 0 : i32
      %broadcast_in_dim3A_397 = vector.broadcast %jit3A_396 : i32 to vector<16xi32>
      %select_n3A_398 = arith.select %and3A_395, %get3A_388, %broadcast_in_dim3A_397 : vector<16xi1>, vector<16xi32>
      %gather3A_399 = tpu.vector_load_idx %arg6[%select_n3A_398] : memref<100001xf32, #tpu.memory_space<vmem>>[vector<16xi32>], vector<16xf32>,
      %swap3A_400 = arith.index_cast %multiple_of3A_386 : i32 to index
      %swap3A_401 = tpu.vector_load %arg7[%swap3A_400] {strides = array<i32>} : memref<8192xf32, #tpu.memory_space<vmem>>, vector<16xf32>,
      tpu.vector_store %arg7[%swap3A_400], %gather3A_399 {strides = array<i32>} : memref<8192xf32, #tpu.memory_space<vmem>>, vector<16xf32>,
      %mul3A_402 = arith.constant 256 : i32
      %mul3A_403 = arith.muli %scan3A_60, %mul3A_402 : i32
      %add3A_404 = arith.constant 0 : i32
      %add3A_405 = arith.addi %add3A_404, %mul3A_403 : i32
      %add3A_406 = arith.constant 208 : i32
      %add3A_407 = arith.addi %add3A_405, %add3A_406 : i32
      %multiple_of3A_408 = tpu.assume_multiple %add3A_407, 16 : i32
      %mul3A_409 = arith.constant 256 : i32
      %mul3A_410 = arith.muli %scan3A_60, %mul3A_409 : i32
      %add3A_411 = arith.constant 208 : i32
      %add3A_412 = arith.addi %mul3A_410, %add3A_411 : i32
      %multiple_of3A_413 = tpu.assume_multiple %add3A_412, 16 : i32
      %get3A_414 = arith.index_cast %multiple_of3A_408 : i32 to index
      %get3A_415 = tpu.vector_load %arg5[%get3A_414] {strides = array<i32>} : memref<16384xi32, #tpu.memory_space<vmem>>, vector<16xi32>,
      %ge3A_416 = arith.constant 1 : i32
      %ge3A_417 = vector.broadcast %ge3A_416 : i32 to vector<16xi32>
      %ge3A_418 = arith.cmpi sge, %get3A_415, %ge3A_417 : vector<16xi32>
      %le3A_419 = arith.constant 100000 : i32
      %le3A_420 = vector.broadcast %le3A_419 : i32 to vector<16xi32>
      %le3A_421 = arith.cmpi sle, %get3A_415, %le3A_420 : vector<16xi32>
      %and3A_422 = arith.andi %ge3A_418, %le3A_421 : vector<16xi1>
      %jit3A_423 = arith.constant 0 : i32
      %broadcast_in_dim3A_424 = vector.broadcast %jit3A_423 : i32 to vector<16xi32>
      %select_n3A_425 = arith.select %and3A_422, %get3A_415, %broadcast_in_dim3A_424 : vector<16xi1>, vector<16xi32>
      %gather3A_426 = tpu.vector_load_idx %arg6[%select_n3A_425] : memref<100001xf32, #tpu.memory_space<vmem>>[vector<16xi32>], vector<16xf32>,
      %swap3A_427 = arith.index_cast %multiple_of3A_413 : i32 to index
      %swap3A_428 = tpu.vector_load %arg7[%swap3A_427] {strides = array<i32>} : memref<8192xf32, #tpu.memory_space<vmem>>, vector<16xf32>,
      tpu.vector_store %arg7[%swap3A_427], %gather3A_426 {strides = array<i32>} : memref<8192xf32, #tpu.memory_space<vmem>>, vector<16xf32>,
      %mul3A_429 = arith.constant 256 : i32
      %mul3A_430 = arith.muli %scan3A_60, %mul3A_429 : i32
      %add3A_431 = arith.constant 0 : i32
      %add3A_432 = arith.addi %add3A_431, %mul3A_430 : i32
      %add3A_433 = arith.constant 224 : i32
      %add3A_434 = arith.addi %add3A_432, %add3A_433 : i32
      %multiple_of3A_435 = tpu.assume_multiple %add3A_434, 16 : i32
      %mul3A_436 = arith.constant 256 : i32
      %mul3A_437 = arith.muli %scan3A_60, %mul3A_436 : i32
      %add3A_438 = arith.constant 224 : i32
      %add3A_439 = arith.addi %mul3A_437, %add3A_438 : i32
      %multiple_of3A_440 = tpu.assume_multiple %add3A_439, 16 : i32
      %get3A_441 = arith.index_cast %multiple_of3A_435 : i32 to index
      %get3A_442 = tpu.vector_load %arg5[%get3A_441] {strides = array<i32>} : memref<16384xi32, #tpu.memory_space<vmem>>, vector<16xi32>,
      %ge3A_443 = arith.constant 1 : i32
      %ge3A_444 = vector.broadcast %ge3A_443 : i32 to vector<16xi32>
      %ge3A_445 = arith.cmpi sge, %get3A_442, %ge3A_444 : vector<16xi32>
      %le3A_446 = arith.constant 100000 : i32
      %le3A_447 = vector.broadcast %le3A_446 : i32 to vector<16xi32>
      %le3A_448 = arith.cmpi sle, %get3A_442, %le3A_447 : vector<16xi32>
      %and3A_449 = arith.andi %ge3A_445, %le3A_448 : vector<16xi1>
      %jit3A_450 = arith.constant 0 : i32
      %broadcast_in_dim3A_451 = vector.broadcast %jit3A_450 : i32 to vector<16xi32>
      %select_n3A_452 = arith.select %and3A_449, %get3A_442, %broadcast_in_dim3A_451 : vector<16xi1>, vector<16xi32>
      %gather3A_453 = tpu.vector_load_idx %arg6[%select_n3A_452] : memref<100001xf32, #tpu.memory_space<vmem>>[vector<16xi32>], vector<16xf32>,
      %swap3A_454 = arith.index_cast %multiple_of3A_440 : i32 to index
      %swap3A_455 = tpu.vector_load %arg7[%swap3A_454] {strides = array<i32>} : memref<8192xf32, #tpu.memory_space<vmem>>, vector<16xf32>,
      tpu.vector_store %arg7[%swap3A_454], %gather3A_453 {strides = array<i32>} : memref<8192xf32, #tpu.memory_space<vmem>>, vector<16xf32>,
      %mul3A_456 = arith.constant 256 : i32
      %mul3A_457 = arith.muli %scan3A_60, %mul3A_456 : i32
      %add3A_458 = arith.constant 0 : i32
      %add3A_459 = arith.addi %add3A_458, %mul3A_457 : i32
      %add3A_460 = arith.constant 240 : i32
      %add3A_461 = arith.addi %add3A_459, %add3A_460 : i32
      %multiple_of3A_462 = tpu.assume_multiple %add3A_461, 16 : i32
      %mul3A_463 = arith.constant 256 : i32
      %mul3A_464 = arith.muli %scan3A_60, %mul3A_463 : i32
      %add3A_465 = arith.constant 240 : i32
      %add3A_466 = arith.addi %mul3A_464, %add3A_465 : i32
      %multiple_of3A_467 = tpu.assume_multiple %add3A_466, 16 : i32
      %get3A_468 = arith.index_cast %multiple_of3A_462 : i32 to index
      %get3A_469 = tpu.vector_load %arg5[%get3A_468] {strides = array<i32>} : memref<16384xi32, #tpu.memory_space<vmem>>, vector<16xi32>,
      %ge3A_470 = arith.constant 1 : i32
      %ge3A_471 = vector.broadcast %ge3A_470 : i32 to vector<16xi32>
      %ge3A_472 = arith.cmpi sge, %get3A_469, %ge3A_471 : vector<16xi32>
      %le3A_473 = arith.constant 100000 : i32
      %le3A_474 = vector.broadcast %le3A_473 : i32 to vector<16xi32>
      %le3A_475 = arith.cmpi sle, %get3A_469, %le3A_474 : vector<16xi32>
      %and3A_476 = arith.andi %ge3A_472, %le3A_475 : vector<16xi1>
      %jit3A_477 = arith.constant 0 : i32
      %broadcast_in_dim3A_478 = vector.broadcast %jit3A_477 : i32 to vector<16xi32>
      %select_n3A_479 = arith.select %and3A_476, %get3A_469, %broadcast_in_dim3A_478 : vector<16xi1>, vector<16xi32>
      %gather3A_480 = tpu.vector_load_idx %arg6[%select_n3A_479] : memref<100001xf32, #tpu.memory_space<vmem>>[vector<16xi32>], vector<16xf32>,
      %swap3A_481 = arith.index_cast %multiple_of3A_467 : i32 to index
      %swap3A_482 = tpu.vector_load %arg7[%swap3A_481] {strides = array<i32>} : memref<8192xf32, #tpu.memory_space<vmem>>, vector<16xf32>,
      tpu.vector_store %arg7[%swap3A_481], %gather3A_480 {strides = array<i32>} : memref<8192xf32, #tpu.memory_space<vmem>>, vector<16xf32>,
    }
    %scan3A_53 = arith.constant 32 : i32
    "tpu.region"() ({
      %run_scoped3A = tpu.sem_alloc : memref<!tpu.dma_semaphore, #tpu.memory_space<semaphore_mem>>
      %dma_start3A_60 = arith.constant 0 : i32
      %dma_start3A_61 = tpu.memref_slice %arg4[%add3A_41, %dma_start3A_60] : memref<64x16384xf32, #tpu.memory_space<hbm>> -> memref<1x16384xf32, #tpu.memory_space<hbm>>
      %dma_start3A_62 = tpu.memref_squeeze %dma_start3A_61 : memref<1x16384xf32, #tpu.memory_space<hbm>> -> memref<16384xf32, #tpu.memory_space<hbm>>
      %dma_start3A_63 = arith.constant 0 : i32
      %dma_start3A_64 = tpu.memref_slice %dma_start3A_62[%dma_start3A_63] : memref<16384xf32, #tpu.memory_space<hbm>> -> memref<8192xf32, #tpu.memory_space<hbm>>
      %dma_start3A_65 = arith.constant 0 : i32
      %dma_start3A_66 = tpu.memref_slice %arg4[%add3A_41, %dma_start3A_65] : memref<64x16384xf32, #tpu.memory_space<hbm>> -> memref<1x16384xf32, #tpu.memory_space<hbm>>
      %dma_start3A_67 = tpu.memref_squeeze %dma_start3A_66 : memref<1x16384xf32, #tpu.memory_space<hbm>> -> memref<16384xf32, #tpu.memory_space<hbm>>
      %dma_start3A_68 = arith.constant 0 : i32
      %dma_start3A_69 = tpu.memref_slice %dma_start3A_67[%dma_start3A_68] : memref<16384xf32, #tpu.memory_space<hbm>> -> memref<8192xf32, #tpu.memory_space<hbm>>
      tpu.enqueue_dma source(%arg7 : memref<8192xf32, #tpu.memory_space<vmem>>) target(%dma_start3A_69 : memref<8192xf32, #tpu.memory_space<hbm>>) target_semaphore(%run_scoped3A : memref<!tpu.dma_semaphore, #tpu.memory_space<semaphore_mem>>)
      %dma_wait3A_70 = arith.constant 0 : i32
      %dma_wait3A_71 = tpu.memref_slice %arg4[%add3A_41, %dma_wait3A_70] : memref<64x16384xf32, #tpu.memory_space<hbm>> -> memref<1x16384xf32, #tpu.memory_space<hbm>>
      %dma_wait3A_72 = tpu.memref_squeeze %dma_wait3A_71 : memref<1x16384xf32, #tpu.memory_space<hbm>> -> memref<16384xf32, #tpu.memory_space<hbm>>
      %dma_wait3A_73 = arith.constant 0 : i32
      %dma_wait3A_74 = tpu.memref_slice %dma_wait3A_72[%dma_wait3A_73] : memref<16384xf32, #tpu.memory_space<hbm>> -> memref<8192xf32, #tpu.memory_space<hbm>>
      %dma_wait3A_75 = arith.constant 0 : i32
      %dma_wait3A_76 = tpu.memref_slice %arg4[%add3A_41, %dma_wait3A_75] : memref<64x16384xf32, #tpu.memory_space<hbm>> -> memref<1x16384xf32, #tpu.memory_space<hbm>>
      %dma_wait3A_77 = tpu.memref_squeeze %dma_wait3A_76 : memref<1x16384xf32, #tpu.memory_space<hbm>> -> memref<16384xf32, #tpu.memory_space<hbm>>
      %dma_wait3A_78 = arith.constant 0 : i32
      %dma_wait3A_79 = tpu.memref_slice %dma_wait3A_77[%dma_wait3A_78] : memref<16384xf32, #tpu.memory_space<hbm>> -> memref<8192xf32, #tpu.memory_space<hbm>>
      tpu.wait_dma2 semaphore(%run_scoped3A : memref<!tpu.dma_semaphore, #tpu.memory_space<semaphore_mem>>) src(%arg7 : memref<8192xf32, #tpu.memory_space<vmem>>) dst(%dma_wait3A_79 : memref<8192xf32, #tpu.memory_space<hbm>>)
      tpu.yield
    }) : () -> ()
    %scan3A_54 = arith.constant 0 : i32
    %scan3A_55 = arith.constant 0 : i32
    %scan3A_56 = arith.constant 32 : i32
    %scan3A_57 = arith.addi %scan3A_55, %scan3A_56 : i32
    %scan3A_58 = arith.constant 1 : i32
    scf.for %scan3A_60 = %scan3A_55 to %scan3A_57 step %scan3A_58  : i32 {
      %mul3A_61 = arith.constant 256 : i32
      %mul3A_62 = arith.muli %scan3A_60, %mul3A_61 : i32
      %add3A_63 = arith.constant 8192 : i32
      %add3A_64 = arith.addi %add3A_63, %mul3A_62 : i32
      %add3A_65 = arith.constant 0 : i32
      %add3A_66 = arith.addi %add3A_64, %add3A_65 : i32
      %multiple_of3A = tpu.assume_multiple %add3A_66, 16 : i32
      %mul3A_67 = arith.constant 256 : i32
      %mul3A_68 = arith.muli %scan3A_60, %mul3A_67 : i32
      %add3A_69 = arith.constant 0 : i32
      %add3A_70 = arith.addi %mul3A_68, %add3A_69 : i32
      %multiple_of3A_71 = tpu.assume_multiple %add3A_70, 16 : i32
      %get3A = arith.index_cast %multiple_of3A : i32 to index
      %get3A_72 = tpu.vector_load %arg5[%get3A] {strides = array<i32>} : memref<16384xi32, #tpu.memory_space<vmem>>, vector<16xi32>,
      %ge3A = arith.constant 1 : i32
      %ge3A_73 = vector.broadcast %ge3A : i32 to vector<16xi32>
      %ge3A_74 = arith.cmpi sge, %get3A_72, %ge3A_73 : vector<16xi32>
      %le3A = arith.constant 100000 : i32
      %le3A_75 = vector.broadcast %le3A : i32 to vector<16xi32>
      %le3A_76 = arith.cmpi sle, %get3A_72, %le3A_75 : vector<16xi32>
      %and3A = arith.andi %ge3A_74, %le3A_76 : vector<16xi1>
      %jit3A = arith.constant 0 : i32
      %broadcast_in_dim3A = vector.broadcast %jit3A : i32 to vector<16xi32>
      %select_n3A = arith.select %and3A, %get3A_72, %broadcast_in_dim3A : vector<16xi1>, vector<16xi32>
      %gather3A = tpu.vector_load_idx %arg6[%select_n3A] : memref<100001xf32, #tpu.memory_space<vmem>>[vector<16xi32>], vector<16xf32>,
      %swap3A = arith.index_cast %multiple_of3A_71 : i32 to index
      %swap3A_77 = tpu.vector_load %arg7[%swap3A] {strides = array<i32>} : memref<8192xf32, #tpu.memory_space<vmem>>, vector<16xf32>,
      tpu.vector_store %arg7[%swap3A], %gather3A {strides = array<i32>} : memref<8192xf32, #tpu.memory_space<vmem>>, vector<16xf32>,
      %mul3A_78 = arith.constant 256 : i32
      %mul3A_79 = arith.muli %scan3A_60, %mul3A_78 : i32
      %add3A_80 = arith.constant 8192 : i32
      %add3A_81 = arith.addi %add3A_80, %mul3A_79 : i32
      %add3A_82 = arith.constant 16 : i32
      %add3A_83 = arith.addi %add3A_81, %add3A_82 : i32
      %multiple_of3A_84 = tpu.assume_multiple %add3A_83, 16 : i32
      %mul3A_85 = arith.constant 256 : i32
      %mul3A_86 = arith.muli %scan3A_60, %mul3A_85 : i32
      %add3A_87 = arith.constant 16 : i32
      %add3A_88 = arith.addi %mul3A_86, %add3A_87 : i32
      %multiple_of3A_89 = tpu.assume_multiple %add3A_88, 16 : i32
      %get3A_90 = arith.index_cast %multiple_of3A_84 : i32 to index
      %get3A_91 = tpu.vector_load %arg5[%get3A_90] {strides = array<i32>} : memref<16384xi32, #tpu.memory_space<vmem>>, vector<16xi32>,
      %ge3A_92 = arith.constant 1 : i32
      %ge3A_93 = vector.broadcast %ge3A_92 : i32 to vector<16xi32>
      %ge3A_94 = arith.cmpi sge, %get3A_91, %ge3A_93 : vector<16xi32>
      %le3A_95 = arith.constant 100000 : i32
      %le3A_96 = vector.broadcast %le3A_95 : i32 to vector<16xi32>
      %le3A_97 = arith.cmpi sle, %get3A_91, %le3A_96 : vector<16xi32>
      %and3A_98 = arith.andi %ge3A_94, %le3A_97 : vector<16xi1>
      %jit3A_99 = arith.constant 0 : i32
      %broadcast_in_dim3A_100 = vector.broadcast %jit3A_99 : i32 to vector<16xi32>
      %select_n3A_101 = arith.select %and3A_98, %get3A_91, %broadcast_in_dim3A_100 : vector<16xi1>, vector<16xi32>
      %gather3A_102 = tpu.vector_load_idx %arg6[%select_n3A_101] : memref<100001xf32, #tpu.memory_space<vmem>>[vector<16xi32>], vector<16xf32>,
      %swap3A_103 = arith.index_cast %multiple_of3A_89 : i32 to index
      %swap3A_104 = tpu.vector_load %arg7[%swap3A_103] {strides = array<i32>} : memref<8192xf32, #tpu.memory_space<vmem>>, vector<16xf32>,
      tpu.vector_store %arg7[%swap3A_103], %gather3A_102 {strides = array<i32>} : memref<8192xf32, #tpu.memory_space<vmem>>, vector<16xf32>,
      %mul3A_105 = arith.constant 256 : i32
      %mul3A_106 = arith.muli %scan3A_60, %mul3A_105 : i32
      %add3A_107 = arith.constant 8192 : i32
      %add3A_108 = arith.addi %add3A_107, %mul3A_106 : i32
      %add3A_109 = arith.constant 32 : i32
      %add3A_110 = arith.addi %add3A_108, %add3A_109 : i32
      %multiple_of3A_111 = tpu.assume_multiple %add3A_110, 16 : i32
      %mul3A_112 = arith.constant 256 : i32
      %mul3A_113 = arith.muli %scan3A_60, %mul3A_112 : i32
      %add3A_114 = arith.constant 32 : i32
      %add3A_115 = arith.addi %mul3A_113, %add3A_114 : i32
      %multiple_of3A_116 = tpu.assume_multiple %add3A_115, 16 : i32
      %get3A_117 = arith.index_cast %multiple_of3A_111 : i32 to index
      %get3A_118 = tpu.vector_load %arg5[%get3A_117] {strides = array<i32>} : memref<16384xi32, #tpu.memory_space<vmem>>, vector<16xi32>,
      %ge3A_119 = arith.constant 1 : i32
      %ge3A_120 = vector.broadcast %ge3A_119 : i32 to vector<16xi32>
      %ge3A_121 = arith.cmpi sge, %get3A_118, %ge3A_120 : vector<16xi32>
      %le3A_122 = arith.constant 100000 : i32
      %le3A_123 = vector.broadcast %le3A_122 : i32 to vector<16xi32>
      %le3A_124 = arith.cmpi sle, %get3A_118, %le3A_123 : vector<16xi32>
      %and3A_125 = arith.andi %ge3A_121, %le3A_124 : vector<16xi1>
      %jit3A_126 = arith.constant 0 : i32
      %broadcast_in_dim3A_127 = vector.broadcast %jit3A_126 : i32 to vector<16xi32>
      %select_n3A_128 = arith.select %and3A_125, %get3A_118, %broadcast_in_dim3A_127 : vector<16xi1>, vector<16xi32>
      %gather3A_129 = tpu.vector_load_idx %arg6[%select_n3A_128] : memref<100001xf32, #tpu.memory_space<vmem>>[vector<16xi32>], vector<16xf32>,
      %swap3A_130 = arith.index_cast %multiple_of3A_116 : i32 to index
      %swap3A_131 = tpu.vector_load %arg7[%swap3A_130] {strides = array<i32>} : memref<8192xf32, #tpu.memory_space<vmem>>, vector<16xf32>,
      tpu.vector_store %arg7[%swap3A_130], %gather3A_129 {strides = array<i32>} : memref<8192xf32, #tpu.memory_space<vmem>>, vector<16xf32>,
      %mul3A_132 = arith.constant 256 : i32
      %mul3A_133 = arith.muli %scan3A_60, %mul3A_132 : i32
      %add3A_134 = arith.constant 8192 : i32
      %add3A_135 = arith.addi %add3A_134, %mul3A_133 : i32
      %add3A_136 = arith.constant 48 : i32
      %add3A_137 = arith.addi %add3A_135, %add3A_136 : i32
      %multiple_of3A_138 = tpu.assume_multiple %add3A_137, 16 : i32
      %mul3A_139 = arith.constant 256 : i32
      %mul3A_140 = arith.muli %scan3A_60, %mul3A_139 : i32
      %add3A_141 = arith.constant 48 : i32
      %add3A_142 = arith.addi %mul3A_140, %add3A_141 : i32
      %multiple_of3A_143 = tpu.assume_multiple %add3A_142, 16 : i32
      %get3A_144 = arith.index_cast %multiple_of3A_138 : i32 to index
      %get3A_145 = tpu.vector_load %arg5[%get3A_144] {strides = array<i32>} : memref<16384xi32, #tpu.memory_space<vmem>>, vector<16xi32>,
      %ge3A_146 = arith.constant 1 : i32
      %ge3A_147 = vector.broadcast %ge3A_146 : i32 to vector<16xi32>
      %ge3A_148 = arith.cmpi sge, %get3A_145, %ge3A_147 : vector<16xi32>
      %le3A_149 = arith.constant 100000 : i32
      %le3A_150 = vector.broadcast %le3A_149 : i32 to vector<16xi32>
      %le3A_151 = arith.cmpi sle, %get3A_145, %le3A_150 : vector<16xi32>
      %and3A_152 = arith.andi %ge3A_148, %le3A_151 : vector<16xi1>
      %jit3A_153 = arith.constant 0 : i32
      %broadcast_in_dim3A_154 = vector.broadcast %jit3A_153 : i32 to vector<16xi32>
      %select_n3A_155 = arith.select %and3A_152, %get3A_145, %broadcast_in_dim3A_154 : vector<16xi1>, vector<16xi32>
      %gather3A_156 = tpu.vector_load_idx %arg6[%select_n3A_155] : memref<100001xf32, #tpu.memory_space<vmem>>[vector<16xi32>], vector<16xf32>,
      %swap3A_157 = arith.index_cast %multiple_of3A_143 : i32 to index
      %swap3A_158 = tpu.vector_load %arg7[%swap3A_157] {strides = array<i32>} : memref<8192xf32, #tpu.memory_space<vmem>>, vector<16xf32>,
      tpu.vector_store %arg7[%swap3A_157], %gather3A_156 {strides = array<i32>} : memref<8192xf32, #tpu.memory_space<vmem>>, vector<16xf32>,
      %mul3A_159 = arith.constant 256 : i32
      %mul3A_160 = arith.muli %scan3A_60, %mul3A_159 : i32
      %add3A_161 = arith.constant 8192 : i32
      %add3A_162 = arith.addi %add3A_161, %mul3A_160 : i32
      %add3A_163 = arith.constant 64 : i32
      %add3A_164 = arith.addi %add3A_162, %add3A_163 : i32
      %multiple_of3A_165 = tpu.assume_multiple %add3A_164, 16 : i32
      %mul3A_166 = arith.constant 256 : i32
      %mul3A_167 = arith.muli %scan3A_60, %mul3A_166 : i32
      %add3A_168 = arith.constant 64 : i32
      %add3A_169 = arith.addi %mul3A_167, %add3A_168 : i32
      %multiple_of3A_170 = tpu.assume_multiple %add3A_169, 16 : i32
      %get3A_171 = arith.index_cast %multiple_of3A_165 : i32 to index
      %get3A_172 = tpu.vector_load %arg5[%get3A_171] {strides = array<i32>} : memref<16384xi32, #tpu.memory_space<vmem>>, vector<16xi32>,
      %ge3A_173 = arith.constant 1 : i32
      %ge3A_174 = vector.broadcast %ge3A_173 : i32 to vector<16xi32>
      %ge3A_175 = arith.cmpi sge, %get3A_172, %ge3A_174 : vector<16xi32>
      %le3A_176 = arith.constant 100000 : i32
      %le3A_177 = vector.broadcast %le3A_176 : i32 to vector<16xi32>
      %le3A_178 = arith.cmpi sle, %get3A_172, %le3A_177 : vector<16xi32>
      %and3A_179 = arith.andi %ge3A_175, %le3A_178 : vector<16xi1>
      %jit3A_180 = arith.constant 0 : i32
      %broadcast_in_dim3A_181 = vector.broadcast %jit3A_180 : i32 to vector<16xi32>
      %select_n3A_182 = arith.select %and3A_179, %get3A_172, %broadcast_in_dim3A_181 : vector<16xi1>, vector<16xi32>
      %gather3A_183 = tpu.vector_load_idx %arg6[%select_n3A_182] : memref<100001xf32, #tpu.memory_space<vmem>>[vector<16xi32>], vector<16xf32>,
      %swap3A_184 = arith.index_cast %multiple_of3A_170 : i32 to index
      %swap3A_185 = tpu.vector_load %arg7[%swap3A_184] {strides = array<i32>} : memref<8192xf32, #tpu.memory_space<vmem>>, vector<16xf32>,
      tpu.vector_store %arg7[%swap3A_184], %gather3A_183 {strides = array<i32>} : memref<8192xf32, #tpu.memory_space<vmem>>, vector<16xf32>,
      %mul3A_186 = arith.constant 256 : i32
      %mul3A_187 = arith.muli %scan3A_60, %mul3A_186 : i32
      %add3A_188 = arith.constant 8192 : i32
      %add3A_189 = arith.addi %add3A_188, %mul3A_187 : i32
      %add3A_190 = arith.constant 80 : i32
      %add3A_191 = arith.addi %add3A_189, %add3A_190 : i32
      %multiple_of3A_192 = tpu.assume_multiple %add3A_191, 16 : i32
      %mul3A_193 = arith.constant 256 : i32
      %mul3A_194 = arith.muli %scan3A_60, %mul3A_193 : i32
      %add3A_195 = arith.constant 80 : i32
      %add3A_196 = arith.addi %mul3A_194, %add3A_195 : i32
      %multiple_of3A_197 = tpu.assume_multiple %add3A_196, 16 : i32
      %get3A_198 = arith.index_cast %multiple_of3A_192 : i32 to index
      %get3A_199 = tpu.vector_load %arg5[%get3A_198] {strides = array<i32>} : memref<16384xi32, #tpu.memory_space<vmem>>, vector<16xi32>,
      %ge3A_200 = arith.constant 1 : i32
      %ge3A_201 = vector.broadcast %ge3A_200 : i32 to vector<16xi32>
      %ge3A_202 = arith.cmpi sge, %get3A_199, %ge3A_201 : vector<16xi32>
      %le3A_203 = arith.constant 100000 : i32
      %le3A_204 = vector.broadcast %le3A_203 : i32 to vector<16xi32>
      %le3A_205 = arith.cmpi sle, %get3A_199, %le3A_204 : vector<16xi32>
      %and3A_206 = arith.andi %ge3A_202, %le3A_205 : vector<16xi1>
      %jit3A_207 = arith.constant 0 : i32
      %broadcast_in_dim3A_208 = vector.broadcast %jit3A_207 : i32 to vector<16xi32>
      %select_n3A_209 = arith.select %and3A_206, %get3A_199, %broadcast_in_dim3A_208 : vector<16xi1>, vector<16xi32>
      %gather3A_210 = tpu.vector_load_idx %arg6[%select_n3A_209] : memref<100001xf32, #tpu.memory_space<vmem>>[vector<16xi32>], vector<16xf32>,
      %swap3A_211 = arith.index_cast %multiple_of3A_197 : i32 to index
      %swap3A_212 = tpu.vector_load %arg7[%swap3A_211] {strides = array<i32>} : memref<8192xf32, #tpu.memory_space<vmem>>, vector<16xf32>,
      tpu.vector_store %arg7[%swap3A_211], %gather3A_210 {strides = array<i32>} : memref<8192xf32, #tpu.memory_space<vmem>>, vector<16xf32>,
      %mul3A_213 = arith.constant 256 : i32
      %mul3A_214 = arith.muli %scan3A_60, %mul3A_213 : i32
      %add3A_215 = arith.constant 8192 : i32
      %add3A_216 = arith.addi %add3A_215, %mul3A_214 : i32
      %add3A_217 = arith.constant 96 : i32
      %add3A_218 = arith.addi %add3A_216, %add3A_217 : i32
      %multiple_of3A_219 = tpu.assume_multiple %add3A_218, 16 : i32
      %mul3A_220 = arith.constant 256 : i32
      %mul3A_221 = arith.muli %scan3A_60, %mul3A_220 : i32
      %add3A_222 = arith.constant 96 : i32
      %add3A_223 = arith.addi %mul3A_221, %add3A_222 : i32
      %multiple_of3A_224 = tpu.assume_multiple %add3A_223, 16 : i32
      %get3A_225 = arith.index_cast %multiple_of3A_219 : i32 to index
      %get3A_226 = tpu.vector_load %arg5[%get3A_225] {strides = array<i32>} : memref<16384xi32, #tpu.memory_space<vmem>>, vector<16xi32>,
      %ge3A_227 = arith.constant 1 : i32
      %ge3A_228 = vector.broadcast %ge3A_227 : i32 to vector<16xi32>
      %ge3A_229 = arith.cmpi sge, %get3A_226, %ge3A_228 : vector<16xi32>
      %le3A_230 = arith.constant 100000 : i32
      %le3A_231 = vector.broadcast %le3A_230 : i32 to vector<16xi32>
      %le3A_232 = arith.cmpi sle, %get3A_226, %le3A_231 : vector<16xi32>
      %and3A_233 = arith.andi %ge3A_229, %le3A_232 : vector<16xi1>
      %jit3A_234 = arith.constant 0 : i32
      %broadcast_in_dim3A_235 = vector.broadcast %jit3A_234 : i32 to vector<16xi32>
      %select_n3A_236 = arith.select %and3A_233, %get3A_226, %broadcast_in_dim3A_235 : vector<16xi1>, vector<16xi32>
      %gather3A_237 = tpu.vector_load_idx %arg6[%select_n3A_236] : memref<100001xf32, #tpu.memory_space<vmem>>[vector<16xi32>], vector<16xf32>,
      %swap3A_238 = arith.index_cast %multiple_of3A_224 : i32 to index
      %swap3A_239 = tpu.vector_load %arg7[%swap3A_238] {strides = array<i32>} : memref<8192xf32, #tpu.memory_space<vmem>>, vector<16xf32>,
      tpu.vector_store %arg7[%swap3A_238], %gather3A_237 {strides = array<i32>} : memref<8192xf32, #tpu.memory_space<vmem>>, vector<16xf32>,
      %mul3A_240 = arith.constant 256 : i32
      %mul3A_241 = arith.muli %scan3A_60, %mul3A_240 : i32
      %add3A_242 = arith.constant 8192 : i32
      %add3A_243 = arith.addi %add3A_242, %mul3A_241 : i32
      %add3A_244 = arith.constant 112 : i32
      %add3A_245 = arith.addi %add3A_243, %add3A_244 : i32
      %multiple_of3A_246 = tpu.assume_multiple %add3A_245, 16 : i32
      %mul3A_247 = arith.constant 256 : i32
      %mul3A_248 = arith.muli %scan3A_60, %mul3A_247 : i32
      %add3A_249 = arith.constant 112 : i32
      %add3A_250 = arith.addi %mul3A_248, %add3A_249 : i32
      %multiple_of3A_251 = tpu.assume_multiple %add3A_250, 16 : i32
      %get3A_252 = arith.index_cast %multiple_of3A_246 : i32 to index
      %get3A_253 = tpu.vector_load %arg5[%get3A_252] {strides = array<i32>} : memref<16384xi32, #tpu.memory_space<vmem>>, vector<16xi32>,
      %ge3A_254 = arith.constant 1 : i32
      %ge3A_255 = vector.broadcast %ge3A_254 : i32 to vector<16xi32>
      %ge3A_256 = arith.cmpi sge, %get3A_253, %ge3A_255 : vector<16xi32>
      %le3A_257 = arith.constant 100000 : i32
      %le3A_258 = vector.broadcast %le3A_257 : i32 to vector<16xi32>
      %le3A_259 = arith.cmpi sle, %get3A_253, %le3A_258 : vector<16xi32>
      %and3A_260 = arith.andi %ge3A_256, %le3A_259 : vector<16xi1>
      %jit3A_261 = arith.constant 0 : i32
      %broadcast_in_dim3A_262 = vector.broadcast %jit3A_261 : i32 to vector<16xi32>
      %select_n3A_263 = arith.select %and3A_260, %get3A_253, %broadcast_in_dim3A_262 : vector<16xi1>, vector<16xi32>
      %gather3A_264 = tpu.vector_load_idx %arg6[%select_n3A_263] : memref<100001xf32, #tpu.memory_space<vmem>>[vector<16xi32>], vector<16xf32>,
      %swap3A_265 = arith.index_cast %multiple_of3A_251 : i32 to index
      %swap3A_266 = tpu.vector_load %arg7[%swap3A_265] {strides = array<i32>} : memref<8192xf32, #tpu.memory_space<vmem>>, vector<16xf32>,
      tpu.vector_store %arg7[%swap3A_265], %gather3A_264 {strides = array<i32>} : memref<8192xf32, #tpu.memory_space<vmem>>, vector<16xf32>,
      %mul3A_267 = arith.constant 256 : i32
      %mul3A_268 = arith.muli %scan3A_60, %mul3A_267 : i32
      %add3A_269 = arith.constant 8192 : i32
      %add3A_270 = arith.addi %add3A_269, %mul3A_268 : i32
      %add3A_271 = arith.constant 128 : i32
      %add3A_272 = arith.addi %add3A_270, %add3A_271 : i32
      %multiple_of3A_273 = tpu.assume_multiple %add3A_272, 16 : i32
      %mul3A_274 = arith.constant 256 : i32
      %mul3A_275 = arith.muli %scan3A_60, %mul3A_274 : i32
      %add3A_276 = arith.constant 128 : i32
      %add3A_277 = arith.addi %mul3A_275, %add3A_276 : i32
      %multiple_of3A_278 = tpu.assume_multiple %add3A_277, 16 : i32
      %get3A_279 = arith.index_cast %multiple_of3A_273 : i32 to index
      %get3A_280 = tpu.vector_load %arg5[%get3A_279] {strides = array<i32>} : memref<16384xi32, #tpu.memory_space<vmem>>, vector<16xi32>,
      %ge3A_281 = arith.constant 1 : i32
      %ge3A_282 = vector.broadcast %ge3A_281 : i32 to vector<16xi32>
      %ge3A_283 = arith.cmpi sge, %get3A_280, %ge3A_282 : vector<16xi32>
      %le3A_284 = arith.constant 100000 : i32
      %le3A_285 = vector.broadcast %le3A_284 : i32 to vector<16xi32>
      %le3A_286 = arith.cmpi sle, %get3A_280, %le3A_285 : vector<16xi32>
      %and3A_287 = arith.andi %ge3A_283, %le3A_286 : vector<16xi1>
      %jit3A_288 = arith.constant 0 : i32
      %broadcast_in_dim3A_289 = vector.broadcast %jit3A_288 : i32 to vector<16xi32>
      %select_n3A_290 = arith.select %and3A_287, %get3A_280, %broadcast_in_dim3A_289 : vector<16xi1>, vector<16xi32>
      %gather3A_291 = tpu.vector_load_idx %arg6[%select_n3A_290] : memref<100001xf32, #tpu.memory_space<vmem>>[vector<16xi32>], vector<16xf32>,
      %swap3A_292 = arith.index_cast %multiple_of3A_278 : i32 to index
      %swap3A_293 = tpu.vector_load %arg7[%swap3A_292] {strides = array<i32>} : memref<8192xf32, #tpu.memory_space<vmem>>, vector<16xf32>,
      tpu.vector_store %arg7[%swap3A_292], %gather3A_291 {strides = array<i32>} : memref<8192xf32, #tpu.memory_space<vmem>>, vector<16xf32>,
      %mul3A_294 = arith.constant 256 : i32
      %mul3A_295 = arith.muli %scan3A_60, %mul3A_294 : i32
      %add3A_296 = arith.constant 8192 : i32
      %add3A_297 = arith.addi %add3A_296, %mul3A_295 : i32
      %add3A_298 = arith.constant 144 : i32
      %add3A_299 = arith.addi %add3A_297, %add3A_298 : i32
      %multiple_of3A_300 = tpu.assume_multiple %add3A_299, 16 : i32
      %mul3A_301 = arith.constant 256 : i32
      %mul3A_302 = arith.muli %scan3A_60, %mul3A_301 : i32
      %add3A_303 = arith.constant 144 : i32
      %add3A_304 = arith.addi %mul3A_302, %add3A_303 : i32
      %multiple_of3A_305 = tpu.assume_multiple %add3A_304, 16 : i32
      %get3A_306 = arith.index_cast %multiple_of3A_300 : i32 to index
      %get3A_307 = tpu.vector_load %arg5[%get3A_306] {strides = array<i32>} : memref<16384xi32, #tpu.memory_space<vmem>>, vector<16xi32>,
      %ge3A_308 = arith.constant 1 : i32
      %ge3A_309 = vector.broadcast %ge3A_308 : i32 to vector<16xi32>
      %ge3A_310 = arith.cmpi sge, %get3A_307, %ge3A_309 : vector<16xi32>
      %le3A_311 = arith.constant 100000 : i32
      %le3A_312 = vector.broadcast %le3A_311 : i32 to vector<16xi32>
      %le3A_313 = arith.cmpi sle, %get3A_307, %le3A_312 : vector<16xi32>
      %and3A_314 = arith.andi %ge3A_310, %le3A_313 : vector<16xi1>
      %jit3A_315 = arith.constant 0 : i32
      %broadcast_in_dim3A_316 = vector.broadcast %jit3A_315 : i32 to vector<16xi32>
      %select_n3A_317 = arith.select %and3A_314, %get3A_307, %broadcast_in_dim3A_316 : vector<16xi1>, vector<16xi32>
      %gather3A_318 = tpu.vector_load_idx %arg6[%select_n3A_317] : memref<100001xf32, #tpu.memory_space<vmem>>[vector<16xi32>], vector<16xf32>,
      %swap3A_319 = arith.index_cast %multiple_of3A_305 : i32 to index
      %swap3A_320 = tpu.vector_load %arg7[%swap3A_319] {strides = array<i32>} : memref<8192xf32, #tpu.memory_space<vmem>>, vector<16xf32>,
      tpu.vector_store %arg7[%swap3A_319], %gather3A_318 {strides = array<i32>} : memref<8192xf32, #tpu.memory_space<vmem>>, vector<16xf32>,
      %mul3A_321 = arith.constant 256 : i32
      %mul3A_322 = arith.muli %scan3A_60, %mul3A_321 : i32
      %add3A_323 = arith.constant 8192 : i32
      %add3A_324 = arith.addi %add3A_323, %mul3A_322 : i32
      %add3A_325 = arith.constant 160 : i32
      %add3A_326 = arith.addi %add3A_324, %add3A_325 : i32
      %multiple_of3A_327 = tpu.assume_multiple %add3A_326, 16 : i32
      %mul3A_328 = arith.constant 256 : i32
      %mul3A_329 = arith.muli %scan3A_60, %mul3A_328 : i32
      %add3A_330 = arith.constant 160 : i32
      %add3A_331 = arith.addi %mul3A_329, %add3A_330 : i32
      %multiple_of3A_332 = tpu.assume_multiple %add3A_331, 16 : i32
      %get3A_333 = arith.index_cast %multiple_of3A_327 : i32 to index
      %get3A_334 = tpu.vector_load %arg5[%get3A_333] {strides = array<i32>} : memref<16384xi32, #tpu.memory_space<vmem>>, vector<16xi32>,
      %ge3A_335 = arith.constant 1 : i32
      %ge3A_336 = vector.broadcast %ge3A_335 : i32 to vector<16xi32>
      %ge3A_337 = arith.cmpi sge, %get3A_334, %ge3A_336 : vector<16xi32>
      %le3A_338 = arith.constant 100000 : i32
      %le3A_339 = vector.broadcast %le3A_338 : i32 to vector<16xi32>
      %le3A_340 = arith.cmpi sle, %get3A_334, %le3A_339 : vector<16xi32>
      %and3A_341 = arith.andi %ge3A_337, %le3A_340 : vector<16xi1>
      %jit3A_342 = arith.constant 0 : i32
      %broadcast_in_dim3A_343 = vector.broadcast %jit3A_342 : i32 to vector<16xi32>
      %select_n3A_344 = arith.select %and3A_341, %get3A_334, %broadcast_in_dim3A_343 : vector<16xi1>, vector<16xi32>
      %gather3A_345 = tpu.vector_load_idx %arg6[%select_n3A_344] : memref<100001xf32, #tpu.memory_space<vmem>>[vector<16xi32>], vector<16xf32>,
      %swap3A_346 = arith.index_cast %multiple_of3A_332 : i32 to index
      %swap3A_347 = tpu.vector_load %arg7[%swap3A_346] {strides = array<i32>} : memref<8192xf32, #tpu.memory_space<vmem>>, vector<16xf32>,
      tpu.vector_store %arg7[%swap3A_346], %gather3A_345 {strides = array<i32>} : memref<8192xf32, #tpu.memory_space<vmem>>, vector<16xf32>,
      %mul3A_348 = arith.constant 256 : i32
      %mul3A_349 = arith.muli %scan3A_60, %mul3A_348 : i32
      %add3A_350 = arith.constant 8192 : i32
      %add3A_351 = arith.addi %add3A_350, %mul3A_349 : i32
      %add3A_352 = arith.constant 176 : i32
      %add3A_353 = arith.addi %add3A_351, %add3A_352 : i32
      %multiple_of3A_354 = tpu.assume_multiple %add3A_353, 16 : i32
      %mul3A_355 = arith.constant 256 : i32
      %mul3A_356 = arith.muli %scan3A_60, %mul3A_355 : i32
      %add3A_357 = arith.constant 176 : i32
      %add3A_358 = arith.addi %mul3A_356, %add3A_357 : i32
      %multiple_of3A_359 = tpu.assume_multiple %add3A_358, 16 : i32
      %get3A_360 = arith.index_cast %multiple_of3A_354 : i32 to index
      %get3A_361 = tpu.vector_load %arg5[%get3A_360] {strides = array<i32>} : memref<16384xi32, #tpu.memory_space<vmem>>, vector<16xi32>,
      %ge3A_362 = arith.constant 1 : i32
      %ge3A_363 = vector.broadcast %ge3A_362 : i32 to vector<16xi32>
      %ge3A_364 = arith.cmpi sge, %get3A_361, %ge3A_363 : vector<16xi32>
      %le3A_365 = arith.constant 100000 : i32
      %le3A_366 = vector.broadcast %le3A_365 : i32 to vector<16xi32>
      %le3A_367 = arith.cmpi sle, %get3A_361, %le3A_366 : vector<16xi32>
      %and3A_368 = arith.andi %ge3A_364, %le3A_367 : vector<16xi1>
      %jit3A_369 = arith.constant 0 : i32
      %broadcast_in_dim3A_370 = vector.broadcast %jit3A_369 : i32 to vector<16xi32>
      %select_n3A_371 = arith.select %and3A_368, %get3A_361, %broadcast_in_dim3A_370 : vector<16xi1>, vector<16xi32>
      %gather3A_372 = tpu.vector_load_idx %arg6[%select_n3A_371] : memref<100001xf32, #tpu.memory_space<vmem>>[vector<16xi32>], vector<16xf32>,
      %swap3A_373 = arith.index_cast %multiple_of3A_359 : i32 to index
      %swap3A_374 = tpu.vector_load %arg7[%swap3A_373] {strides = array<i32>} : memref<8192xf32, #tpu.memory_space<vmem>>, vector<16xf32>,
      tpu.vector_store %arg7[%swap3A_373], %gather3A_372 {strides = array<i32>} : memref<8192xf32, #tpu.memory_space<vmem>>, vector<16xf32>,
      %mul3A_375 = arith.constant 256 : i32
      %mul3A_376 = arith.muli %scan3A_60, %mul3A_375 : i32
      %add3A_377 = arith.constant 8192 : i32
      %add3A_378 = arith.addi %add3A_377, %mul3A_376 : i32
      %add3A_379 = arith.constant 192 : i32
      %add3A_380 = arith.addi %add3A_378, %add3A_379 : i32
      %multiple_of3A_381 = tpu.assume_multiple %add3A_380, 16 : i32
      %mul3A_382 = arith.constant 256 : i32
      %mul3A_383 = arith.muli %scan3A_60, %mul3A_382 : i32
      %add3A_384 = arith.constant 192 : i32
      %add3A_385 = arith.addi %mul3A_383, %add3A_384 : i32
      %multiple_of3A_386 = tpu.assume_multiple %add3A_385, 16 : i32
      %get3A_387 = arith.index_cast %multiple_of3A_381 : i32 to index
      %get3A_388 = tpu.vector_load %arg5[%get3A_387] {strides = array<i32>} : memref<16384xi32, #tpu.memory_space<vmem>>, vector<16xi32>,
      %ge3A_389 = arith.constant 1 : i32
      %ge3A_390 = vector.broadcast %ge3A_389 : i32 to vector<16xi32>
      %ge3A_391 = arith.cmpi sge, %get3A_388, %ge3A_390 : vector<16xi32>
      %le3A_392 = arith.constant 100000 : i32
      %le3A_393 = vector.broadcast %le3A_392 : i32 to vector<16xi32>
      %le3A_394 = arith.cmpi sle, %get3A_388, %le3A_393 : vector<16xi32>
      %and3A_395 = arith.andi %ge3A_391, %le3A_394 : vector<16xi1>
      %jit3A_396 = arith.constant 0 : i32
      %broadcast_in_dim3A_397 = vector.broadcast %jit3A_396 : i32 to vector<16xi32>
      %select_n3A_398 = arith.select %and3A_395, %get3A_388, %broadcast_in_dim3A_397 : vector<16xi1>, vector<16xi32>
      %gather3A_399 = tpu.vector_load_idx %arg6[%select_n3A_398] : memref<100001xf32, #tpu.memory_space<vmem>>[vector<16xi32>], vector<16xf32>,
      %swap3A_400 = arith.index_cast %multiple_of3A_386 : i32 to index
      %swap3A_401 = tpu.vector_load %arg7[%swap3A_400] {strides = array<i32>} : memref<8192xf32, #tpu.memory_space<vmem>>, vector<16xf32>,
      tpu.vector_store %arg7[%swap3A_400], %gather3A_399 {strides = array<i32>} : memref<8192xf32, #tpu.memory_space<vmem>>, vector<16xf32>,
      %mul3A_402 = arith.constant 256 : i32
      %mul3A_403 = arith.muli %scan3A_60, %mul3A_402 : i32
      %add3A_404 = arith.constant 8192 : i32
      %add3A_405 = arith.addi %add3A_404, %mul3A_403 : i32
      %add3A_406 = arith.constant 208 : i32
      %add3A_407 = arith.addi %add3A_405, %add3A_406 : i32
      %multiple_of3A_408 = tpu.assume_multiple %add3A_407, 16 : i32
      %mul3A_409 = arith.constant 256 : i32
      %mul3A_410 = arith.muli %scan3A_60, %mul3A_409 : i32
      %add3A_411 = arith.constant 208 : i32
      %add3A_412 = arith.addi %mul3A_410, %add3A_411 : i32
      %multiple_of3A_413 = tpu.assume_multiple %add3A_412, 16 : i32
      %get3A_414 = arith.index_cast %multiple_of3A_408 : i32 to index
      %get3A_415 = tpu.vector_load %arg5[%get3A_414] {strides = array<i32>} : memref<16384xi32, #tpu.memory_space<vmem>>, vector<16xi32>,
      %ge3A_416 = arith.constant 1 : i32
      %ge3A_417 = vector.broadcast %ge3A_416 : i32 to vector<16xi32>
      %ge3A_418 = arith.cmpi sge, %get3A_415, %ge3A_417 : vector<16xi32>
      %le3A_419 = arith.constant 100000 : i32
      %le3A_420 = vector.broadcast %le3A_419 : i32 to vector<16xi32>
      %le3A_421 = arith.cmpi sle, %get3A_415, %le3A_420 : vector<16xi32>
      %and3A_422 = arith.andi %ge3A_418, %le3A_421 : vector<16xi1>
      %jit3A_423 = arith.constant 0 : i32
      %broadcast_in_dim3A_424 = vector.broadcast %jit3A_423 : i32 to vector<16xi32>
      %select_n3A_425 = arith.select %and3A_422, %get3A_415, %broadcast_in_dim3A_424 : vector<16xi1>, vector<16xi32>
      %gather3A_426 = tpu.vector_load_idx %arg6[%select_n3A_425] : memref<100001xf32, #tpu.memory_space<vmem>>[vector<16xi32>], vector<16xf32>,
      %swap3A_427 = arith.index_cast %multiple_of3A_413 : i32 to index
      %swap3A_428 = tpu.vector_load %arg7[%swap3A_427] {strides = array<i32>} : memref<8192xf32, #tpu.memory_space<vmem>>, vector<16xf32>,
      tpu.vector_store %arg7[%swap3A_427], %gather3A_426 {strides = array<i32>} : memref<8192xf32, #tpu.memory_space<vmem>>, vector<16xf32>,
      %mul3A_429 = arith.constant 256 : i32
      %mul3A_430 = arith.muli %scan3A_60, %mul3A_429 : i32
      %add3A_431 = arith.constant 8192 : i32
      %add3A_432 = arith.addi %add3A_431, %mul3A_430 : i32
      %add3A_433 = arith.constant 224 : i32
      %add3A_434 = arith.addi %add3A_432, %add3A_433 : i32
      %multiple_of3A_435 = tpu.assume_multiple %add3A_434, 16 : i32
      %mul3A_436 = arith.constant 256 : i32
      %mul3A_437 = arith.muli %scan3A_60, %mul3A_436 : i32
      %add3A_438 = arith.constant 224 : i32
      %add3A_439 = arith.addi %mul3A_437, %add3A_438 : i32
      %multiple_of3A_440 = tpu.assume_multiple %add3A_439, 16 : i32
      %get3A_441 = arith.index_cast %multiple_of3A_435 : i32 to index
      %get3A_442 = tpu.vector_load %arg5[%get3A_441] {strides = array<i32>} : memref<16384xi32, #tpu.memory_space<vmem>>, vector<16xi32>,
      %ge3A_443 = arith.constant 1 : i32
      %ge3A_444 = vector.broadcast %ge3A_443 : i32 to vector<16xi32>
      %ge3A_445 = arith.cmpi sge, %get3A_442, %ge3A_444 : vector<16xi32>
      %le3A_446 = arith.constant 100000 : i32
      %le3A_447 = vector.broadcast %le3A_446 : i32 to vector<16xi32>
      %le3A_448 = arith.cmpi sle, %get3A_442, %le3A_447 : vector<16xi32>
      %and3A_449 = arith.andi %ge3A_445, %le3A_448 : vector<16xi1>
      %jit3A_450 = arith.constant 0 : i32
      %broadcast_in_dim3A_451 = vector.broadcast %jit3A_450 : i32 to vector<16xi32>
      %select_n3A_452 = arith.select %and3A_449, %get3A_442, %broadcast_in_dim3A_451 : vector<16xi1>, vector<16xi32>
      %gather3A_453 = tpu.vector_load_idx %arg6[%select_n3A_452] : memref<100001xf32, #tpu.memory_space<vmem>>[vector<16xi32>], vector<16xf32>,
      %swap3A_454 = arith.index_cast %multiple_of3A_440 : i32 to index
      %swap3A_455 = tpu.vector_load %arg7[%swap3A_454] {strides = array<i32>} : memref<8192xf32, #tpu.memory_space<vmem>>, vector<16xf32>,
      tpu.vector_store %arg7[%swap3A_454], %gather3A_453 {strides = array<i32>} : memref<8192xf32, #tpu.memory_space<vmem>>, vector<16xf32>,
      %mul3A_456 = arith.constant 256 : i32
      %mul3A_457 = arith.muli %scan3A_60, %mul3A_456 : i32
      %add3A_458 = arith.constant 8192 : i32
      %add3A_459 = arith.addi %add3A_458, %mul3A_457 : i32
      %add3A_460 = arith.constant 240 : i32
      %add3A_461 = arith.addi %add3A_459, %add3A_460 : i32
      %multiple_of3A_462 = tpu.assume_multiple %add3A_461, 16 : i32
      %mul3A_463 = arith.constant 256 : i32
      %mul3A_464 = arith.muli %scan3A_60, %mul3A_463 : i32
      %add3A_465 = arith.constant 240 : i32
      %add3A_466 = arith.addi %mul3A_464, %add3A_465 : i32
      %multiple_of3A_467 = tpu.assume_multiple %add3A_466, 16 : i32
      %get3A_468 = arith.index_cast %multiple_of3A_462 : i32 to index
      %get3A_469 = tpu.vector_load %arg5[%get3A_468] {strides = array<i32>} : memref<16384xi32, #tpu.memory_space<vmem>>, vector<16xi32>,
      %ge3A_470 = arith.constant 1 : i32
      %ge3A_471 = vector.broadcast %ge3A_470 : i32 to vector<16xi32>
      %ge3A_472 = arith.cmpi sge, %get3A_469, %ge3A_471 : vector<16xi32>
      %le3A_473 = arith.constant 100000 : i32
      %le3A_474 = vector.broadcast %le3A_473 : i32 to vector<16xi32>
      %le3A_475 = arith.cmpi sle, %get3A_469, %le3A_474 : vector<16xi32>
      %and3A_476 = arith.andi %ge3A_472, %le3A_475 : vector<16xi1>
      %jit3A_477 = arith.constant 0 : i32
      %broadcast_in_dim3A_478 = vector.broadcast %jit3A_477 : i32 to vector<16xi32>
      %select_n3A_479 = arith.select %and3A_476, %get3A_469, %broadcast_in_dim3A_478 : vector<16xi1>, vector<16xi32>
      %gather3A_480 = tpu.vector_load_idx %arg6[%select_n3A_479] : memref<100001xf32, #tpu.memory_space<vmem>>[vector<16xi32>], vector<16xf32>,
      %swap3A_481 = arith.index_cast %multiple_of3A_467 : i32 to index
      %swap3A_482 = tpu.vector_load %arg7[%swap3A_481] {strides = array<i32>} : memref<8192xf32, #tpu.memory_space<vmem>>, vector<16xf32>,
      tpu.vector_store %arg7[%swap3A_481], %gather3A_480 {strides = array<i32>} : memref<8192xf32, #tpu.memory_space<vmem>>, vector<16xf32>,
    }
    %scan3A_59 = arith.constant 32 : i32
    "tpu.region"() ({
      %run_scoped3A = tpu.sem_alloc : memref<!tpu.dma_semaphore, #tpu.memory_space<semaphore_mem>>
      %dma_start3A_60 = arith.constant 0 : i32
      %dma_start3A_61 = tpu.memref_slice %arg4[%add3A_41, %dma_start3A_60] : memref<64x16384xf32, #tpu.memory_space<hbm>> -> memref<1x16384xf32, #tpu.memory_space<hbm>>
      %dma_start3A_62 = tpu.memref_squeeze %dma_start3A_61 : memref<1x16384xf32, #tpu.memory_space<hbm>> -> memref<16384xf32, #tpu.memory_space<hbm>>
      %dma_start3A_63 = arith.constant 8192 : i32
      %dma_start3A_64 = tpu.memref_slice %dma_start3A_62[%dma_start3A_63] : memref<16384xf32, #tpu.memory_space<hbm>> -> memref<8192xf32, #tpu.memory_space<hbm>>
      %dma_start3A_65 = arith.constant 0 : i32
      %dma_start3A_66 = tpu.memref_slice %arg4[%add3A_41, %dma_start3A_65] : memref<64x16384xf32, #tpu.memory_space<hbm>> -> memref<1x16384xf32, #tpu.memory_space<hbm>>
      %dma_start3A_67 = tpu.memref_squeeze %dma_start3A_66 : memref<1x16384xf32, #tpu.memory_space<hbm>> -> memref<16384xf32, #tpu.memory_space<hbm>>
      %dma_start3A_68 = arith.constant 8192 : i32
      %dma_start3A_69 = tpu.memref_slice %dma_start3A_67[%dma_start3A_68] : memref<16384xf32, #tpu.memory_space<hbm>> -> memref<8192xf32, #tpu.memory_space<hbm>>
      tpu.enqueue_dma source(%arg7 : memref<8192xf32, #tpu.memory_space<vmem>>) target(%dma_start3A_69 : memref<8192xf32, #tpu.memory_space<hbm>>) target_semaphore(%run_scoped3A : memref<!tpu.dma_semaphore, #tpu.memory_space<semaphore_mem>>)
      %dma_wait3A_70 = arith.constant 0 : i32
      %dma_wait3A_71 = tpu.memref_slice %arg4[%add3A_41, %dma_wait3A_70] : memref<64x16384xf32, #tpu.memory_space<hbm>> -> memref<1x16384xf32, #tpu.memory_space<hbm>>
      %dma_wait3A_72 = tpu.memref_squeeze %dma_wait3A_71 : memref<1x16384xf32, #tpu.memory_space<hbm>> -> memref<16384xf32, #tpu.memory_space<hbm>>
      %dma_wait3A_73 = arith.constant 8192 : i32
      %dma_wait3A_74 = tpu.memref_slice %dma_wait3A_72[%dma_wait3A_73] : memref<16384xf32, #tpu.memory_space<hbm>> -> memref<8192xf32, #tpu.memory_space<hbm>>
      %dma_wait3A_75 = arith.constant 0 : i32
      %dma_wait3A_76 = tpu.memref_slice %arg4[%add3A_41, %dma_wait3A_75] : memref<64x16384xf32, #tpu.memory_space<hbm>> -> memref<1x16384xf32, #tpu.memory_space<hbm>>
      %dma_wait3A_77 = tpu.memref_squeeze %dma_wait3A_76 : memref<1x16384xf32, #tpu.memory_space<hbm>> -> memref<16384xf32, #tpu.memory_space<hbm>>
      %dma_wait3A_78 = arith.constant 8192 : i32
      %dma_wait3A_79 = tpu.memref_slice %dma_wait3A_77[%dma_wait3A_78] : memref<16384xf32, #tpu.memory_space<hbm>> -> memref<8192xf32, #tpu.memory_space<hbm>>
      tpu.wait_dma2 semaphore(%run_scoped3A : memref<!tpu.dma_semaphore, #tpu.memory_space<semaphore_mem>>) src(%arg7 : memref<8192xf32, #tpu.memory_space<vmem>>) dst(%dma_wait3A_79 : memref<8192xf32, #tpu.memory_space<hbm>>)
      tpu.yield
    }) : () -> ()
    return
  }
}

module attributes {stable_mosaic.version = 14 : i64} {
  func.func @_mlp_body(%arg0: i32, %arg1: memref<64x8192xf32, #tpu.memory_space<vmem>>, %arg2: memref<64x256xf32, #tpu.memory_space<vmem>>, %arg3: memref<1x256xf32, #tpu.memory_space<vmem>>, %arg4: memref<256x64xf32, #tpu.memory_space<vmem>>, %arg5: memref<64x1xf32, #tpu.memory_space<vmem>>, %arg6: memref<64x8192xf32, #tpu.memory_space<vmem>>) attributes {dimension_semantics = [#tpu.dimension_semantics<arbitrary>], iteration_bounds = array<i64: 2>, scalar_prefetch = 0 : i64, scratch_operands = 0 : i64, tpu.core_type = #tpu.core_type<tc>, window_params = [{transform_indices = @transform_0, window_bounds = array<i64: 64, 8192>}, {pipeline_mode = #tpu.pipeline_mode<synchronous>, transform_indices = @transform_1, window_bounds = array<i64: 64, 256>}, {pipeline_mode = #tpu.pipeline_mode<synchronous>, transform_indices = @transform_2, window_bounds = array<i64: 1, 256>}, {pipeline_mode = #tpu.pipeline_mode<synchronous>, transform_indices = @transform_3, window_bounds = array<i64: 256, 64>}, {pipeline_mode = #tpu.pipeline_mode<synchronous>, transform_indices = @transform_4, window_bounds = array<i64: 64, 1>}, {transform_indices = @transform_5, window_bounds = array<i64: 64, 8192>}]} {
    %get3A = arith.constant 0 : index
    %get3A_0 = arith.constant 0 : index
    %get3A_1 = vector.load %arg1[%get3A, %get3A_0] : memref<64x8192xf32, #tpu.memory_space<vmem>>, vector<64x8192xf32>
    %get3A_2 = arith.constant 0 : index
    %get3A_3 = arith.constant 0 : index
    %get3A_4 = vector.load %arg2[%get3A_2, %get3A_3] : memref<64x256xf32, #tpu.memory_space<vmem>>, vector<64x256xf32>
    %dot_general3A = arith.constant dense<0.000000e+00> : vector<8192x256xf32>
    %dot_general3A_5 = tpu.matmul %get3A_1, %get3A_4, %dot_general3A {dimension_numbers = #tpu.dot_dimension_numbers<[0], [0], [1], [1], [0, 1, 1, 1], [], []>, transpose_lhs_hint = false} : vector<64x8192xf32>, vector<64x256xf32>, vector<8192x256xf32> -> vector<8192x256xf32>
    %get3A_6 = arith.constant 0 : index
    %get3A_7 = arith.constant 0 : index
    %get3A_8 = vector.load %arg3[%get3A_6, %get3A_7] : memref<1x256xf32, #tpu.memory_space<vmem>>, vector<1x256xf32>
    %add3A = vector.broadcast %get3A_8 : vector<1x256xf32> to vector<8192x256xf32>
    %add3A_9 = arith.addf %dot_general3A_5, %add3A : vector<8192x256xf32>
    %max3A = arith.constant 0.000000e+00 : f32
    %max3A_10 = vector.broadcast %max3A : f32 to vector<8192x256xf32>
    %max3A_11 = arith.maximumf %add3A_9, %max3A_10 : vector<8192x256xf32>
    %get3A_12 = arith.constant 0 : index
    %get3A_13 = arith.constant 0 : index
    %get3A_14 = vector.load %arg4[%get3A_12, %get3A_13] : memref<256x64xf32, #tpu.memory_space<vmem>>, vector<256x64xf32>
    %dot_general3A_15 = arith.constant dense<0.000000e+00> : vector<64x8192xf32>
    %dot_general3A_16 = tpu.matmul %get3A_14, %max3A_11, %dot_general3A_15 {dimension_numbers = #tpu.dot_dimension_numbers<[0], [1], [1], [0], [0, 1, 1, 0], [], []>, transpose_lhs_hint = false} : vector<256x64xf32>, vector<8192x256xf32>, vector<64x8192xf32> -> vector<64x8192xf32>
    %get3A_17 = arith.constant 0 : index
    %get3A_18 = arith.constant 0 : index
    %get3A_19 = vector.load %arg5[%get3A_17, %get3A_18] : memref<64x1xf32, #tpu.memory_space<vmem>>, vector<64x1xf32>
    %add3A_20 = vector.broadcast %get3A_19 : vector<64x1xf32> to vector<64x8192xf32>
    %add3A_21 = arith.addf %dot_general3A_16, %add3A_20 : vector<64x8192xf32>
    %swap3A = arith.constant 0 : index
    %swap3A_22 = arith.constant 0 : index
    %swap3A_23 = vector.load %arg6[%swap3A, %swap3A_22] : memref<64x8192xf32, #tpu.memory_space<vmem>>, vector<64x8192xf32>
    tpu.vector_store %arg6[%swap3A, %swap3A_22], %add3A_21 {strides = array<i32>} : memref<64x8192xf32, #tpu.memory_space<vmem>>, vector<64x8192xf32>,
    return
  }
  func.func @transform_0(%arg0: i32) -> (i32, i32) {
    %c0_i32 = arith.constant 0 : i32
    %c0_i32_0 = arith.constant 0 : i32
    return %c0_i32, %arg0 : i32, i32
  }
  func.func @transform_1(%arg0: i32) -> (i32, i32) {
    %c0_i32 = arith.constant 0 : i32
    %c0_i32_0 = arith.constant 0 : i32
    %c0_i32_1 = arith.constant 0 : i32
    return %c0_i32, %c0_i32_0 : i32, i32
  }
  func.func @transform_2(%arg0: i32) -> (i32, i32) {
    %c0_i32 = arith.constant 0 : i32
    %c0_i32_0 = arith.constant 0 : i32
    %c0_i32_1 = arith.constant 0 : i32
    return %c0_i32, %c0_i32_0 : i32, i32
  }
  func.func @transform_3(%arg0: i32) -> (i32, i32) {
    %c0_i32 = arith.constant 0 : i32
    %c0_i32_0 = arith.constant 0 : i32
    %c0_i32_1 = arith.constant 0 : i32
    return %c0_i32, %c0_i32_0 : i32, i32
  }
  func.func @transform_4(%arg0: i32) -> (i32, i32) {
    %c0_i32 = arith.constant 0 : i32
    %c0_i32_0 = arith.constant 0 : i32
    %c0_i32_1 = arith.constant 0 : i32
    return %c0_i32, %c0_i32_0 : i32, i32
  }
  func.func @transform_5(%arg0: i32) -> (i32, i32) {
    %c0_i32 = arith.constant 0 : i32
    %c0_i32_0 = arith.constant 0 : i32
    return %c0_i32, %arg0 : i32, i32
  }
}

</mosaic_0001>

<sc_bundles>
// kernel: kernel.4.cloned.1.call-start
scs
__scs_entry_jumppad:
0x0: {  	(pc) =	sbr.rel $0x88, $3  }
0x1: {  	(tag) =	ssettag $0x0;
	lr =	simm.s32 $0x1  }
0x2: {  	[smem:$0x3F9B] =	sst lr;
	_ =	strace $0xD0000000  }
0x3: {  	_ = 	snop  }
0x4: {  	_ = 	snop  }
0x5: {  	_ = 	snop  }
0x6: {  	_ = 	snop  }
0x7: {  	_ = 	snop  }
__scs_overlays_trampoline_lowered:
0x8: {  	[smem:$0x3FAA] =	sst s0  }
0x9: {  	[smem:$0x3FAB] =	sst s1  }
0xa: {  	[smem:$0x3FAC] =	sst s2  }
0xb: {  	[smem:$0x3FAD] =	sst s3  }
0xc: {  	[smem:$0x3FAE] =	sst s4  }
0xd: {  	[smem:$0x3FAF] =	sst s5  }
0xe: {  	[smem:$0x3FB0] =	sst s6  }
0xf: {  	[smem:$0x3FB1] =	sst s7  }
0x10: {  	[smem:$0x3FB2] =	sst s8  }
0x11: {  	[smem:$0x3FB3] =	sst s9;
	s0 =	simm.s32 @!p0 $0x0  }
0x12: {  	s1 =	sld [smem:$0x3F99];
	s0 =	simm.s32 @p0 $0x1  }
0x13: {  	[smem:$0x3FB4] =	sst s0;
	s0 =	simm.s32 @!p1 $0x0  }
0x14: {  	s2 =	sld [smem:$0x3F98];
	s0 =	simm.s32 @p1 $0x1  }
0x15: {  	[smem:$0x3FB5] =	sst s0;
	s0 =	simm.s32 @!p2 $0x0  }
0x16: {  	s3 =	sld [smem:$0x3FDB];
	s0 =	simm.s32 @p2 $0x1  }
0x17: {  	s4 =	simm.s32 $0x1BF5;
	[smem:$0x3FB7] =	sst s0  }
0x18: {  	s0 =	sld [smem:$0x3F9A];
	_ =	swait.ge [sflag:s4], $0x0  }
0x19: {  	s7 =	sld [smem:$0x3F9B]  }
0x1a: {  	s8 =	sadd.s32 $0xFFFFE003, lr  }
0x1b: {  	s9 =	sadd.s32 $0xFFFFFEF7, lr;
	s5 =	simm.s32 $0xFFFFFFFF;
	p2 =	slt.u32 s8, $0xFFFFF086  }
0x1c: {  	p1 =	slt.u32 s9, $0xF7A;
	s5 =	simm.s32 @!p2 $0x0  }
0x1d: {  	s5 =	simm.s32 @p1 $0x1;
	p0 =	seq.s32 s7, s2  }
0x1e: {  	s7 =	smul.u32 @!p0 $0xF7A, s2;
	p2 =	seq.s32 @!p0 s5, $0x0  }
0x1f: {  	s9 =	smul.u32 $0xF7A, s1;
	s8 =	simm.s32 @!p0 $0x1BF5;
	p2 =	por !p2, p0  }
0x20: {  	[sflag:s8] =	ssyncset.s32 @!p0 $0xFFFFF086;
	s6 =	sadd.s32 @!p0 s3, s7;
	s7 =	simm.s32 @!p0 $0x108  }
0x21: {  	s3 =	sadd.s32 s3, s9;
	s6 =	sadd.s32 @!p0 $0x88, s6;
	s7 =	simm.s32 @p2 $0x1082  }
0x22: {  	[simem:s7], [sflag:s8] =	dma.local @!p0 [hbm:s6], $0xF7A  }
0x23: {  	s9 =	sor.u32 $0xD0000000, s2;
	s6 =	simm.s32 $0x108;
	_ =	swait.ge @!p0 [sflag:s8], $0x0  }
0x24: {  	s3 =	sadd.s32 $0x88, s3;
	s6 =	simm.s32 @!p1 $0x1082;
	[sflag:s4] =	ssyncset.s32 $0xFFFFF086  }
0x25: {  	[simem:s6], [sflag:s4] =	dma.local [hbm:s3], $0xF7A  }
0x26: {  	[smem:$0x3F9B] =	sst s1;
	(tag) =	ssettag s2;
	_ =	strace s9  }
0x27: {  	s1 =	sld [smem:$0x3FAB]  }
0x28: {  	s2 =	sld [smem:$0x3FAC]  }
0x29: {  	s4 =	sld [smem:$0x3FAE]  }
0x2a: {  	p0 =	seq.s32 s5, $0x0;
	s5 =	sld [smem:$0x3FAF]  }
0x2b: {  	s6 =	sld [smem:$0x3FB0]  }
0x2c: {  	s7 =	sld [smem:$0x3FB1]  }
0x2d: {  	s3 =	simm.s32 $0x108;
	s8 =	sld [smem:$0x3FB2]  }
0x2e: {  	s3 =	simm.s32 @!p0 $0x1082;
	s9 =	sld [smem:$0x3FB3]  }
0x2f: {  	lr =	sadd.s32 s0, s3;
	s0 =	sld [smem:$0x3FAA]  }
0x30: {  	s3 =	sld [smem:$0x3FAD]  }
0x31: {  	[smem:$0x3FB6] =	sst s10  }
0x32: {  	s10 =	sld [smem:$0x3FB4];
	_ =	sdelay $0x3  }
0x33: {  	p0 =	seq.s32 s10, $0x1;
	s10 =	sld [smem:$0x3FB6];
	_ =	sdelay $0x3  }
0x34: {  	[smem:$0x3FB6] =	sst s10  }
0x35: {  	s10 =	sld [smem:$0x3FB5];
	_ =	sdelay $0x3  }
0x36: {  	p1 =	seq.s32 s10, $0x1;
	s10 =	sld [smem:$0x3FB6];
	_ =	sdelay $0x3  }
0x37: {  	[smem:$0x3FB6] =	sst s10  }
0x38: {  	s10 =	sld [smem:$0x3FB7]  }
0x39: {  	_ = 	snop;
	(pc) =	sbr.ind lr, $3  }
0x3a: {  	_ = 	snop  }
0x3b: {  	_ = 	snop  }
0x3c: {  	p2 =	seq.s32 s10, $0x1;
	s10 =	sld [smem:$0x3FB6]  }
0x3d: {  	_ =	shalt  }
0x3e: {  	_ =	shalt  }
0x3f: {  	_ =	shalt  }
0x40: {  	_ =	shalt  }
0x41: {  	_ =	shalt  }
0x42: {  	_ =	shalt  }
0x43: {  	_ =	shalt  }
0x44: {  	_ =	shalt  }
0x45: {  	_ =	shalt  }
0x46: {  	_ =	shalt  }
0x47: {  	_ =	shalt  }
0x48: {  	_ =	shalt  }
0x49: {  	_ =	shalt  }
0x4a: {  	_ =	shalt  }
0x4b: {  	_ =	shalt  }
0x4c: {  	_ =	shalt  }
0x4d: {  	_ =	shalt  }
0x4e: {  	_ =	shalt  }
0x4f: {  	_ =	shalt  }
0x50: {  	_ =	shalt  }
0x51: {  	_ =	shalt  }
0x52: {  	_ =	shalt  }
0x53: {  	_ =	shalt  }
0x54: {  	_ =	shalt  }
0x55: {  	_ =	shalt  }
0x56: {  	_ =	shalt  }
0x57: {  	_ =	shalt  }
0x58: {  	_ =	shalt  }
0x59: {  	_ =	shalt  }
0x5a: {  	_ =	shalt  }
0x5b: {  	_ =	shalt  }
0x5c: {  	_ =	shalt  }
0x5d: {  	_ =	shalt  }
0x5e: {  	_ =	shalt  }
0x5f: {  	_ =	shalt  }
0x60: {  	_ =	shalt  }
0x61: {  	_ =	shalt  }
0x62: {  	_ =	shalt  }
0x63: {  	_ =	shalt  }
0x64: {  	_ =	shalt  }
0x65: {  	_ =	shalt  }
0x66: {  	_ =	shalt  }
0x67: {  	_ =	shalt  }
0x68: {  	_ =	shalt  }
0x69: {  	_ =	shalt  }
0x6a: {  	_ =	shalt  }
0x6b: {  	_ =	shalt  }
0x6c: {  	_ =	shalt  }
0x6d: {  	_ =	shalt  }
0x6e: {  	_ =	shalt  }
0x6f: {  	_ =	shalt  }
0x70: {  	_ =	shalt  }
0x71: {  	_ =	shalt  }
0x72: {  	_ =	shalt  }
0x73: {  	_ =	shalt  }
0x74: {  	_ =	shalt  }
0x75: {  	_ =	shalt  }
0x76: {  	_ =	shalt  }
0x77: {  	_ =	shalt  }
0x78: {  	_ =	shalt  }
0x79: {  	_ =	shalt  }
0x7a: {  	_ =	shalt  }
0x7b: {  	_ =	shalt  }
0x7c: {  	_ =	shalt  }
0x7d: {  	_ =	shalt  }
0x7e: {  	_ =	shalt  }
0x7f: {  	_ =	shalt  }
0x80: {  	_ =	shalt  }
0x81: {  	_ =	shalt  }
0x82: {  	_ =	shalt  }
0x83: {  	_ =	shalt  }
0x84: {  	_ =	shalt  }
0x85: {  	_ =	shalt  }
0x86: {  	_ =	shalt  }
0x87: {  	_ =	shalt  }
.Lfunc_end0:
.L_simem_size_0:
called_computation_lowered:
.L_overlay_start_0:
0x88: {  	s2 =	sld [smem:$0x3FD9]  }
0x89: {  	s3 =	sld [smem:$0x3FFE];
	_ =	sdelay $0x1  }
0x8a: {  	s1 =	srdreg.scid  }
0x8b: {  	s0 =	sand.u32 $0x1, s1  }
0x8c: {  	s18 =	sshll.u32 s0, $0xA;
	s2 =	sadd.s32 s3, s2  }
0x8d: {  	s2 =	sadd.s32 s2, s18  }
0x8e: {  	[smem:$0x3FC2] =	sst s2  }
0x8f: {  	_ = 	snop  }
0x90: {  	s2 =	sld [smem:$0x3FC9]  }
0x91: {  	s19 =	sld [smem:$0x3FC8]  }
0x92: {  	s4 =	sld [smem:$0x3FD0];
	(tm) =	ssettm $0x1  }
0x93: {  	s5 =	sld [smem:$0x3FFB];
	_ =	sdelay $0x3  }
0x94: {  	_ =	strace s5  }
0x95: {  	s5 =	sld [smem:$0x3FFC];
	_ =	sdelay $0x3  }
0x96: {  	_ =	strace s5  }
0x97: {  	s5 =	sld [smem:$0x3FFD];
	_ =	sdelay $0x3  }
0x98: {  	_ =	strace s5  }
0x99: {  	_ =	strace $0x8FFFFFFF  }
0x9a: {  	s20 =	sld [smem:$0x3FDB];
	_ =	sdelay $0x1  }
0x9b: {  	s6 =	simm.s32 $_scs_section_size  }
0x9c: {  	s7 =	simm.s32 $_size__tile_overlayer_lowered;
	s8 =	simm.s32 $_tile_overlayer_lowered  }
0x9d: {  	s23 =	simm.s32 $0x1BFF;
	s22 =	sshll.u32 s8, $0x1;
	s5 =	sadd.s32 s6, s20  }
0x9e: {  	s9 =	simm.s32 $0x0;
	s21 =	sshll.u32 s7, $0x1;
	s7 =	sadd.s32 s22, s5  }
0x9f: {  	[timem:s9], [sflag:s23] =	dma.local [hbm:s7], s21  }
0xa0: {  	_ =	swait.ge [sflag:s23], s21  }
0xa1: {  	s6 =	ssub.s32 $0x0, s21;
	[sflag:s23] =	ssyncset.done $0x0  }
0xa2: {  	[sflag:s23] =	ssyncadd.s32 s6;
	_ =	sdelay $0x1  }
0xa3: {  	s24 =	simm.s32 $0x1B8B  }
0xa4: {  	_ =	swait.ge [sflag:s24], $0x1  }
0xa5: {  	[sflag:s24] =	ssyncset.done $0x0  }
0xa6: {  	s25 =	simm.s32 $0x1B8E;
	[sflag:s24] =	ssyncadd.s32 $0xFFFFFFFF  }
0xa7: {  	s26 =	simm.s32 $execute0_lowered;
	[smem:$0x3FD2] =	sst s25  }
0xa8: {  	s6 =	sshll.u32 s26, $0x1;
	_ =	strace $0x80000046;
	[dreg:$0x1] =	wrdreg $0xFFFFFFFF  }
0xa9: {  	s28 =	simm.s32 $_size_execute0_lowered;
	s5 =	sadd.s32 s5, s6;
	[dreg:$0x0] =	wrdreg $0x0  }
0xaa: {  	s6 =	sshll.u32 s28, $0x1;
	[dreg:$0x2] =	wrdreg s5  }
0xab: {  	[dreg:$0x3] =	wrdreg s6  }
0xac: {  	[dreg:$0x4] =	wrdreg $0xC0  }
0xad: {  	_ =	task [dreg:s9], $0x5FFFF  }
0xae: {  	[dreg:$0x1] =	wrdreg $0xFFFFFFFF  }
0xaf: {  	[dreg:$0x0] =	wrdreg $0x60  }
0xb0: {  	[dreg:$0x2] =	wrdreg s2  }
0xb1: {  	[dreg:$0x3] =	wrdreg s19  }
0xb2: {  	[dreg:$0x4] =	wrdreg s4  }
0xb3: {  	[dreg:$0x5] =	wrdreg $0x1E7000  }
0xb4: {  	[dreg:$0x6] =	wrdreg $0x9  }
0xb5: {  	_ =	task.clear_ibuf [dreg:s9], $0x7FFFF;
	_ =	strace $0x90000046  }
0xb6: {  	s29 =	simm.s32 $0x9;
	_ =	strace $0x80000048  }
0xb7: {  	_ =	swait.ge [sflag:s29], $0x1  }
0xb8: {  	[sflag:s29] =	ssyncadd.s32 $0xFFFFFFFF  }
0xb9: {  	_ =	strace $0x90000048  }
0xba: {  	_ =	sfence  }
0xbb: {  	s30 =	sld [smem:$0x0];
	_ =	sdelay $0x2  }
0xbc: {  	s31 =	sshll.u32 s1, $0xD;
	s1 =	sshrl.u32 s1, $0x2  }
0xbd: {  	s3 =	sand.u32 $0x4000, s31;
	s1 =	sadd.s32 s1, s30  }
0xbe: {  	s0 =	sor.u32 s3, s0;
	s1 =	sshll.u32 s1, $0x11  }
0xbf: {  	s0 =	sor.u32 s1, s0  }
0xc0: {  	s0 =	sadd.s32 $0x8F2B, s0  }
0xc1: {  	[sflag:s0] =	ssyncadd.remote.s32 $0x1  }
0xc2: {  	_ =	sfence.sel $0xFFFF  }
0xc3: {  	[dreg:$0x0] =	wrdreg $0xFFFFFFFF;
	(pc) =	sbr.abs _section_cstart, $3  }
0xc4: {  	[dreg:$0x1] =	wrdreg $0xFFFFFFFF  }
0xc5: {  	_ =	task.clear_ibuf [dreg:s9], $0x2FFFF;
	_ =	strace $0x9FFFFFFF  }
0xc6: {  	(tm) =	ssettm $0x7FFFFFFF  }
0xc7: {  	_ =	shalt  }
tec
execute0_lowered:
.L_overlay_start_1:
0x0: {  	(tag) =	ssettag $0x1  }
0x1: {  	s1 =	rddreg [dreg:$0x0]  }
0x2: {  	s6 =	rddreg [dreg:$0x1]  }
0x3: {  	s7 =	rddreg [dreg:$0x2]  }
0x4: {  	s2 =	rddreg [dreg:$0x3]  }
0x5: {  	s0 =	rddreg [dreg:$0x4];
	s4 =	srdreg.scid  }
0x6: {  	s3 =	simm.s32 $0x0;
	s9 =	stileid.u32;
	s13 =	simm.s32 $0x2  }
0x7: {  	s14 =	simm.s32 $0x1;
	s15 =	simm.s32 $0x1C700;
	s17 =	simm.s32 $0x0  }
0x8: {  	s4 =	sand.u32 $0x1, s4;
	s8 =	sshll.u32 s9, $0x9;
	s10 =	sshrl.u32 s9, $0x1  }
0x9: {  	[smem:$0x7FF] =	sst s3;
	p0 =	sne.s32 s9, $0x0;
	s9 =	simm.s32 $0x80  }
0xa: {  	s5 =	ssub.s32 $0x2, s4;
	s4 =	sshll.u32 s4, $0x8;
	s8 =	sand.u32 $0x200, s8  }
0xb: {  	s11 =	smul.u32 $0xC3800, s10;
	_ =	strace $0x80000047;
	s12 =	sshrl.u32 s5, $0x1  }
0xc: {  	s29 =	sshll.u32 s10, $0x11;
	s8 =	sor.u32 s4, s8;
	s12 =	ssub.s32 s5, s12  }
0xd: {  	s4 =	sor.u32 s11, s8;
	s30 =	sor.u32 $0x80, s8;
	s8 =	sor.u32 s29, s8  }
0xe: {  	s4 =	sshrl.u32 s4, $0x3;
	s11 =	sor.u32 s11, s30;
	s8 =	sshrl.u32 s8, $0x3  }
0xf: {  	s10 =	sor.u32 s29, s30;
	s4 =	sadd.s32 s6, s4;
	s11 =	sshrl.u32 s11, $0x3  }
0x10: {  	s5 =	sadd.s32 s7, s8;
	s31 =	sshrl.u32 s10, $0x3;
	s8 =	smax.u32 s12, $0x1  }
0x11: {  	s10 =	simm.s32 $0x400;
	s12 =	sshrl.u32 @!p0 s2, $0x3;
	s6 =	sadd.s32 s6, s11  }
0x12: {  	s7 =	sadd.s32 s7, s31;
	s11 =	simm.s32 $0x4000;
	s16 =	sadd.s32 $0x2000, s5  }
.LBB2_1:
0x13: {  	[tilespmem:s11], [sflag:$0x1] =	stream.strided.gather [hbm4b:s4+s9], $0x18700, s10, s9, $0x38;
	[tilespmem:$0x1EB00] =	vst v63  }
0x14: {  	s18 =	simm.s32 @!p0 $0x1C02  }
0x15: {  	[spmem:s12], [sflag:s18] =	dma.local @!p0 [hbm:s1], $0x800  }
0x16: {  	s18 =	simm.s32 @!p0 $0x2  }
0x17: {  	_ =	swait.ge @!p0 [sflag:s18], $0x800  }
0x18: {  	[sflag:s18] =	ssyncset.done @!p0 $0x0  }
0x19: {  	[sflag:s18] =	ssyncadd.s32 @!p0 $0xFFFFF800  }
0x1a: {  	[bflag:$0x0] =	sbarrier.arrive $0xFFFF  }
0x1b: {  	[tilespmem:s3], [sflag:$0x2] =	stream.linear.gather [spmem:s2], $0x4000, $0x38;
	[tilespmem:$0x1EB00] =	vst v63  }
0x1c: {  	_ =	swait.ge [sflag:s13], $0x4000  }
0x1d: {  	[sflag:s13] =	ssyncset.done $0x0  }
0x1e: {  	[sflag:s13] =	ssyncadd.s32 $0xFFFFC000  }
0x1f: {  	_ =	swait.ge [sflag:s14], $0x18700  }
0x20: {  	[sflag:s14] =	ssyncset.done $0x0  }
0x21: {  	s18 =	simm.s32 $0x0;
	[sflag:s14] =	ssyncadd.s32 $0xFFFE7900  }
0x22: {  	v0 =	vld [tilespmem:s18+$0x0];
	_ =	sdelay $0x4  }
0x23: {  	v1 =	vadd.s32 $0xFFFFFFFF, v0  }
0x24: {  	vm0 =	vlt.u32 v1, $0x186A0;
	v1 =	vld [tilespmem:s18+$0x10]  }
0x25: {  	v0 =	vnsel vm0, $0x0, v0;
	_ =	sdelay $0x3  }
0x26: {  	v2 =	vadd.s32 $0xFFFFFFFF, v1  }
0x27: {  	v0 =	vld.idx.msk [tilespmem:v0+s11+$0x0], $0xffff;
	vm0 =	vlt.u32 v2, $0x186A0  }
0x28: {  	v2 =	vld [tilespmem:s18+$0x20];
	v1 =	vnsel vm0, $0x0, v1;
	_ =	sdelay $0x3  }
0x29: {  	[tilespmem:s18+$0x1C700] =	vst v0  }
0x2a: {  	v0 =	vld.idx.msk [tilespmem:v1+s11+$0x0], $0xffff;
	v1 =	vadd.s32 $0xFFFFFFFF, v2  }
0x2b: {  	vm0 =	vlt.u32 v1, $0x186A0;
	v1 =	vld [tilespmem:s18+$0x30]  }
0x2c: {  	v2 =	vnsel vm0, $0x0, v2;
	_ =	sdelay $0x3  }
0x2d: {  	[tilespmem:s18+$0x1C710] =	vst v0;
	v0 =	vadd.s32 $0xFFFFFFFF, v1  }
0x2e: {  	v2 =	vld.idx.msk [tilespmem:v2+s11+$0x0], $0xffff;
	vm0 =	vlt.u32 v0, $0x186A0  }
0x2f: {  	v0 =	vnsel vm0, $0x0, v1;
	v1 =	vld [tilespmem:s18+$0x40];
	_ =	sdelay $0x3  }
0x30: {  	[tilespmem:s18+$0x1C720] =	vst v2  }
0x31: {  	v0 =	vld.idx.msk [tilespmem:v0+s11+$0x0], $0xffff;
	v2 =	vadd.s32 $0xFFFFFFFF, v1  }
0x32: {  	vm0 =	vlt.u32 v2, $0x186A0;
	v2 =	vld [tilespmem:s18+$0x50]  }
0x33: {  	v1 =	vnsel vm0, $0x0, v1;
	_ =	sdelay $0x3  }
0x34: {  	[tilespmem:s18+$0x1C730] =	vst v0;
	v0 =	vadd.s32 $0xFFFFFFFF, v2  }
0x35: {  	v1 =	vld.idx.msk [tilespmem:v1+s11+$0x0], $0xffff;
	vm0 =	vlt.u32 v0, $0x186A0  }
0x36: {  	v0 =	vnsel vm0, $0x0, v2;
	v2 =	vld [tilespmem:s18+$0x60];
	_ =	sdelay $0x3  }
0x37: {  	[tilespmem:s18+$0x1C740] =	vst v1  }
0x38: {  	v0 =	vld.idx.msk [tilespmem:v0+s11+$0x0], $0xffff;
	v1 =	vadd.s32 $0xFFFFFFFF, v2  }
0x39: {  	vm0 =	vlt.u32 v1, $0x186A0;
	v1 =	vld [tilespmem:s18+$0x70]  }
0x3a: {  	v2 =	vnsel vm0, $0x0, v2;
	_ =	sdelay $0x3  }
0x3b: {  	[tilespmem:s18+$0x1C750] =	vst v0;
	v0 =	vadd.s32 $0xFFFFFFFF, v1  }
0x3c: {  	v2 =	vld.idx.msk [tilespmem:v2+s11+$0x0], $0xffff;
	vm0 =	vlt.u32 v0, $0x186A0  }
0x3d: {  	v0 =	vnsel vm0, $0x0, v1;
	v1 =	vld [tilespmem:s18+$0x80];
	_ =	sdelay $0x3  }
0x3e: {  	[tilespmem:s18+$0x1C760] =	vst v2  }
0x3f: {  	v0 =	vld.idx.msk [tilespmem:v0+s11+$0x0], $0xffff;
	v2 =	vadd.s32 $0xFFFFFFFF, v1  }
0x40: {  	vm0 =	vlt.u32 v2, $0x186A0;
	v2 =	vld [tilespmem:s18+$0x90]  }
0x41: {  	v1 =	vnsel vm0, $0x0, v1;
	_ =	sdelay $0x3  }
0x42: {  	[tilespmem:s18+$0x1C770] =	vst v0;
	v0 =	vadd.s32 $0xFFFFFFFF, v2  }
0x43: {  	v1 =	vld.idx.msk [tilespmem:v1+s11+$0x0], $0xffff;
	vm0 =	vlt.u32 v0, $0x186A0  }
0x44: {  	v0 =	vnsel vm0, $0x0, v2;
	v2 =	vld [tilespmem:s18+$0xA0];
	_ =	sdelay $0x3  }
0x45: {  	[tilespmem:s18+$0x1C780] =	vst v1  }
0x46: {  	v0 =	vld.idx.msk [tilespmem:v0+s11+$0x0], $0xffff;
	v1 =	vadd.s32 $0xFFFFFFFF, v2  }
0x47: {  	vm0 =	vlt.u32 v1, $0x186A0;
	v1 =	vld [tilespmem:s18+$0xB0]  }
0x48: {  	v2 =	vnsel vm0, $0x0, v2;
	_ =	sdelay $0x3  }
0x49: {  	[tilespmem:s18+$0x1C790] =	vst v0;
	v0 =	vadd.s32 $0xFFFFFFFF, v1  }
0x4a: {  	v2 =	vld.idx.msk [tilespmem:v2+s11+$0x0], $0xffff;
	vm0 =	vlt.u32 v0, $0x186A0  }
0x4b: {  	v0 =	vnsel vm0, $0x0, v1;
	v1 =	vld [tilespmem:s18+$0xC0];
	_ =	sdelay $0x3  }
0x4c: {  	[tilespmem:s18+$0x1C7A0] =	vst v2  }
0x4d: {  	v0 =	vld.idx.msk [tilespmem:v0+s11+$0x0], $0xffff;
	v2 =	vadd.s32 $0xFFFFFFFF, v1  }
0x4e: {  	vm0 =	vlt.u32 v2, $0x186A0;
	v2 =	vld [tilespmem:s18+$0xD0]  }
0x4f: {  	v1 =	vnsel vm0, $0x0, v1;
	_ =	sdelay $0x3  }
0x50: {  	[tilespmem:s18+$0x1C7B0] =	vst v0;
	v0 =	vadd.s32 $0xFFFFFFFF, v2  }
0x51: {  	v1 =	vld.idx.msk [tilespmem:v1+s11+$0x0], $0xffff;
	vm0 =	vlt.u32 v0, $0x186A0  }
0x52: {  	v0 =	vnsel vm0, $0x0, v2;
	v2 =	vld [tilespmem:s18+$0xE0];
	_ =	sdelay $0x3  }
0x53: {  	[tilespmem:s18+$0x1C7C0] =	vst v1  }
0x54: {  	v1 =	vld.idx.msk [tilespmem:v0+s11+$0x0], $0xffff;
	v0 =	vadd.s32 $0xFFFFFFFF, v2  }
0x55: {  	vm0 =	vlt.u32 v0, $0x186A0;
	v0 =	vld [tilespmem:s18+$0xF0]  }
0x56: {  	v2 =	vnsel vm0, $0x0, v2;
	_ =	sdelay $0x3  }
0x57: {  	[tilespmem:s18+$0x1C7D0] =	vst v1;
	v3 =	vadd.s32 $0xFFFFFFFF, v0  }
0x58: {  	s20 =	simm.s32 $0x100;
	s19 =	simm.s32 $0x800;
	v1 =	vld.idx.msk [tilespmem:v2+s11+$0x0], $0xffff;
	vm0 =	vlt.u32 v3, $0x186A0  }
.LBB2_2:
0x59: {  	p1 =	sne.s32 s19, $0x7C00;
	v2 =	vld [tilespmem:s20+$0x0];
	v0 =	vnsel vm0, $0x0, v0;
	_ =	sdelay $0x3  }
0x5a: {  	[tilespmem:s18+$0x1C7E0] =	vst v1  }
0x5b: {  	v1 =	vadd.s32 $0xFFFFFFFF, v2;
	v0 =	vld.idx.msk [tilespmem:v0+s11+$0x0], $0xffff  }
0x5c: {  	vm0 =	vlt.u32 v1, $0x186A0  }
0x5d: {  	v1 =	vnsel vm0, $0x0, v2;
	v2 =	vld [tilespmem:s20+$0x10];
	_ =	sdelay $0x3  }
0x5e: {  	[tilespmem:s18+$0x1C7F0] =	vst v0;
	s18 =	smov.u32 s20  }
0x5f: {  	v0 =	vld.idx.msk [tilespmem:v1+s11+$0x0], $0xffff;
	v1 =	vadd.s32 $0xFFFFFFFF, v2  }
0x60: {  	vm0 =	vlt.u32 v1, $0x186A0  }
0x61: {  	v1 =	vnsel vm0, $0x0, v2;
	v2 =	vld [tilespmem:s18+$0x20];
	_ =	sdelay $0x3  }
0x62: {  	[tilespmem:s18+$0x1C700] =	vst v0  }
0x63: {  	v0 =	vld.idx.msk [tilespmem:v1+s11+$0x0], $0xffff;
	v1 =	vadd.s32 $0xFFFFFFFF, v2  }
0x64: {  	vm0 =	vlt.u32 v1, $0x186A0  }
0x65: {  	v1 =	vnsel vm0, $0x0, v2;
	v2 =	vld [tilespmem:s18+$0x30];
	_ =	sdelay $0x3  }
0x66: {  	[tilespmem:s18+$0x1C710] =	vst v0  }
0x67: {  	v0 =	vld.idx.msk [tilespmem:v1+s11+$0x0], $0xffff;
	v1 =	vadd.s32 $0xFFFFFFFF, v2  }
0x68: {  	vm0 =	vlt.u32 v1, $0x186A0  }
0x69: {  	v1 =	vnsel vm0, $0x0, v2;
	v2 =	vld [tilespmem:s18+$0x40];
	_ =	sdelay $0x3  }
0x6a: {  	[tilespmem:s18+$0x1C720] =	vst v0  }
0x6b: {  	v0 =	vld.idx.msk [tilespmem:v1+s11+$0x0], $0xffff;
	v1 =	vadd.s32 $0xFFFFFFFF, v2  }
0x6c: {  	vm0 =	vlt.u32 v1, $0x186A0  }
0x6d: {  	v1 =	vnsel vm0, $0x0, v2;
	v2 =	vld [tilespmem:s18+$0x50];
	_ =	sdelay $0x3  }
0x6e: {  	[tilespmem:s18+$0x1C730] =	vst v0  }
0x6f: {  	v0 =	vld.idx.msk [tilespmem:v1+s11+$0x0], $0xffff;
	v1 =	vadd.s32 $0xFFFFFFFF, v2  }
0x70: {  	vm0 =	vlt.u32 v1, $0x186A0  }
0x71: {  	v1 =	vnsel vm0, $0x0, v2;
	v2 =	vld [tilespmem:s18+$0x60];
	_ =	sdelay $0x3  }
0x72: {  	[tilespmem:s18+$0x1C740] =	vst v0  }
0x73: {  	v0 =	vld.idx.msk [tilespmem:v1+s11+$0x0], $0xffff;
	v1 =	vadd.s32 $0xFFFFFFFF, v2  }
0x74: {  	vm0 =	vlt.u32 v1, $0x186A0  }
0x75: {  	v1 =	vnsel vm0, $0x0, v2;
	v2 =	vld [tilespmem:s18+$0x70];
	_ =	sdelay $0x3  }
0x76: {  	[tilespmem:s18+$0x1C750] =	vst v0  }
0x77: {  	v0 =	vld.idx.msk [tilespmem:v1+s11+$0x0], $0xffff;
	v1 =	vadd.s32 $0xFFFFFFFF, v2  }
0x78: {  	vm0 =	vlt.u32 v1, $0x186A0  }
0x79: {  	v1 =	vnsel vm0, $0x0, v2;
	v2 =	vld [tilespmem:s18+$0x80];
	_ =	sdelay $0x3  }
0x7a: {  	[tilespmem:s18+$0x1C760] =	vst v0  }
0x7b: {  	v0 =	vld.idx.msk [tilespmem:v1+s11+$0x0], $0xffff;
	v1 =	vadd.s32 $0xFFFFFFFF, v2  }
0x7c: {  	vm0 =	vlt.u32 v1, $0x186A0  }
0x7d: {  	v1 =	vnsel vm0, $0x0, v2;
	v2 =	vld [tilespmem:s18+$0x90];
	_ =	sdelay $0x3  }
0x7e: {  	[tilespmem:s18+$0x1C770] =	vst v0  }
0x7f: {  	v0 =	vld.idx.msk [tilespmem:v1+s11+$0x0], $0xffff;
	v1 =	vadd.s32 $0xFFFFFFFF, v2  }
0x80: {  	vm0 =	vlt.u32 v1, $0x186A0  }
0x81: {  	v1 =	vnsel vm0, $0x0, v2;
	v2 =	vld [tilespmem:s18+$0xA0];
	_ =	sdelay $0x3  }
0x82: {  	[tilespmem:s18+$0x1C780] =	vst v0  }
0x83: {  	v0 =	vld.idx.msk [tilespmem:v1+s11+$0x0], $0xffff;
	v1 =	vadd.s32 $0xFFFFFFFF, v2  }
0x84: {  	vm0 =	vlt.u32 v1, $0x186A0  }
0x85: {  	v1 =	vnsel vm0, $0x0, v2;
	v2 =	vld [tilespmem:s18+$0xB0];
	_ =	sdelay $0x3  }
0x86: {  	[tilespmem:s18+$0x1C790] =	vst v0  }
0x87: {  	v0 =	vld.idx.msk [tilespmem:v1+s11+$0x0], $0xffff;
	v1 =	vadd.s32 $0xFFFFFFFF, v2  }
0x88: {  	vm0 =	vlt.u32 v1, $0x186A0  }
0x89: {  	v1 =	vnsel vm0, $0x0, v2;
	v2 =	vld [tilespmem:s18+$0xC0];
	_ =	sdelay $0x3  }
0x8a: {  	[tilespmem:s18+$0x1C7A0] =	vst v0  }
0x8b: {  	v0 =	vld.idx.msk [tilespmem:v1+s11+$0x0], $0xffff;
	v1 =	vadd.s32 $0xFFFFFFFF, v2  }
0x8c: {  	vm0 =	vlt.u32 v1, $0x186A0  }
0x8d: {  	v1 =	vnsel vm0, $0x0, v2;
	v2 =	vld [tilespmem:s18+$0xD0];
	_ =	sdelay $0x3  }
0x8e: {  	[tilespmem:s18+$0x1C7B0] =	vst v0  }
0x8f: {  	v0 =	vld.idx.msk [tilespmem:v1+s11+$0x0], $0xffff;
	v1 =	vadd.s32 $0xFFFFFFFF, v2  }
0x90: {  	vm0 =	vlt.u32 v1, $0x186A0  }
0x91: {  	v1 =	vnsel vm0, $0x0, v2;
	v2 =	vld [tilespmem:s18+$0xE0];
	_ =	sdelay $0x3  }
0x92: {  	[tilespmem:s18+$0x1C7C0] =	vst v0  }
0x93: {  	v1 =	vld.idx.msk [tilespmem:v1+s11+$0x0], $0xffff;
	v0 =	vadd.s32 $0xFFFFFFFF, v2  }
0x94: {  	vm0 =	vlt.u32 v0, $0x186A0  }
0x95: {  	v2 =	vnsel vm0, $0x0, v2;
	v0 =	vld [tilespmem:s18+$0xF0];
	_ =	sdelay $0x1  }
.Ltmp0:
0x96: {  	(pc) =	sbr.rel @p1 .LBB2_2-.Ltmp0, $4  }
0x97: {  	_ = 	snop  }
0x98: {  	[tilespmem:s18+$0x1C7D0] =	vst v1  }
0x99: {  	v1 =	vld.idx.msk [tilespmem:v2+s11+$0x0], $0xffff;
	v2 =	vadd.s32 $0xFFFFFFFF, v0  }
0x9a: {  	s20 =	sshra.s32 s19, $0x2;
	s19 =	sadd.s32 $0x400, s19;
	vm0 =	vlt.u32 v2, $0x186A0  }
0x9b: {  	v2 =	vld [tilespmem:s20+$0x0];
	v0 =	vnsel vm0, $0x0, v0;
	_ =	sdelay $0x3  }
0x9c: {  	[tilespmem:s18+$0x1C7E0] =	vst v1  }
0x9d: {  	v1 =	vadd.s32 $0xFFFFFFFF, v2;
	v0 =	vld.idx.msk [tilespmem:v0+s11+$0x0], $0xffff  }
0x9e: {  	vm0 =	vlt.u32 v1, $0x186A0;
	v1 =	vld [tilespmem:s20+$0x10]  }
0x9f: {  	v2 =	vnsel vm0, $0x0, v2;
	_ =	sdelay $0x3  }
0xa0: {  	[tilespmem:s18+$0x1C7F0] =	vst v0;
	v0 =	vadd.s32 $0xFFFFFFFF, v1  }
0xa1: {  	v2 =	vld.idx.msk [tilespmem:v2+s11+$0x0], $0xffff;
	vm0 =	vlt.u32 v0, $0x186A0  }
0xa2: {  	v0 =	vnsel vm0, $0x0, v1;
	v1 =	vld [tilespmem:s20+$0x20];
	_ =	sdelay $0x3  }
0xa3: {  	[tilespmem:s20+$0x1C700] =	vst v2  }
0xa4: {  	v0 =	vld.idx.msk [tilespmem:v0+s11+$0x0], $0xffff;
	v2 =	vadd.s32 $0xFFFFFFFF, v1  }
0xa5: {  	vm0 =	vlt.u32 v2, $0x186A0;
	v2 =	vld [tilespmem:s20+$0x30]  }
0xa6: {  	v1 =	vnsel vm0, $0x0, v1;
	_ =	sdelay $0x3  }
0xa7: {  	[tilespmem:s20+$0x1C710] =	vst v0;
	v0 =	vadd.s32 $0xFFFFFFFF, v2  }
0xa8: {  	v1 =	vld.idx.msk [tilespmem:v1+s11+$0x0], $0xffff;
	vm0 =	vlt.u32 v0, $0x186A0  }
0xa9: {  	v0 =	vnsel vm0, $0x0, v2;
	v2 =	vld [tilespmem:s20+$0x40];
	_ =	sdelay $0x3  }
0xaa: {  	[tilespmem:s20+$0x1C720] =	vst v1  }
0xab: {  	v0 =	vld.idx.msk [tilespmem:v0+s11+$0x0], $0xffff;
	v1 =	vadd.s32 $0xFFFFFFFF, v2  }
0xac: {  	vm0 =	vlt.u32 v1, $0x186A0;
	v1 =	vld [tilespmem:s20+$0x50]  }
0xad: {  	v2 =	vnsel vm0, $0x0, v2;
	_ =	sdelay $0x3  }
0xae: {  	[tilespmem:s20+$0x1C730] =	vst v0;
	v0 =	vadd.s32 $0xFFFFFFFF, v1  }
0xaf: {  	v2 =	vld.idx.msk [tilespmem:v2+s11+$0x0], $0xffff;
	vm0 =	vlt.u32 v0, $0x186A0  }
0xb0: {  	v0 =	vnsel vm0, $0x0, v1;
	v1 =	vld [tilespmem:s20+$0x60];
	_ =	sdelay $0x3  }
0xb1: {  	[tilespmem:s20+$0x1C740] =	vst v2  }
0xb2: {  	v0 =	vld.idx.msk [tilespmem:v0+s11+$0x0], $0xffff;
	v2 =	vadd.s32 $0xFFFFFFFF, v1  }
0xb3: {  	vm0 =	vlt.u32 v2, $0x186A0;
	v2 =	vld [tilespmem:s20+$0x70]  }
0xb4: {  	v1 =	vnsel vm0, $0x0, v1;
	_ =	sdelay $0x3  }
0xb5: {  	[tilespmem:s20+$0x1C750] =	vst v0;
	v0 =	vadd.s32 $0xFFFFFFFF, v2  }
0xb6: {  	v1 =	vld.idx.msk [tilespmem:v1+s11+$0x0], $0xffff;
	vm0 =	vlt.u32 v0, $0x186A0  }
0xb7: {  	v0 =	vnsel vm0, $0x0, v2;
	v2 =	vld [tilespmem:s20+$0x80];
	_ =	sdelay $0x3  }
0xb8: {  	[tilespmem:s20+$0x1C760] =	vst v1  }
0xb9: {  	v0 =	vld.idx.msk [tilespmem:v0+s11+$0x0], $0xffff;
	v1 =	vadd.s32 $0xFFFFFFFF, v2  }
0xba: {  	vm0 =	vlt.u32 v1, $0x186A0;
	v1 =	vld [tilespmem:s20+$0x90]  }
0xbb: {  	v2 =	vnsel vm0, $0x0, v2;
	_ =	sdelay $0x3  }
0xbc: {  	[tilespmem:s20+$0x1C770] =	vst v0;
	v0 =	vadd.s32 $0xFFFFFFFF, v1  }
0xbd: {  	v2 =	vld.idx.msk [tilespmem:v2+s11+$0x0], $0xffff;
	vm0 =	vlt.u32 v0, $0x186A0  }
0xbe: {  	v0 =	vnsel vm0, $0x0, v1;
	v1 =	vld [tilespmem:s20+$0xA0];
	_ =	sdelay $0x3  }
0xbf: {  	[tilespmem:s20+$0x1C780] =	vst v2  }
0xc0: {  	v0 =	vld.idx.msk [tilespmem:v0+s11+$0x0], $0xffff;
	v2 =	vadd.s32 $0xFFFFFFFF, v1  }
0xc1: {  	vm0 =	vlt.u32 v2, $0x186A0;
	v2 =	vld [tilespmem:s20+$0xB0]  }
0xc2: {  	v1 =	vnsel vm0, $0x0, v1;
	_ =	sdelay $0x3  }
0xc3: {  	[tilespmem:s20+$0x1C790] =	vst v0;
	v0 =	vadd.s32 $0xFFFFFFFF, v2  }
0xc4: {  	v1 =	vld.idx.msk [tilespmem:v1+s11+$0x0], $0xffff;
	vm0 =	vlt.u32 v0, $0x186A0  }
0xc5: {  	v0 =	vnsel vm0, $0x0, v2;
	v2 =	vld [tilespmem:s20+$0xC0];
	_ =	sdelay $0x3  }
0xc6: {  	[tilespmem:s20+$0x1C7A0] =	vst v1  }
0xc7: {  	v0 =	vld.idx.msk [tilespmem:v0+s11+$0x0], $0xffff;
	v1 =	vadd.s32 $0xFFFFFFFF, v2  }
0xc8: {  	vm0 =	vlt.u32 v1, $0x186A0;
	v1 =	vld [tilespmem:s20+$0xD0]  }
0xc9: {  	v2 =	vnsel vm0, $0x0, v2;
	_ =	sdelay $0x3  }
0xca: {  	[tilespmem:s20+$0x1C7B0] =	vst v0;
	v0 =	vadd.s32 $0xFFFFFFFF, v1  }
0xcb: {  	v2 =	vld.idx.msk [tilespmem:v2+s11+$0x0], $0xffff;
	vm0 =	vlt.u32 v0, $0x186A0  }
0xcc: {  	v0 =	vnsel vm0, $0x0, v1;
	v1 =	vld [tilespmem:s20+$0xE0];
	_ =	sdelay $0x3  }
0xcd: {  	[tilespmem:s20+$0x1C7C0] =	vst v2  }
0xce: {  	v0 =	vld.idx.msk [tilespmem:v0+s11+$0x0], $0xffff;
	v2 =	vadd.s32 $0xFFFFFFFF, v1  }
0xcf: {  	vm0 =	vlt.u32 v2, $0x186A0;
	v2 =	vld [tilespmem:s20+$0xF0]  }
0xd0: {  	v1 =	vnsel vm0, $0x0, v1;
	_ =	sdelay $0x3  }
0xd1: {  	[tilespmem:s20+$0x1C7D0] =	vst v0;
	v0 =	vadd.s32 $0xFFFFFFFF, v2  }
0xd2: {  	v1 =	vld.idx.msk [tilespmem:v1+s11+$0x0], $0xffff;
	vm0 =	vlt.u32 v0, $0x186A0  }
0xd3: {  	v0 =	vnsel vm0, $0x0, v2;
	_ =	sdelay $0x3  }
0xd4: {  	[tilespmem:s20+$0x1C7E0] =	vst v1  }
0xd5: {  	v0 =	vld.idx.msk [tilespmem:v0+s11+$0x0], $0xffff;
	_ =	sdelay $0x4  }
0xd6: {  	[tilespmem:s20+$0x1C7F0] =	vst v0  }
0xd7: {  	[hbm4b:s5+s9] =	stream.strided.scatter [tilespmem:s15], [sflag:$0x2], $0x2000, s10, s9, $0x38;
	[tilespmem:$0x1EB00] =	vst v63  }
0xd8: {  	_ =	swait.ge [sflag:s13], $0x2000  }
0xd9: {  	[sflag:s13] =	ssyncset.done $0x0  }
0xda: {  	s18 =	simm.s32 $0x0;
	[sflag:s13] =	ssyncadd.s32 $0xFFFFE000  }
0xdb: {  	v0 =	vld [tilespmem:s18+$0x2000];
	_ =	sdelay $0x4  }
0xdc: {  	v1 =	vadd.s32 $0xFFFFFFFF, v0  }
0xdd: {  	vm0 =	vlt.u32 v1, $0x186A0;
	v1 =	vld [tilespmem:s18+$0x2010]  }
0xde: {  	v0 =	vnsel vm0, $0x0, v0;
	_ =	sdelay $0x3  }
0xdf: {  	v2 =	vadd.s32 $0xFFFFFFFF, v1  }
0xe0: {  	v0 =	vld.idx.msk [tilespmem:v0+s11+$0x0], $0xffff;
	vm0 =	vlt.u32 v2, $0x186A0  }
0xe1: {  	v2 =	vld [tilespmem:s18+$0x2020];
	v1 =	vnsel vm0, $0x0, v1;
	_ =	sdelay $0x3  }
0xe2: {  	[tilespmem:s18+$0x1C700] =	vst v0  }
0xe3: {  	v0 =	vld.idx.msk [tilespmem:v1+s11+$0x0], $0xffff;
	v1 =	vadd.s32 $0xFFFFFFFF, v2  }
0xe4: {  	vm0 =	vlt.u32 v1, $0x186A0;
	v1 =	vld [tilespmem:s18+$0x2030]  }
0xe5: {  	v2 =	vnsel vm0, $0x0, v2;
	_ =	sdelay $0x3  }
0xe6: {  	[tilespmem:s18+$0x1C710] =	vst v0;
	v0 =	vadd.s32 $0xFFFFFFFF, v1  }
0xe7: {  	v2 =	vld.idx.msk [tilespmem:v2+s11+$0x0], $0xffff;
	vm0 =	vlt.u32 v0, $0x186A0  }
0xe8: {  	v0 =	vnsel vm0, $0x0, v1;
	v1 =	vld [tilespmem:s18+$0x2040];
	_ =	sdelay $0x3  }
0xe9: {  	[tilespmem:s18+$0x1C720] =	vst v2  }
0xea: {  	v0 =	vld.idx.msk [tilespmem:v0+s11+$0x0], $0xffff;
	v2 =	vadd.s32 $0xFFFFFFFF, v1  }
0xeb: {  	vm0 =	vlt.u32 v2, $0x186A0;
	v2 =	vld [tilespmem:s18+$0x2050]  }
0xec: {  	v1 =	vnsel vm0, $0x0, v1;
	_ =	sdelay $0x3  }
0xed: {  	[tilespmem:s18+$0x1C730] =	vst v0;
	v0 =	vadd.s32 $0xFFFFFFFF, v2  }
0xee: {  	v1 =	vld.idx.msk [tilespmem:v1+s11+$0x0], $0xffff;
	vm0 =	vlt.u32 v0, $0x186A0  }
0xef: {  	v0 =	vnsel vm0, $0x0, v2;
	v2 =	vld [tilespmem:s18+$0x2060];
	_ =	sdelay $0x3  }
0xf0: {  	[tilespmem:s18+$0x1C740] =	vst v1  }
0xf1: {  	v0 =	vld.idx.msk [tilespmem:v0+s11+$0x0], $0xffff;
	v1 =	vadd.s32 $0xFFFFFFFF, v2  }
0xf2: {  	vm0 =	vlt.u32 v1, $0x186A0;
	v1 =	vld [tilespmem:s18+$0x2070]  }
0xf3: {  	v2 =	vnsel vm0, $0x0, v2;
	_ =	sdelay $0x3  }
0xf4: {  	[tilespmem:s18+$0x1C750] =	vst v0;
	v0 =	vadd.s32 $0xFFFFFFFF, v1  }
0xf5: {  	v2 =	vld.idx.msk [tilespmem:v2+s11+$0x0], $0xffff;
	vm0 =	vlt.u32 v0, $0x186A0  }
0xf6: {  	v0 =	vnsel vm0, $0x0, v1;
	v1 =	vld [tilespmem:s18+$0x2080];
	_ =	sdelay $0x3  }
0xf7: {  	[tilespmem:s18+$0x1C760] =	vst v2  }
0xf8: {  	v0 =	vld.idx.msk [tilespmem:v0+s11+$0x0], $0xffff;
	v2 =	vadd.s32 $0xFFFFFFFF, v1  }
0xf9: {  	vm0 =	vlt.u32 v2, $0x186A0;
	v2 =	vld [tilespmem:s18+$0x2090]  }
0xfa: {  	v1 =	vnsel vm0, $0x0, v1;
	_ =	sdelay $0x3  }
0xfb: {  	[tilespmem:s18+$0x1C770] =	vst v0;
	v0 =	vadd.s32 $0xFFFFFFFF, v2  }
0xfc: {  	v1 =	vld.idx.msk [tilespmem:v1+s11+$0x0], $0xffff;
	vm0 =	vlt.u32 v0, $0x186A0  }
0xfd: {  	v0 =	vnsel vm0, $0x0, v2;
	v2 =	vld [tilespmem:s18+$0x20A0];
	_ =	sdelay $0x3  }
0xfe: {  	[tilespmem:s18+$0x1C780] =	vst v1  }
0xff: {  	v0 =	vld.idx.msk [tilespmem:v0+s11+$0x0], $0xffff;
	v1 =	vadd.s32 $0xFFFFFFFF, v2  }
0x100: {  	vm0 =	vlt.u32 v1, $0x186A0;
	v1 =	vld [tilespmem:s18+$0x20B0]  }
0x101: {  	v2 =	vnsel vm0, $0x0, v2;
	_ =	sdelay $0x3  }
0x102: {  	[tilespmem:s18+$0x1C790] =	vst v0;
	v0 =	vadd.s32 $0xFFFFFFFF, v1  }
0x103: {  	v2 =	vld.idx.msk [tilespmem:v2+s11+$0x0], $0xffff;
	vm0 =	vlt.u32 v0, $0x186A0  }
0x104: {  	v0 =	vnsel vm0, $0x0, v1;
	v1 =	vld [tilespmem:s18+$0x20C0];
	_ =	sdelay $0x3  }
0x105: {  	[tilespmem:s18+$0x1C7A0] =	vst v2  }
0x106: {  	v0 =	vld.idx.msk [tilespmem:v0+s11+$0x0], $0xffff;
	v2 =	vadd.s32 $0xFFFFFFFF, v1  }
0x107: {  	vm0 =	vlt.u32 v2, $0x186A0;
	v2 =	vld [tilespmem:s18+$0x20D0]  }
0x108: {  	v1 =	vnsel vm0, $0x0, v1;
	_ =	sdelay $0x3  }
0x109: {  	[tilespmem:s18+$0x1C7B0] =	vst v0;
	v0 =	vadd.s32 $0xFFFFFFFF, v2  }
0x10a: {  	v1 =	vld.idx.msk [tilespmem:v1+s11+$0x0], $0xffff;
	vm0 =	vlt.u32 v0, $0x186A0  }
0x10b: {  	v0 =	vnsel vm0, $0x0, v2;
	v2 =	vld [tilespmem:s18+$0x20E0];
	_ =	sdelay $0x3  }
0x10c: {  	[tilespmem:s18+$0x1C7C0] =	vst v1  }
0x10d: {  	v1 =	vld.idx.msk [tilespmem:v0+s11+$0x0], $0xffff;
	v0 =	vadd.s32 $0xFFFFFFFF, v2  }
0x10e: {  	vm0 =	vlt.u32 v0, $0x186A0;
	v0 =	vld [tilespmem:s18+$0x20F0]  }
0x10f: {  	v2 =	vnsel vm0, $0x0, v2;
	_ =	sdelay $0x3  }
0x110: {  	[tilespmem:s18+$0x1C7D0] =	vst v1;
	v3 =	vadd.s32 $0xFFFFFFFF, v0  }
0x111: {  	s19 =	simm.s32 $0x800;
	s20 =	simm.s32 $0x100;
	v1 =	vld.idx.msk [tilespmem:v2+s11+$0x0], $0xffff;
	vm0 =	vlt.u32 v3, $0x186A0  }
.LBB2_4:
0x112: {  	p1 =	sne.s32 s19, $0x7C00;
	v2 =	vld [tilespmem:s20+$0x2000];
	v0 =	vnsel vm0, $0x0, v0;
	_ =	sdelay $0x3  }
0x113: {  	[tilespmem:s18+$0x1C7E0] =	vst v1  }
0x114: {  	v1 =	vadd.s32 $0xFFFFFFFF, v2;
	v0 =	vld.idx.msk [tilespmem:v0+s11+$0x0], $0xffff  }
0x115: {  	vm0 =	vlt.u32 v1, $0x186A0  }
0x116: {  	v1 =	vnsel vm0, $0x0, v2;
	v2 =	vld [tilespmem:s20+$0x2010];
	_ =	sdelay $0x3  }
0x117: {  	[tilespmem:s18+$0x1C7F0] =	vst v0;
	s18 =	smov.u32 s20  }
0x118: {  	v0 =	vld.idx.msk [tilespmem:v1+s11+$0x0], $0xffff;
	v1 =	vadd.s32 $0xFFFFFFFF, v2  }
0x119: {  	vm0 =	vlt.u32 v1, $0x186A0  }
0x11a: {  	v1 =	vnsel vm0, $0x0, v2;
	v2 =	vld [tilespmem:s18+$0x2020];
	_ =	sdelay $0x3  }
0x11b: {  	[tilespmem:s18+$0x1C700] =	vst v0  }
0x11c: {  	v0 =	vld.idx.msk [tilespmem:v1+s11+$0x0], $0xffff;
	v1 =	vadd.s32 $0xFFFFFFFF, v2  }
0x11d: {  	vm0 =	vlt.u32 v1, $0x186A0  }
0x11e: {  	v1 =	vnsel vm0, $0x0, v2;
	v2 =	vld [tilespmem:s18+$0x2030];
	_ =	sdelay $0x3  }
0x11f: {  	[tilespmem:s18+$0x1C710] =	vst v0  }
0x120: {  	v0 =	vld.idx.msk [tilespmem:v1+s11+$0x0], $0xffff;
	v1 =	vadd.s32 $0xFFFFFFFF, v2  }
0x121: {  	vm0 =	vlt.u32 v1, $0x186A0  }
0x122: {  	v1 =	vnsel vm0, $0x0, v2;
	v2 =	vld [tilespmem:s18+$0x2040];
	_ =	sdelay $0x3  }
0x123: {  	[tilespmem:s18+$0x1C720] =	vst v0  }
0x124: {  	v0 =	vld.idx.msk [tilespmem:v1+s11+$0x0], $0xffff;
	v1 =	vadd.s32 $0xFFFFFFFF, v2  }
0x125: {  	vm0 =	vlt.u32 v1, $0x186A0  }
0x126: {  	v1 =	vnsel vm0, $0x0, v2;
	v2 =	vld [tilespmem:s18+$0x2050];
	_ =	sdelay $0x3  }
0x127: {  	[tilespmem:s18+$0x1C730] =	vst v0  }
0x128: {  	v0 =	vld.idx.msk [tilespmem:v1+s11+$0x0], $0xffff;
	v1 =	vadd.s32 $0xFFFFFFFF, v2  }
0x129: {  	vm0 =	vlt.u32 v1, $0x186A0  }
0x12a: {  	v1 =	vnsel vm0, $0x0, v2;
	v2 =	vld [tilespmem:s18+$0x2060];
	_ =	sdelay $0x3  }
0x12b: {  	[tilespmem:s18+$0x1C740] =	vst v0  }
0x12c: {  	v0 =	vld.idx.msk [tilespmem:v1+s11+$0x0], $0xffff;
	v1 =	vadd.s32 $0xFFFFFFFF, v2  }
0x12d: {  	vm0 =	vlt.u32 v1, $0x186A0  }
0x12e: {  	v1 =	vnsel vm0, $0x0, v2;
	v2 =	vld [tilespmem:s18+$0x2070];
	_ =	sdelay $0x3  }
0x12f: {  	[tilespmem:s18+$0x1C750] =	vst v0  }
0x130: {  	v0 =	vld.idx.msk [tilespmem:v1+s11+$0x0], $0xffff;
	v1 =	vadd.s32 $0xFFFFFFFF, v2  }
0x131: {  	vm0 =	vlt.u32 v1, $0x186A0  }
0x132: {  	v1 =	vnsel vm0, $0x0, v2;
	v2 =	vld [tilespmem:s18+$0x2080];
	_ =	sdelay $0x3  }
0x133: {  	[tilespmem:s18+$0x1C760] =	vst v0  }
0x134: {  	v0 =	vld.idx.msk [tilespmem:v1+s11+$0x0], $0xffff;
	v1 =	vadd.s32 $0xFFFFFFFF, v2  }
0x135: {  	vm0 =	vlt.u32 v1, $0x186A0  }
0x136: {  	v1 =	vnsel vm0, $0x0, v2;
	v2 =	vld [tilespmem:s18+$0x2090];
	_ =	sdelay $0x3  }
0x137: {  	[tilespmem:s18+$0x1C770] =	vst v0  }
0x138: {  	v0 =	vld.idx.msk [tilespmem:v1+s11+$0x0], $0xffff;
	v1 =	vadd.s32 $0xFFFFFFFF, v2  }
0x139: {  	vm0 =	vlt.u32 v1, $0x186A0  }
0x13a: {  	v1 =	vnsel vm0, $0x0, v2;
	v2 =	vld [tilespmem:s18+$0x20A0];
	_ =	sdelay $0x3  }
0x13b: {  	[tilespmem:s18+$0x1C780] =	vst v0  }
0x13c: {  	v0 =	vld.idx.msk [tilespmem:v1+s11+$0x0], $0xffff;
	v1 =	vadd.s32 $0xFFFFFFFF, v2  }
0x13d: {  	vm0 =	vlt.u32 v1, $0x186A0  }
0x13e: {  	v1 =	vnsel vm0, $0x0, v2;
	v2 =	vld [tilespmem:s18+$0x20B0];
	_ =	sdelay $0x3  }
0x13f: {  	[tilespmem:s18+$0x1C790] =	vst v0  }
0x140: {  	v0 =	vld.idx.msk [tilespmem:v1+s11+$0x0], $0xffff;
	v1 =	vadd.s32 $0xFFFFFFFF, v2  }
0x141: {  	vm0 =	vlt.u32 v1, $0x186A0  }
0x142: {  	v1 =	vnsel vm0, $0x0, v2;
	v2 =	vld [tilespmem:s18+$0x20C0];
	_ =	sdelay $0x3  }
0x143: {  	[tilespmem:s18+$0x1C7A0] =	vst v0  }
0x144: {  	v0 =	vld.idx.msk [tilespmem:v1+s11+$0x0], $0xffff;
	v1 =	vadd.s32 $0xFFFFFFFF, v2  }
0x145: {  	vm0 =	vlt.u32 v1, $0x186A0  }
0x146: {  	v1 =	vnsel vm0, $0x0, v2;
	v2 =	vld [tilespmem:s18+$0x20D0];
	_ =	sdelay $0x3  }
0x147: {  	[tilespmem:s18+$0x1C7B0] =	vst v0  }
0x148: {  	v0 =	vld.idx.msk [tilespmem:v1+s11+$0x0], $0xffff;
	v1 =	vadd.s32 $0xFFFFFFFF, v2  }
0x149: {  	vm0 =	vlt.u32 v1, $0x186A0  }
0x14a: {  	v1 =	vnsel vm0, $0x0, v2;
	v2 =	vld [tilespmem:s18+$0x20E0];
	_ =	sdelay $0x3  }
0x14b: {  	[tilespmem:s18+$0x1C7C0] =	vst v0  }
0x14c: {  	v1 =	vld.idx.msk [tilespmem:v1+s11+$0x0], $0xffff;
	v0 =	vadd.s32 $0xFFFFFFFF, v2  }
0x14d: {  	vm0 =	vlt.u32 v0, $0x186A0  }
0x14e: {  	v2 =	vnsel vm0, $0x0, v2;
	v0 =	vld [tilespmem:s18+$0x20F0];
	_ =	sdelay $0x1  }
.Ltmp1:
0x14f: {  	(pc) =	sbr.rel @p1 .LBB2_4-.Ltmp1, $4  }
0x150: {  	_ = 	snop  }
0x151: {  	[tilespmem:s18+$0x1C7D0] =	vst v1  }
0x152: {  	v1 =	vld.idx.msk [tilespmem:v2+s11+$0x0], $0xffff;
	v2 =	vadd.s32 $0xFFFFFFFF, v0  }
0x153: {  	s20 =	sshra.s32 s19, $0x2;
	s19 =	sadd.s32 $0x400, s19;
	vm0 =	vlt.u32 v2, $0x186A0  }
0x154: {  	v2 =	vld [tilespmem:s20+$0x2000];
	v0 =	vnsel vm0, $0x0, v0;
	_ =	sdelay $0x3  }
0x155: {  	[tilespmem:s18+$0x1C7E0] =	vst v1  }
0x156: {  	v1 =	vadd.s32 $0xFFFFFFFF, v2;
	v0 =	vld.idx.msk [tilespmem:v0+s11+$0x0], $0xffff  }
0x157: {  	vm0 =	vlt.u32 v1, $0x186A0;
	v1 =	vld [tilespmem:s20+$0x2010]  }
0x158: {  	v2 =	vnsel vm0, $0x0, v2;
	_ =	sdelay $0x3  }
0x159: {  	[tilespmem:s18+$0x1C7F0] =	vst v0;
	v0 =	vadd.s32 $0xFFFFFFFF, v1  }
0x15a: {  	v2 =	vld.idx.msk [tilespmem:v2+s11+$0x0], $0xffff;
	vm0 =	vlt.u32 v0, $0x186A0  }
0x15b: {  	v0 =	vnsel vm0, $0x0, v1;
	v1 =	vld [tilespmem:s20+$0x2020];
	_ =	sdelay $0x3  }
0x15c: {  	[tilespmem:s20+$0x1C700] =	vst v2  }
0x15d: {  	v0 =	vld.idx.msk [tilespmem:v0+s11+$0x0], $0xffff;
	v2 =	vadd.s32 $0xFFFFFFFF, v1  }
0x15e: {  	vm0 =	vlt.u32 v2, $0x186A0;
	v2 =	vld [tilespmem:s20+$0x2030]  }
0x15f: {  	v1 =	vnsel vm0, $0x0, v1;
	_ =	sdelay $0x3  }
0x160: {  	[tilespmem:s20+$0x1C710] =	vst v0;
	v0 =	vadd.s32 $0xFFFFFFFF, v2  }
0x161: {  	v1 =	vld.idx.msk [tilespmem:v1+s11+$0x0], $0xffff;
	vm0 =	vlt.u32 v0, $0x186A0  }
0x162: {  	v0 =	vnsel vm0, $0x0, v2;
	v2 =	vld [tilespmem:s20+$0x2040];
	_ =	sdelay $0x3  }
0x163: {  	[tilespmem:s20+$0x1C720] =	vst v1  }
0x164: {  	v0 =	vld.idx.msk [tilespmem:v0+s11+$0x0], $0xffff;
	v1 =	vadd.s32 $0xFFFFFFFF, v2  }
0x165: {  	vm0 =	vlt.u32 v1, $0x186A0;
	v1 =	vld [tilespmem:s20+$0x2050]  }
0x166: {  	v2 =	vnsel vm0, $0x0, v2;
	_ =	sdelay $0x3  }
0x167: {  	[tilespmem:s20+$0x1C730] =	vst v0;
	v0 =	vadd.s32 $0xFFFFFFFF, v1  }
0x168: {  	v2 =	vld.idx.msk [tilespmem:v2+s11+$0x0], $0xffff;
	vm0 =	vlt.u32 v0, $0x186A0  }
0x169: {  	v0 =	vnsel vm0, $0x0, v1;
	v1 =	vld [tilespmem:s20+$0x2060];
	_ =	sdelay $0x3  }
0x16a: {  	[tilespmem:s20+$0x1C740] =	vst v2  }
0x16b: {  	v0 =	vld.idx.msk [tilespmem:v0+s11+$0x0], $0xffff;
	v2 =	vadd.s32 $0xFFFFFFFF, v1  }
0x16c: {  	vm0 =	vlt.u32 v2, $0x186A0;
	v2 =	vld [tilespmem:s20+$0x2070]  }
0x16d: {  	v1 =	vnsel vm0, $0x0, v1;
	_ =	sdelay $0x3  }
0x16e: {  	[tilespmem:s20+$0x1C750] =	vst v0;
	v0 =	vadd.s32 $0xFFFFFFFF, v2  }
0x16f: {  	v1 =	vld.idx.msk [tilespmem:v1+s11+$0x0], $0xffff;
	vm0 =	vlt.u32 v0, $0x186A0  }
0x170: {  	v0 =	vnsel vm0, $0x0, v2;
	v2 =	vld [tilespmem:s20+$0x2080];
	_ =	sdelay $0x3  }
0x171: {  	[tilespmem:s20+$0x1C760] =	vst v1  }
0x172: {  	v0 =	vld.idx.msk [tilespmem:v0+s11+$0x0], $0xffff;
	v1 =	vadd.s32 $0xFFFFFFFF, v2  }
0x173: {  	vm0 =	vlt.u32 v1, $0x186A0;
	v1 =	vld [tilespmem:s20+$0x2090]  }
0x174: {  	v2 =	vnsel vm0, $0x0, v2;
	_ =	sdelay $0x3  }
0x175: {  	[tilespmem:s20+$0x1C770] =	vst v0;
	v0 =	vadd.s32 $0xFFFFFFFF, v1  }
0x176: {  	v2 =	vld.idx.msk [tilespmem:v2+s11+$0x0], $0xffff;
	vm0 =	vlt.u32 v0, $0x186A0  }
0x177: {  	v0 =	vnsel vm0, $0x0, v1;
	v1 =	vld [tilespmem:s20+$0x20A0];
	_ =	sdelay $0x3  }
0x178: {  	[tilespmem:s20+$0x1C780] =	vst v2  }
0x179: {  	v0 =	vld.idx.msk [tilespmem:v0+s11+$0x0], $0xffff;
	v2 =	vadd.s32 $0xFFFFFFFF, v1  }
0x17a: {  	vm0 =	vlt.u32 v2, $0x186A0;
	v2 =	vld [tilespmem:s20+$0x20B0]  }
0x17b: {  	v1 =	vnsel vm0, $0x0, v1;
	_ =	sdelay $0x3  }
0x17c: {  	[tilespmem:s20+$0x1C790] =	vst v0;
	v0 =	vadd.s32 $0xFFFFFFFF, v2  }
0x17d: {  	v1 =	vld.idx.msk [tilespmem:v1+s11+$0x0], $0xffff;
	vm0 =	vlt.u32 v0, $0x186A0  }
0x17e: {  	v0 =	vnsel vm0, $0x0, v2;
	v2 =	vld [tilespmem:s20+$0x20C0];
	_ =	sdelay $0x3  }
0x17f: {  	[tilespmem:s20+$0x1C7A0] =	vst v1  }
0x180: {  	v0 =	vld.idx.msk [tilespmem:v0+s11+$0x0], $0xffff;
	v1 =	vadd.s32 $0xFFFFFFFF, v2  }
0x181: {  	vm0 =	vlt.u32 v1, $0x186A0;
	v1 =	vld [tilespmem:s20+$0x20D0]  }
0x182: {  	v2 =	vnsel vm0, $0x0, v2;
	_ =	sdelay $0x3  }
0x183: {  	[tilespmem:s20+$0x1C7B0] =	vst v0;
	v0 =	vadd.s32 $0xFFFFFFFF, v1  }
0x184: {  	v2 =	vld.idx.msk [tilespmem:v2+s11+$0x0], $0xffff;
	vm0 =	vlt.u32 v0, $0x186A0  }
0x185: {  	v0 =	vnsel vm0, $0x0, v1;
	v1 =	vld [tilespmem:s20+$0x20E0];
	_ =	sdelay $0x3  }
0x186: {  	[tilespmem:s20+$0x1C7C0] =	vst v2  }
0x187: {  	v0 =	vld.idx.msk [tilespmem:v0+s11+$0x0], $0xffff;
	v2 =	vadd.s32 $0xFFFFFFFF, v1  }
0x188: {  	vm0 =	vlt.u32 v2, $0x186A0;
	v2 =	vld [tilespmem:s20+$0x20F0]  }
0x189: {  	v1 =	vnsel vm0, $0x0, v1;
	_ =	sdelay $0x3  }
0x18a: {  	[tilespmem:s20+$0x1C7D0] =	vst v0;
	v0 =	vadd.s32 $0xFFFFFFFF, v2  }
0x18b: {  	v1 =	vld.idx.msk [tilespmem:v1+s11+$0x0], $0xffff;
	vm0 =	vlt.u32 v0, $0x186A0  }
0x18c: {  	v0 =	vnsel vm0, $0x0, v2;
	_ =	sdelay $0x3  }
0x18d: {  	[tilespmem:s20+$0x1C7E0] =	vst v1  }
0x18e: {  	v0 =	vld.idx.msk [tilespmem:v0+s11+$0x0], $0xffff;
	_ =	sdelay $0x4  }
0x18f: {  	[tilespmem:s20+$0x1C7F0] =	vst v0  }
0x190: {  	[hbm4b:s16+s9] =	stream.strided.scatter [tilespmem:s15], [sflag:$0x2], $0x2000, s10, s9, $0x38;
	[tilespmem:$0x1EB00] =	vst v63  }
0x191: {  	_ =	swait.ge [sflag:s13], $0x2000  }
0x192: {  	[sflag:s13] =	ssyncset.done $0x0  }
0x193: {  	[sflag:s13] =	ssyncadd.s32 $0xFFFFE000  }
0x194: {  	[tilespmem:s11], [sflag:$0x1] =	stream.strided.gather [hbm4b:s6+s9], $0x18700, s10, s9, $0x38;
	[tilespmem:$0x1EB00] =	vst v63  }
0x195: {  	_ =	swait.ge [sflag:s14], $0x18700  }
0x196: {  	[sflag:s14] =	ssyncset.done $0x0  }
0x197: {  	s18 =	simm.s32 $0x0;
	[sflag:s14] =	ssyncadd.s32 $0xFFFE7900  }
0x198: {  	v0 =	vld [tilespmem:s18+$0x0];
	_ =	sdelay $0x4  }
0x199: {  	v1 =	vadd.s32 $0xFFFFFFFF, v0  }
0x19a: {  	vm0 =	vlt.u32 v1, $0x186A0;
	v1 =	vld [tilespmem:s18+$0x10]  }
0x19b: {  	v0 =	vnsel vm0, $0x0, v0;
	_ =	sdelay $0x3  }
0x19c: {  	v2 =	vadd.s32 $0xFFFFFFFF, v1  }
0x19d: {  	v0 =	vld.idx.msk [tilespmem:v0+s11+$0x0], $0xffff;
	vm0 =	vlt.u32 v2, $0x186A0  }
0x19e: {  	v2 =	vld [tilespmem:s18+$0x20];
	v1 =	vnsel vm0, $0x0, v1;
	_ =	sdelay $0x3  }
0x19f: {  	[tilespmem:s18+$0x1C700] =	vst v0  }
0x1a0: {  	v0 =	vld.idx.msk [tilespmem:v1+s11+$0x0], $0xffff;
	v1 =	vadd.s32 $0xFFFFFFFF, v2  }
0x1a1: {  	vm0 =	vlt.u32 v1, $0x186A0;
	v1 =	vld [tilespmem:s18+$0x30]  }
0x1a2: {  	v2 =	vnsel vm0, $0x0, v2;
	_ =	sdelay $0x3  }
0x1a3: {  	[tilespmem:s18+$0x1C710] =	vst v0;
	v0 =	vadd.s32 $0xFFFFFFFF, v1  }
0x1a4: {  	v2 =	vld.idx.msk [tilespmem:v2+s11+$0x0], $0xffff;
	vm0 =	vlt.u32 v0, $0x186A0  }
0x1a5: {  	v0 =	vnsel vm0, $0x0, v1;
	v1 =	vld [tilespmem:s18+$0x40];
	_ =	sdelay $0x3  }
0x1a6: {  	[tilespmem:s18+$0x1C720] =	vst v2  }
0x1a7: {  	v0 =	vld.idx.msk [tilespmem:v0+s11+$0x0], $0xffff;
	v2 =	vadd.s32 $0xFFFFFFFF, v1  }
0x1a8: {  	vm0 =	vlt.u32 v2, $0x186A0;
	v2 =	vld [tilespmem:s18+$0x50]  }
0x1a9: {  	v1 =	vnsel vm0, $0x0, v1;
	_ =	sdelay $0x3  }
0x1aa: {  	[tilespmem:s18+$0x1C730] =	vst v0;
	v0 =	vadd.s32 $0xFFFFFFFF, v2  }
0x1ab: {  	v1 =	vld.idx.msk [tilespmem:v1+s11+$0x0], $0xffff;
	vm0 =	vlt.u32 v0, $0x186A0  }
0x1ac: {  	v0 =	vnsel vm0, $0x0, v2;
	v2 =	vld [tilespmem:s18+$0x60];
	_ =	sdelay $0x3  }
0x1ad: {  	[tilespmem:s18+$0x1C740] =	vst v1  }
0x1ae: {  	v0 =	vld.idx.msk [tilespmem:v0+s11+$0x0], $0xffff;
	v1 =	vadd.s32 $0xFFFFFFFF, v2  }
0x1af: {  	vm0 =	vlt.u32 v1, $0x186A0;
	v1 =	vld [tilespmem:s18+$0x70]  }
0x1b0: {  	v2 =	vnsel vm0, $0x0, v2;
	_ =	sdelay $0x3  }
0x1b1: {  	[tilespmem:s18+$0x1C750] =	vst v0;
	v0 =	vadd.s32 $0xFFFFFFFF, v1  }
0x1b2: {  	v2 =	vld.idx.msk [tilespmem:v2+s11+$0x0], $0xffff;
	vm0 =	vlt.u32 v0, $0x186A0  }
0x1b3: {  	v0 =	vnsel vm0, $0x0, v1;
	v1 =	vld [tilespmem:s18+$0x80];
	_ =	sdelay $0x3  }
0x1b4: {  	[tilespmem:s18+$0x1C760] =	vst v2  }
0x1b5: {  	v0 =	vld.idx.msk [tilespmem:v0+s11+$0x0], $0xffff;
	v2 =	vadd.s32 $0xFFFFFFFF, v1  }
0x1b6: {  	vm0 =	vlt.u32 v2, $0x186A0;
	v2 =	vld [tilespmem:s18+$0x90]  }
0x1b7: {  	v1 =	vnsel vm0, $0x0, v1;
	_ =	sdelay $0x3  }
0x1b8: {  	[tilespmem:s18+$0x1C770] =	vst v0;
	v0 =	vadd.s32 $0xFFFFFFFF, v2  }
0x1b9: {  	v1 =	vld.idx.msk [tilespmem:v1+s11+$0x0], $0xffff;
	vm0 =	vlt.u32 v0, $0x186A0  }
0x1ba: {  	v0 =	vnsel vm0, $0x0, v2;
	v2 =	vld [tilespmem:s18+$0xA0];
	_ =	sdelay $0x3  }
0x1bb: {  	[tilespmem:s18+$0x1C780] =	vst v1  }
0x1bc: {  	v0 =	vld.idx.msk [tilespmem:v0+s11+$0x0], $0xffff;
	v1 =	vadd.s32 $0xFFFFFFFF, v2  }
0x1bd: {  	vm0 =	vlt.u32 v1, $0x186A0;
	v1 =	vld [tilespmem:s18+$0xB0]  }
0x1be: {  	v2 =	vnsel vm0, $0x0, v2;
	_ =	sdelay $0x3  }
0x1bf: {  	[tilespmem:s18+$0x1C790] =	vst v0;
	v0 =	vadd.s32 $0xFFFFFFFF, v1  }
0x1c0: {  	v2 =	vld.idx.msk [tilespmem:v2+s11+$0x0], $0xffff;
	vm0 =	vlt.u32 v0, $0x186A0  }
0x1c1: {  	v0 =	vnsel vm0, $0x0, v1;
	v1 =	vld [tilespmem:s18+$0xC0];
	_ =	sdelay $0x3  }
0x1c2: {  	[tilespmem:s18+$0x1C7A0] =	vst v2  }
0x1c3: {  	v0 =	vld.idx.msk [tilespmem:v0+s11+$0x0], $0xffff;
	v2 =	vadd.s32 $0xFFFFFFFF, v1  }
0x1c4: {  	vm0 =	vlt.u32 v2, $0x186A0;
	v2 =	vld [tilespmem:s18+$0xD0]  }
0x1c5: {  	v1 =	vnsel vm0, $0x0, v1;
	_ =	sdelay $0x3  }
0x1c6: {  	[tilespmem:s18+$0x1C7B0] =	vst v0;
	v0 =	vadd.s32 $0xFFFFFFFF, v2  }
0x1c7: {  	v1 =	vld.idx.msk [tilespmem:v1+s11+$0x0], $0xffff;
	vm0 =	vlt.u32 v0, $0x186A0  }
0x1c8: {  	v0 =	vnsel vm0, $0x0, v2;
	v2 =	vld [tilespmem:s18+$0xE0];
	_ =	sdelay $0x3  }
0x1c9: {  	[tilespmem:s18+$0x1C7C0] =	vst v1  }
0x1ca: {  	v1 =	vld.idx.msk [tilespmem:v0+s11+$0x0], $0xffff;
	v0 =	vadd.s32 $0xFFFFFFFF, v2  }
0x1cb: {  	vm0 =	vlt.u32 v0, $0x186A0;
	v0 =	vld [tilespmem:s18+$0xF0]  }
0x1cc: {  	v2 =	vnsel vm0, $0x0, v2;
	_ =	sdelay $0x3  }
0x1cd: {  	[tilespmem:s18+$0x1C7D0] =	vst v1;
	v3 =	vadd.s32 $0xFFFFFFFF, v0  }
0x1ce: {  	s19 =	simm.s32 $0x800;
	s20 =	simm.s32 $0x100;
	v1 =	vld.idx.msk [tilespmem:v2+s11+$0x0], $0xffff;
	vm0 =	vlt.u32 v3, $0x186A0  }
.LBB2_6:
0x1cf: {  	p1 =	sne.s32 s19, $0x7C00;
	v2 =	vld [tilespmem:s20+$0x0];
	v0 =	vnsel vm0, $0x0, v0;
	_ =	sdelay $0x3  }
0x1d0: {  	[tilespmem:s18+$0x1C7E0] =	vst v1  }
0x1d1: {  	v1 =	vadd.s32 $0xFFFFFFFF, v2;
	v0 =	vld.idx.msk [tilespmem:v0+s11+$0x0], $0xffff  }
0x1d2: {  	vm0 =	vlt.u32 v1, $0x186A0  }
0x1d3: {  	v1 =	vnsel vm0, $0x0, v2;
	v2 =	vld [tilespmem:s20+$0x10];
	_ =	sdelay $0x3  }
0x1d4: {  	[tilespmem:s18+$0x1C7F0] =	vst v0;
	s18 =	smov.u32 s20  }
0x1d5: {  	v0 =	vld.idx.msk [tilespmem:v1+s11+$0x0], $0xffff;
	v1 =	vadd.s32 $0xFFFFFFFF, v2  }
0x1d6: {  	vm0 =	vlt.u32 v1, $0x186A0  }
0x1d7: {  	v1 =	vnsel vm0, $0x0, v2;
	v2 =	vld [tilespmem:s18+$0x20];
	_ =	sdelay $0x3  }
0x1d8: {  	[tilespmem:s18+$0x1C700] =	vst v0  }
0x1d9: {  	v0 =	vld.idx.msk [tilespmem:v1+s11+$0x0], $0xffff;
	v1 =	vadd.s32 $0xFFFFFFFF, v2  }
0x1da: {  	vm0 =	vlt.u32 v1, $0x186A0  }
0x1db: {  	v1 =	vnsel vm0, $0x0, v2;
	v2 =	vld [tilespmem:s18+$0x30];
	_ =	sdelay $0x3  }
0x1dc: {  	[tilespmem:s18+$0x1C710] =	vst v0  }
0x1dd: {  	v0 =	vld.idx.msk [tilespmem:v1+s11+$0x0], $0xffff;
	v1 =	vadd.s32 $0xFFFFFFFF, v2  }
0x1de: {  	vm0 =	vlt.u32 v1, $0x186A0  }
0x1df: {  	v1 =	vnsel vm0, $0x0, v2;
	v2 =	vld [tilespmem:s18+$0x40];
	_ =	sdelay $0x3  }
0x1e0: {  	[tilespmem:s18+$0x1C720] =	vst v0  }
0x1e1: {  	v0 =	vld.idx.msk [tilespmem:v1+s11+$0x0], $0xffff;
	v1 =	vadd.s32 $0xFFFFFFFF, v2  }
0x1e2: {  	vm0 =	vlt.u32 v1, $0x186A0  }
0x1e3: {  	v1 =	vnsel vm0, $0x0, v2;
	v2 =	vld [tilespmem:s18+$0x50];
	_ =	sdelay $0x3  }
0x1e4: {  	[tilespmem:s18+$0x1C730] =	vst v0  }
0x1e5: {  	v0 =	vld.idx.msk [tilespmem:v1+s11+$0x0], $0xffff;
	v1 =	vadd.s32 $0xFFFFFFFF, v2  }
0x1e6: {  	vm0 =	vlt.u32 v1, $0x186A0  }
0x1e7: {  	v1 =	vnsel vm0, $0x0, v2;
	v2 =	vld [tilespmem:s18+$0x60];
	_ =	sdelay $0x3  }
0x1e8: {  	[tilespmem:s18+$0x1C740] =	vst v0  }
0x1e9: {  	v0 =	vld.idx.msk [tilespmem:v1+s11+$0x0], $0xffff;
	v1 =	vadd.s32 $0xFFFFFFFF, v2  }
0x1ea: {  	vm0 =	vlt.u32 v1, $0x186A0  }
0x1eb: {  	v1 =	vnsel vm0, $0x0, v2;
	v2 =	vld [tilespmem:s18+$0x70];
	_ =	sdelay $0x3  }
0x1ec: {  	[tilespmem:s18+$0x1C750] =	vst v0  }
0x1ed: {  	v0 =	vld.idx.msk [tilespmem:v1+s11+$0x0], $0xffff;
	v1 =	vadd.s32 $0xFFFFFFFF, v2  }
0x1ee: {  	vm0 =	vlt.u32 v1, $0x186A0  }
0x1ef: {  	v1 =	vnsel vm0, $0x0, v2;
	v2 =	vld [tilespmem:s18+$0x80];
	_ =	sdelay $0x3  }
0x1f0: {  	[tilespmem:s18+$0x1C760] =	vst v0  }
0x1f1: {  	v0 =	vld.idx.msk [tilespmem:v1+s11+$0x0], $0xffff;
	v1 =	vadd.s32 $0xFFFFFFFF, v2  }
0x1f2: {  	vm0 =	vlt.u32 v1, $0x186A0  }
0x1f3: {  	v1 =	vnsel vm0, $0x0, v2;
	v2 =	vld [tilespmem:s18+$0x90];
	_ =	sdelay $0x3  }
0x1f4: {  	[tilespmem:s18+$0x1C770] =	vst v0  }
0x1f5: {  	v0 =	vld.idx.msk [tilespmem:v1+s11+$0x0], $0xffff;
	v1 =	vadd.s32 $0xFFFFFFFF, v2  }
0x1f6: {  	vm0 =	vlt.u32 v1, $0x186A0  }
0x1f7: {  	v1 =	vnsel vm0, $0x0, v2;
	v2 =	vld [tilespmem:s18+$0xA0];
	_ =	sdelay $0x3  }
0x1f8: {  	[tilespmem:s18+$0x1C780] =	vst v0  }
0x1f9: {  	v0 =	vld.idx.msk [tilespmem:v1+s11+$0x0], $0xffff;
	v1 =	vadd.s32 $0xFFFFFFFF, v2  }
0x1fa: {  	vm0 =	vlt.u32 v1, $0x186A0  }
0x1fb: {  	v1 =	vnsel vm0, $0x0, v2;
	v2 =	vld [tilespmem:s18+$0xB0];
	_ =	sdelay $0x3  }
0x1fc: {  	[tilespmem:s18+$0x1C790] =	vst v0  }
0x1fd: {  	v0 =	vld.idx.msk [tilespmem:v1+s11+$0x0], $0xffff;
	v1 =	vadd.s32 $0xFFFFFFFF, v2  }
0x1fe: {  	vm0 =	vlt.u32 v1, $0x186A0  }
0x1ff: {  	v1 =	vnsel vm0, $0x0, v2;
	v2 =	vld [tilespmem:s18+$0xC0];
	_ =	sdelay $0x3  }
0x200: {  	[tilespmem:s18+$0x1C7A0] =	vst v0  }
0x201: {  	v0 =	vld.idx.msk [tilespmem:v1+s11+$0x0], $0xffff;
	v1 =	vadd.s32 $0xFFFFFFFF, v2  }
0x202: {  	vm0 =	vlt.u32 v1, $0x186A0  }
0x203: {  	v1 =	vnsel vm0, $0x0, v2;
	v2 =	vld [tilespmem:s18+$0xD0];
	_ =	sdelay $0x3  }
0x204: {  	[tilespmem:s18+$0x1C7B0] =	vst v0  }
0x205: {  	v0 =	vld.idx.msk [tilespmem:v1+s11+$0x0], $0xffff;
	v1 =	vadd.s32 $0xFFFFFFFF, v2  }
0x206: {  	vm0 =	vlt.u32 v1, $0x186A0  }
0x207: {  	v1 =	vnsel vm0, $0x0, v2;
	v2 =	vld [tilespmem:s18+$0xE0];
	_ =	sdelay $0x3  }
0x208: {  	[tilespmem:s18+$0x1C7C0] =	vst v0  }
0x209: {  	v1 =	vld.idx.msk [tilespmem:v1+s11+$0x0], $0xffff;
	v0 =	vadd.s32 $0xFFFFFFFF, v2  }
0x20a: {  	vm0 =	vlt.u32 v0, $0x186A0  }
0x20b: {  	v2 =	vnsel vm0, $0x0, v2;
	v0 =	vld [tilespmem:s18+$0xF0];
	_ =	sdelay $0x1  }
.Ltmp2:
0x20c: {  	(pc) =	sbr.rel @p1 .LBB2_6-.Ltmp2, $4  }
0x20d: {  	_ = 	snop  }
0x20e: {  	[tilespmem:s18+$0x1C7D0] =	vst v1  }
0x20f: {  	v1 =	vld.idx.msk [tilespmem:v2+s11+$0x0], $0xffff;
	v2 =	vadd.s32 $0xFFFFFFFF, v0  }
0x210: {  	s20 =	sshra.s32 s19, $0x2;
	s19 =	sadd.s32 $0x400, s19;
	vm0 =	vlt.u32 v2, $0x186A0  }
0x211: {  	v2 =	vld [tilespmem:s20+$0x0];
	v0 =	vnsel vm0, $0x0, v0;
	_ =	sdelay $0x3  }
0x212: {  	[tilespmem:s18+$0x1C7E0] =	vst v1  }
0x213: {  	v1 =	vadd.s32 $0xFFFFFFFF, v2;
	v0 =	vld.idx.msk [tilespmem:v0+s11+$0x0], $0xffff  }
0x214: {  	vm0 =	vlt.u32 v1, $0x186A0;
	v1 =	vld [tilespmem:s20+$0x10]  }
0x215: {  	v2 =	vnsel vm0, $0x0, v2;
	_ =	sdelay $0x3  }
0x216: {  	[tilespmem:s18+$0x1C7F0] =	vst v0;
	v0 =	vadd.s32 $0xFFFFFFFF, v1  }
0x217: {  	v2 =	vld.idx.msk [tilespmem:v2+s11+$0x0], $0xffff;
	vm0 =	vlt.u32 v0, $0x186A0  }
0x218: {  	v0 =	vnsel vm0, $0x0, v1;
	v1 =	vld [tilespmem:s20+$0x20];
	_ =	sdelay $0x3  }
0x219: {  	[tilespmem:s20+$0x1C700] =	vst v2  }
0x21a: {  	v0 =	vld.idx.msk [tilespmem:v0+s11+$0x0], $0xffff;
	v2 =	vadd.s32 $0xFFFFFFFF, v1  }
0x21b: {  	vm0 =	vlt.u32 v2, $0x186A0;
	v2 =	vld [tilespmem:s20+$0x30]  }
0x21c: {  	v1 =	vnsel vm0, $0x0, v1;
	_ =	sdelay $0x3  }
0x21d: {  	[tilespmem:s20+$0x1C710] =	vst v0;
	v0 =	vadd.s32 $0xFFFFFFFF, v2  }
0x21e: {  	v1 =	vld.idx.msk [tilespmem:v1+s11+$0x0], $0xffff;
	vm0 =	vlt.u32 v0, $0x186A0  }
0x21f: {  	v0 =	vnsel vm0, $0x0, v2;
	v2 =	vld [tilespmem:s20+$0x40];
	_ =	sdelay $0x3  }
0x220: {  	[tilespmem:s20+$0x1C720] =	vst v1  }
0x221: {  	v0 =	vld.idx.msk [tilespmem:v0+s11+$0x0], $0xffff;
	v1 =	vadd.s32 $0xFFFFFFFF, v2  }
0x222: {  	vm0 =	vlt.u32 v1, $0x186A0;
	v1 =	vld [tilespmem:s20+$0x50]  }
0x223: {  	v2 =	vnsel vm0, $0x0, v2;
	_ =	sdelay $0x3  }
0x224: {  	[tilespmem:s20+$0x1C730] =	vst v0;
	v0 =	vadd.s32 $0xFFFFFFFF, v1  }
0x225: {  	v2 =	vld.idx.msk [tilespmem:v2+s11+$0x0], $0xffff;
	vm0 =	vlt.u32 v0, $0x186A0  }
0x226: {  	v0 =	vnsel vm0, $0x0, v1;
	v1 =	vld [tilespmem:s20+$0x60];
	_ =	sdelay $0x3  }
0x227: {  	[tilespmem:s20+$0x1C740] =	vst v2  }
0x228: {  	v0 =	vld.idx.msk [tilespmem:v0+s11+$0x0], $0xffff;
	v2 =	vadd.s32 $0xFFFFFFFF, v1  }
0x229: {  	vm0 =	vlt.u32 v2, $0x186A0;
	v2 =	vld [tilespmem:s20+$0x70]  }
0x22a: {  	v1 =	vnsel vm0, $0x0, v1;
	_ =	sdelay $0x3  }
0x22b: {  	[tilespmem:s20+$0x1C750] =	vst v0;
	v0 =	vadd.s32 $0xFFFFFFFF, v2  }
0x22c: {  	v1 =	vld.idx.msk [tilespmem:v1+s11+$0x0], $0xffff;
	vm0 =	vlt.u32 v0, $0x186A0  }
0x22d: {  	v0 =	vnsel vm0, $0x0, v2;
	v2 =	vld [tilespmem:s20+$0x80];
	_ =	sdelay $0x3  }
0x22e: {  	[tilespmem:s20+$0x1C760] =	vst v1  }
0x22f: {  	v0 =	vld.idx.msk [tilespmem:v0+s11+$0x0], $0xffff;
	v1 =	vadd.s32 $0xFFFFFFFF, v2  }
0x230: {  	vm0 =	vlt.u32 v1, $0x186A0;
	v1 =	vld [tilespmem:s20+$0x90]  }
0x231: {  	v2 =	vnsel vm0, $0x0, v2;
	_ =	sdelay $0x3  }
0x232: {  	[tilespmem:s20+$0x1C770] =	vst v0;
	v0 =	vadd.s32 $0xFFFFFFFF, v1  }
0x233: {  	v2 =	vld.idx.msk [tilespmem:v2+s11+$0x0], $0xffff;
	vm0 =	vlt.u32 v0, $0x186A0  }
0x234: {  	v0 =	vnsel vm0, $0x0, v1;
	v1 =	vld [tilespmem:s20+$0xA0];
	_ =	sdelay $0x3  }
0x235: {  	[tilespmem:s20+$0x1C780] =	vst v2  }
0x236: {  	v0 =	vld.idx.msk [tilespmem:v0+s11+$0x0], $0xffff;
	v2 =	vadd.s32 $0xFFFFFFFF, v1  }
0x237: {  	vm0 =	vlt.u32 v2, $0x186A0;
	v2 =	vld [tilespmem:s20+$0xB0]  }
0x238: {  	v1 =	vnsel vm0, $0x0, v1;
	_ =	sdelay $0x3  }
0x239: {  	[tilespmem:s20+$0x1C790] =	vst v0;
	v0 =	vadd.s32 $0xFFFFFFFF, v2  }
0x23a: {  	v1 =	vld.idx.msk [tilespmem:v1+s11+$0x0], $0xffff;
	vm0 =	vlt.u32 v0, $0x186A0  }
0x23b: {  	v0 =	vnsel vm0, $0x0, v2;
	v2 =	vld [tilespmem:s20+$0xC0];
	_ =	sdelay $0x3  }
0x23c: {  	[tilespmem:s20+$0x1C7A0] =	vst v1  }
0x23d: {  	v0 =	vld.idx.msk [tilespmem:v0+s11+$0x0], $0xffff;
	v1 =	vadd.s32 $0xFFFFFFFF, v2  }
0x23e: {  	vm0 =	vlt.u32 v1, $0x186A0;
	v1 =	vld [tilespmem:s20+$0xD0]  }
0x23f: {  	v2 =	vnsel vm0, $0x0, v2;
	_ =	sdelay $0x3  }
0x240: {  	[tilespmem:s20+$0x1C7B0] =	vst v0;
	v0 =	vadd.s32 $0xFFFFFFFF, v1  }
0x241: {  	v2 =	vld.idx.msk [tilespmem:v2+s11+$0x0], $0xffff;
	vm0 =	vlt.u32 v0, $0x186A0  }
0x242: {  	v0 =	vnsel vm0, $0x0, v1;
	v1 =	vld [tilespmem:s20+$0xE0];
	_ =	sdelay $0x3  }
0x243: {  	[tilespmem:s20+$0x1C7C0] =	vst v2  }
0x244: {  	v0 =	vld.idx.msk [tilespmem:v0+s11+$0x0], $0xffff;
	v2 =	vadd.s32 $0xFFFFFFFF, v1  }
0x245: {  	vm0 =	vlt.u32 v2, $0x186A0;
	v2 =	vld [tilespmem:s20+$0xF0]  }
0x246: {  	v1 =	vnsel vm0, $0x0, v1;
	_ =	sdelay $0x3  }
0x247: {  	[tilespmem:s20+$0x1C7D0] =	vst v0;
	v0 =	vadd.s32 $0xFFFFFFFF, v2  }
0x248: {  	v1 =	vld.idx.msk [tilespmem:v1+s11+$0x0], $0xffff;
	vm0 =	vlt.u32 v0, $0x186A0  }
0x249: {  	v0 =	vnsel vm0, $0x0, v2;
	_ =	sdelay $0x3  }
0x24a: {  	[tilespmem:s20+$0x1C7E0] =	vst v1  }
0x24b: {  	v0 =	vld.idx.msk [tilespmem:v0+s11+$0x0], $0xffff;
	_ =	sdelay $0x4  }
0x24c: {  	[tilespmem:s20+$0x1C7F0] =	vst v0  }
0x24d: {  	[hbm4b:s7+s9] =	stream.strided.scatter [tilespmem:s15], [sflag:$0x2], $0x2000, s10, s9, $0x38;
	[tilespmem:$0x1EB00] =	vst v63  }
0x24e: {  	_ =	swait.ge [sflag:s13], $0x2000  }
0x24f: {  	[sflag:s13] =	ssyncset.done $0x0  }
0x250: {  	s18 =	simm.s32 $0x0;
	[sflag:s13] =	ssyncadd.s32 $0xFFFFE000  }
0x251: {  	v0 =	vld [tilespmem:s18+$0x2000];
	_ =	sdelay $0x4  }
0x252: {  	v1 =	vadd.s32 $0xFFFFFFFF, v0  }
0x253: {  	vm0 =	vlt.u32 v1, $0x186A0;
	v1 =	vld [tilespmem:s18+$0x2010]  }
0x254: {  	v0 =	vnsel vm0, $0x0, v0;
	_ =	sdelay $0x3  }
0x255: {  	v2 =	vadd.s32 $0xFFFFFFFF, v1  }
0x256: {  	v0 =	vld.idx.msk [tilespmem:v0+s11+$0x0], $0xffff;
	vm0 =	vlt.u32 v2, $0x186A0  }
0x257: {  	v2 =	vld [tilespmem:s18+$0x2020];
	v1 =	vnsel vm0, $0x0, v1;
	_ =	sdelay $0x3  }
0x258: {  	[tilespmem:s18+$0x1C700] =	vst v0  }
0x259: {  	v0 =	vld.idx.msk [tilespmem:v1+s11+$0x0], $0xffff;
	v1 =	vadd.s32 $0xFFFFFFFF, v2  }
0x25a: {  	vm0 =	vlt.u32 v1, $0x186A0;
	v1 =	vld [tilespmem:s18+$0x2030]  }
0x25b: {  	v2 =	vnsel vm0, $0x0, v2;
	_ =	sdelay $0x3  }
0x25c: {  	[tilespmem:s18+$0x1C710] =	vst v0;
	v0 =	vadd.s32 $0xFFFFFFFF, v1  }
0x25d: {  	v2 =	vld.idx.msk [tilespmem:v2+s11+$0x0], $0xffff;
	vm0 =	vlt.u32 v0, $0x186A0  }
0x25e: {  	v0 =	vnsel vm0, $0x0, v1;
	v1 =	vld [tilespmem:s18+$0x2040];
	_ =	sdelay $0x3  }
0x25f: {  	[tilespmem:s18+$0x1C720] =	vst v2  }
0x260: {  	v0 =	vld.idx.msk [tilespmem:v0+s11+$0x0], $0xffff;
	v2 =	vadd.s32 $0xFFFFFFFF, v1  }
0x261: {  	vm0 =	vlt.u32 v2, $0x186A0;
	v2 =	vld [tilespmem:s18+$0x2050]  }
0x262: {  	v1 =	vnsel vm0, $0x0, v1;
	_ =	sdelay $0x3  }
0x263: {  	[tilespmem:s18+$0x1C730] =	vst v0;
	v0 =	vadd.s32 $0xFFFFFFFF, v2  }
0x264: {  	v1 =	vld.idx.msk [tilespmem:v1+s11+$0x0], $0xffff;
	vm0 =	vlt.u32 v0, $0x186A0  }
0x265: {  	v0 =	vnsel vm0, $0x0, v2;
	v2 =	vld [tilespmem:s18+$0x2060];
	_ =	sdelay $0x3  }
0x266: {  	[tilespmem:s18+$0x1C740] =	vst v1  }
0x267: {  	v0 =	vld.idx.msk [tilespmem:v0+s11+$0x0], $0xffff;
	v1 =	vadd.s32 $0xFFFFFFFF, v2  }
0x268: {  	vm0 =	vlt.u32 v1, $0x186A0;
	v1 =	vld [tilespmem:s18+$0x2070]  }
0x269: {  	v2 =	vnsel vm0, $0x0, v2;
	_ =	sdelay $0x3  }
0x26a: {  	[tilespmem:s18+$0x1C750] =	vst v0;
	v0 =	vadd.s32 $0xFFFFFFFF, v1  }
0x26b: {  	v2 =	vld.idx.msk [tilespmem:v2+s11+$0x0], $0xffff;
	vm0 =	vlt.u32 v0, $0x186A0  }
0x26c: {  	v0 =	vnsel vm0, $0x0, v1;
	v1 =	vld [tilespmem:s18+$0x2080];
	_ =	sdelay $0x3  }
0x26d: {  	[tilespmem:s18+$0x1C760] =	vst v2  }
0x26e: {  	v0 =	vld.idx.msk [tilespmem:v0+s11+$0x0], $0xffff;
	v2 =	vadd.s32 $0xFFFFFFFF, v1  }
0x26f: {  	vm0 =	vlt.u32 v2, $0x186A0;
	v2 =	vld [tilespmem:s18+$0x2090]  }
0x270: {  	v1 =	vnsel vm0, $0x0, v1;
	_ =	sdelay $0x3  }
0x271: {  	[tilespmem:s18+$0x1C770] =	vst v0;
	v0 =	vadd.s32 $0xFFFFFFFF, v2  }
0x272: {  	v1 =	vld.idx.msk [tilespmem:v1+s11+$0x0], $0xffff;
	vm0 =	vlt.u32 v0, $0x186A0  }
0x273: {  	v0 =	vnsel vm0, $0x0, v2;
	v2 =	vld [tilespmem:s18+$0x20A0];
	_ =	sdelay $0x3  }
0x274: {  	[tilespmem:s18+$0x1C780] =	vst v1  }
0x275: {  	v0 =	vld.idx.msk [tilespmem:v0+s11+$0x0], $0xffff;
	v1 =	vadd.s32 $0xFFFFFFFF, v2  }
0x276: {  	vm0 =	vlt.u32 v1, $0x186A0;
	v1 =	vld [tilespmem:s18+$0x20B0]  }
0x277: {  	v2 =	vnsel vm0, $0x0, v2;
	_ =	sdelay $0x3  }
0x278: {  	[tilespmem:s18+$0x1C790] =	vst v0;
	v0 =	vadd.s32 $0xFFFFFFFF, v1  }
0x279: {  	v2 =	vld.idx.msk [tilespmem:v2+s11+$0x0], $0xffff;
	vm0 =	vlt.u32 v0, $0x186A0  }
0x27a: {  	v0 =	vnsel vm0, $0x0, v1;
	v1 =	vld [tilespmem:s18+$0x20C0];
	_ =	sdelay $0x3  }
0x27b: {  	[tilespmem:s18+$0x1C7A0] =	vst v2  }
0x27c: {  	v0 =	vld.idx.msk [tilespmem:v0+s11+$0x0], $0xffff;
	v2 =	vadd.s32 $0xFFFFFFFF, v1  }
0x27d: {  	vm0 =	vlt.u32 v2, $0x186A0;
	v2 =	vld [tilespmem:s18+$0x20D0]  }
0x27e: {  	v1 =	vnsel vm0, $0x0, v1;
	_ =	sdelay $0x3  }
0x27f: {  	[tilespmem:s18+$0x1C7B0] =	vst v0;
	v0 =	vadd.s32 $0xFFFFFFFF, v2  }
0x280: {  	v1 =	vld.idx.msk [tilespmem:v1+s11+$0x0], $0xffff;
	vm0 =	vlt.u32 v0, $0x186A0  }
0x281: {  	v0 =	vnsel vm0, $0x0, v2;
	v2 =	vld [tilespmem:s18+$0x20E0];
	_ =	sdelay $0x3  }
0x282: {  	[tilespmem:s18+$0x1C7C0] =	vst v1  }
0x283: {  	v1 =	vld.idx.msk [tilespmem:v0+s11+$0x0], $0xffff;
	v0 =	vadd.s32 $0xFFFFFFFF, v2  }
0x284: {  	vm0 =	vlt.u32 v0, $0x186A0;
	v0 =	vld [tilespmem:s18+$0x20F0]  }
0x285: {  	v2 =	vnsel vm0, $0x0, v2;
	_ =	sdelay $0x3  }
0x286: {  	[tilespmem:s18+$0x1C7D0] =	vst v1;
	v3 =	vadd.s32 $0xFFFFFFFF, v0  }
0x287: {  	s19 =	simm.s32 $0x800;
	s20 =	simm.s32 $0x100;
	v1 =	vld.idx.msk [tilespmem:v2+s11+$0x0], $0xffff;
	vm0 =	vlt.u32 v3, $0x186A0  }
.LBB2_8:
0x288: {  	p1 =	sne.s32 s19, $0x7C00;
	v2 =	vld [tilespmem:s20+$0x2000];
	v0 =	vnsel vm0, $0x0, v0;
	_ =	sdelay $0x3  }
0x289: {  	[tilespmem:s18+$0x1C7E0] =	vst v1  }
0x28a: {  	v1 =	vadd.s32 $0xFFFFFFFF, v2;
	v0 =	vld.idx.msk [tilespmem:v0+s11+$0x0], $0xffff  }
0x28b: {  	vm0 =	vlt.u32 v1, $0x186A0  }
0x28c: {  	v1 =	vnsel vm0, $0x0, v2;
	v2 =	vld [tilespmem:s20+$0x2010];
	_ =	sdelay $0x3  }
0x28d: {  	[tilespmem:s18+$0x1C7F0] =	vst v0;
	s18 =	smov.u32 s20  }
0x28e: {  	v0 =	vld.idx.msk [tilespmem:v1+s11+$0x0], $0xffff;
	v1 =	vadd.s32 $0xFFFFFFFF, v2  }
0x28f: {  	vm0 =	vlt.u32 v1, $0x186A0  }
0x290: {  	v1 =	vnsel vm0, $0x0, v2;
	v2 =	vld [tilespmem:s18+$0x2020];
	_ =	sdelay $0x3  }
0x291: {  	[tilespmem:s18+$0x1C700] =	vst v0  }
0x292: {  	v0 =	vld.idx.msk [tilespmem:v1+s11+$0x0], $0xffff;
	v1 =	vadd.s32 $0xFFFFFFFF, v2  }
0x293: {  	vm0 =	vlt.u32 v1, $0x186A0  }
0x294: {  	v1 =	vnsel vm0, $0x0, v2;
	v2 =	vld [tilespmem:s18+$0x2030];
	_ =	sdelay $0x3  }
0x295: {  	[tilespmem:s18+$0x1C710] =	vst v0  }
0x296: {  	v0 =	vld.idx.msk [tilespmem:v1+s11+$0x0], $0xffff;
	v1 =	vadd.s32 $0xFFFFFFFF, v2  }
0x297: {  	vm0 =	vlt.u32 v1, $0x186A0  }
0x298: {  	v1 =	vnsel vm0, $0x0, v2;
	v2 =	vld [tilespmem:s18+$0x2040];
	_ =	sdelay $0x3  }
0x299: {  	[tilespmem:s18+$0x1C720] =	vst v0  }
0x29a: {  	v0 =	vld.idx.msk [tilespmem:v1+s11+$0x0], $0xffff;
	v1 =	vadd.s32 $0xFFFFFFFF, v2  }
0x29b: {  	vm0 =	vlt.u32 v1, $0x186A0  }
0x29c: {  	v1 =	vnsel vm0, $0x0, v2;
	v2 =	vld [tilespmem:s18+$0x2050];
	_ =	sdelay $0x3  }
0x29d: {  	[tilespmem:s18+$0x1C730] =	vst v0  }
0x29e: {  	v0 =	vld.idx.msk [tilespmem:v1+s11+$0x0], $0xffff;
	v1 =	vadd.s32 $0xFFFFFFFF, v2  }
0x29f: {  	vm0 =	vlt.u32 v1, $0x186A0  }
0x2a0: {  	v1 =	vnsel vm0, $0x0, v2;
	v2 =	vld [tilespmem:s18+$0x2060];
	_ =	sdelay $0x3  }
0x2a1: {  	[tilespmem:s18+$0x1C740] =	vst v0  }
0x2a2: {  	v0 =	vld.idx.msk [tilespmem:v1+s11+$0x0], $0xffff;
	v1 =	vadd.s32 $0xFFFFFFFF, v2  }
0x2a3: {  	vm0 =	vlt.u32 v1, $0x186A0  }
0x2a4: {  	v1 =	vnsel vm0, $0x0, v2;
	v2 =	vld [tilespmem:s18+$0x2070];
	_ =	sdelay $0x3  }
0x2a5: {  	[tilespmem:s18+$0x1C750] =	vst v0  }
0x2a6: {  	v0 =	vld.idx.msk [tilespmem:v1+s11+$0x0], $0xffff;
	v1 =	vadd.s32 $0xFFFFFFFF, v2  }
0x2a7: {  	vm0 =	vlt.u32 v1, $0x186A0  }
0x2a8: {  	v1 =	vnsel vm0, $0x0, v2;
	v2 =	vld [tilespmem:s18+$0x2080];
	_ =	sdelay $0x3  }
0x2a9: {  	[tilespmem:s18+$0x1C760] =	vst v0  }
0x2aa: {  	v0 =	vld.idx.msk [tilespmem:v1+s11+$0x0], $0xffff;
	v1 =	vadd.s32 $0xFFFFFFFF, v2  }
0x2ab: {  	vm0 =	vlt.u32 v1, $0x186A0  }
0x2ac: {  	v1 =	vnsel vm0, $0x0, v2;
	v2 =	vld [tilespmem:s18+$0x2090];
	_ =	sdelay $0x3  }
0x2ad: {  	[tilespmem:s18+$0x1C770] =	vst v0  }
0x2ae: {  	v0 =	vld.idx.msk [tilespmem:v1+s11+$0x0], $0xffff;
	v1 =	vadd.s32 $0xFFFFFFFF, v2  }
0x2af: {  	vm0 =	vlt.u32 v1, $0x186A0  }
0x2b0: {  	v1 =	vnsel vm0, $0x0, v2;
	v2 =	vld [tilespmem:s18+$0x20A0];
	_ =	sdelay $0x3  }
0x2b1: {  	[tilespmem:s18+$0x1C780] =	vst v0  }
0x2b2: {  	v0 =	vld.idx.msk [tilespmem:v1+s11+$0x0], $0xffff;
	v1 =	vadd.s32 $0xFFFFFFFF, v2  }
0x2b3: {  	vm0 =	vlt.u32 v1, $0x186A0  }
0x2b4: {  	v1 =	vnsel vm0, $0x0, v2;
	v2 =	vld [tilespmem:s18+$0x20B0];
	_ =	sdelay $0x3  }
0x2b5: {  	[tilespmem:s18+$0x1C790] =	vst v0  }
0x2b6: {  	v0 =	vld.idx.msk [tilespmem:v1+s11+$0x0], $0xffff;
	v1 =	vadd.s32 $0xFFFFFFFF, v2  }
0x2b7: {  	vm0 =	vlt.u32 v1, $0x186A0  }
0x2b8: {  	v1 =	vnsel vm0, $0x0, v2;
	v2 =	vld [tilespmem:s18+$0x20C0];
	_ =	sdelay $0x3  }
0x2b9: {  	[tilespmem:s18+$0x1C7A0] =	vst v0  }
0x2ba: {  	v0 =	vld.idx.msk [tilespmem:v1+s11+$0x0], $0xffff;
	v1 =	vadd.s32 $0xFFFFFFFF, v2  }
0x2bb: {  	vm0 =	vlt.u32 v1, $0x186A0  }
0x2bc: {  	v1 =	vnsel vm0, $0x0, v2;
	v2 =	vld [tilespmem:s18+$0x20D0];
	_ =	sdelay $0x3  }
0x2bd: {  	[tilespmem:s18+$0x1C7B0] =	vst v0  }
0x2be: {  	v0 =	vld.idx.msk [tilespmem:v1+s11+$0x0], $0xffff;
	v1 =	vadd.s32 $0xFFFFFFFF, v2  }
0x2bf: {  	vm0 =	vlt.u32 v1, $0x186A0  }
0x2c0: {  	v1 =	vnsel vm0, $0x0, v2;
	v2 =	vld [tilespmem:s18+$0x20E0];
	_ =	sdelay $0x3  }
0x2c1: {  	[tilespmem:s18+$0x1C7C0] =	vst v0  }
0x2c2: {  	v1 =	vld.idx.msk [tilespmem:v1+s11+$0x0], $0xffff;
	v0 =	vadd.s32 $0xFFFFFFFF, v2  }
0x2c3: {  	vm0 =	vlt.u32 v0, $0x186A0  }
0x2c4: {  	v2 =	vnsel vm0, $0x0, v2;
	v0 =	vld [tilespmem:s18+$0x20F0];
	_ =	sdelay $0x1  }
.Ltmp3:
0x2c5: {  	(pc) =	sbr.rel @p1 .LBB2_8-.Ltmp3, $4  }
0x2c6: {  	_ = 	snop  }
0x2c7: {  	[tilespmem:s18+$0x1C7D0] =	vst v1  }
0x2c8: {  	v1 =	vld.idx.msk [tilespmem:v2+s11+$0x0], $0xffff;
	v2 =	vadd.s32 $0xFFFFFFFF, v0  }
0x2c9: {  	s20 =	sshra.s32 s19, $0x2;
	s19 =	sadd.s32 $0x400, s19;
	vm0 =	vlt.u32 v2, $0x186A0  }
0x2ca: {  	v2 =	vld [tilespmem:s20+$0x2000];
	v0 =	vnsel vm0, $0x0, v0;
	_ =	sdelay $0x3  }
0x2cb: {  	[tilespmem:s18+$0x1C7E0] =	vst v1  }
0x2cc: {  	v33 =	vadd.s32 $0xFFFFFFFF, v2;
	v0 =	vld.idx.msk [tilespmem:v0+s11+$0x0], $0xffff  }
0x2cd: {  	v34 =	vld [tilespmem:s20+$0x2010];
	vm12 =	vlt.u32 v33, $0x186A0  }
0x2ce: {  	v2 =	vnsel vm12, $0x0, v2;
	_ =	sdelay $0x2  }
0x2cf: {  	[tilespmem:s18+$0x1C7F0] =	vst v0  }
0x2d0: {  	v35 =	vadd.s32 $0xFFFFFFFF, v34;
	v36 =	vld [tilespmem:s20+$0x2020]  }
0x2d1: {  	vm13 =	vlt.u32 v35, $0x186A0;
	v2 =	vld.idx.msk [tilespmem:v2+s11+$0x0], $0xffff  }
0x2d2: {  	v0 =	vnsel vm13, $0x0, v34;
	_ =	sdelay $0x3  }
0x2d3: {  	v38 =	vld [tilespmem:s20+$0x2030];
	v37 =	vadd.s32 $0xFFFFFFFF, v36;
	[tilespmem:s20+$0x1C700] =	vst v2  }
0x2d4: {  	vm14 =	vlt.u32 v37, $0x186A0;
	v0 =	vld.idx.msk [tilespmem:v0+s11+$0x0], $0xffff  }
0x2d5: {  	v1 =	vnsel vm14, $0x0, v36;
	_ =	sdelay $0x3  }
0x2d6: {  	v40 =	vld [tilespmem:s20+$0x2040];
	v39 =	vadd.s32 $0xFFFFFFFF, v38;
	[tilespmem:s20+$0x1C710] =	vst v0  }
0x2d7: {  	vm15 =	vlt.u32 v39, $0x186A0;
	v1 =	vld.idx.msk [tilespmem:v1+s11+$0x0], $0xffff  }
0x2d8: {  	v0 =	vnsel vm15, $0x0, v38;
	_ =	sdelay $0x3  }
0x2d9: {  	v42 =	vld [tilespmem:s20+$0x2050];
	v41 =	vadd.s32 $0xFFFFFFFF, v40;
	[tilespmem:s20+$0x1C720] =	vst v1  }
0x2da: {  	vm4 =	vlt.u32 v41, $0x186A0;
	v0 =	vld.idx.msk [tilespmem:v0+s11+$0x0], $0xffff  }
0x2db: {  	v2 =	vnsel vm4, $0x0, v40;
	_ =	sdelay $0x3  }
0x2dc: {  	v44 =	vld [tilespmem:s20+$0x2060];
	v43 =	vadd.s32 $0xFFFFFFFF, v42;
	[tilespmem:s20+$0x1C730] =	vst v0  }
0x2dd: {  	vm5 =	vlt.u32 v43, $0x186A0;
	v2 =	vld.idx.msk [tilespmem:v2+s11+$0x0], $0xffff  }
0x2de: {  	v0 =	vnsel vm5, $0x0, v42;
	_ =	sdelay $0x3  }
0x2df: {  	v46 =	vld [tilespmem:s20+$0x2070];
	v45 =	vadd.s32 $0xFFFFFFFF, v44;
	[tilespmem:s20+$0x1C740] =	vst v2  }
0x2e0: {  	vm6 =	vlt.u32 v45, $0x186A0;
	v0 =	vld.idx.msk [tilespmem:v0+s11+$0x0], $0xffff  }
0x2e1: {  	v1 =	vnsel vm6, $0x0, v44;
	_ =	sdelay $0x3  }
0x2e2: {  	v48 =	vld [tilespmem:s20+$0x2080];
	v47 =	vadd.s32 $0xFFFFFFFF, v46;
	[tilespmem:s20+$0x1C750] =	vst v0  }
0x2e3: {  	vm7 =	vlt.u32 v47, $0x186A0;
	v1 =	vld.idx.msk [tilespmem:v1+s11+$0x0], $0xffff  }
0x2e4: {  	v0 =	vnsel vm7, $0x0, v46;
	_ =	sdelay $0x3  }
0x2e5: {  	v50 =	vld [tilespmem:s20+$0x2090];
	v49 =	vadd.s32 $0xFFFFFFFF, v48;
	[tilespmem:s20+$0x1C760] =	vst v1  }
0x2e6: {  	vm8 =	vlt.u32 v49, $0x186A0;
	v0 =	vld.idx.msk [tilespmem:v0+s11+$0x0], $0xffff  }
0x2e7: {  	v2 =	vnsel vm8, $0x0, v48;
	_ =	sdelay $0x3  }
0x2e8: {  	v52 =	vld [tilespmem:s20+$0x20A0];
	v51 =	vadd.s32 $0xFFFFFFFF, v50;
	[tilespmem:s20+$0x1C770] =	vst v0  }
0x2e9: {  	vm9 =	vlt.u32 v51, $0x186A0;
	v2 =	vld.idx.msk [tilespmem:v2+s11+$0x0], $0xffff  }
0x2ea: {  	v0 =	vnsel vm9, $0x0, v50;
	_ =	sdelay $0x3  }
0x2eb: {  	v54 =	vld [tilespmem:s20+$0x20B0];
	v53 =	vadd.s32 $0xFFFFFFFF, v52;
	[tilespmem:s20+$0x1C780] =	vst v2  }
0x2ec: {  	vm10 =	vlt.u32 v53, $0x186A0;
	v0 =	vld.idx.msk [tilespmem:v0+s11+$0x0], $0xffff  }
0x2ed: {  	v1 =	vnsel vm10, $0x0, v52;
	_ =	sdelay $0x3  }
0x2ee: {  	v56 =	vld [tilespmem:s20+$0x20C0];
	v55 =	vadd.s32 $0xFFFFFFFF, v54;
	[tilespmem:s20+$0x1C790] =	vst v0  }
0x2ef: {  	vm11 =	vlt.u32 v55, $0x186A0;
	v1 =	vld.idx.msk [tilespmem:v1+s11+$0x0], $0xffff  }
0x2f0: {  	v0 =	vnsel vm11, $0x0, v54;
	_ =	sdelay $0x3  }
0x2f1: {  	v58 =	vld [tilespmem:s20+$0x20D0];
	v57 =	vadd.s32 $0xFFFFFFFF, v56;
	[tilespmem:s20+$0x1C7A0] =	vst v1  }
0x2f2: {  	vm12 =	vlt.u32 v57, $0x186A0;
	v0 =	vld.idx.msk [tilespmem:v0+s11+$0x0], $0xffff  }
0x2f3: {  	v2 =	vnsel vm12, $0x0, v56;
	_ =	sdelay $0x3  }
0x2f4: {  	v60 =	vld [tilespmem:s20+$0x20E0];
	v59 =	vadd.s32 $0xFFFFFFFF, v58;
	[tilespmem:s20+$0x1C7B0] =	vst v0  }
0x2f5: {  	vm13 =	vlt.u32 v59, $0x186A0;
	v2 =	vld.idx.msk [tilespmem:v2+s11+$0x0], $0xffff  }
0x2f6: {  	v0 =	vnsel vm13, $0x0, v58;
	_ =	sdelay $0x3  }
0x2f7: {  	v62 =	vld [tilespmem:s20+$0x20F0];
	v61 =	vadd.s32 $0xFFFFFFFF, v60;
	[tilespmem:s20+$0x1C7C0] =	vst v2  }
0x2f8: {  	vm14 =	vlt.u32 v61, $0x186A0;
	v0 =	vld.idx.msk [tilespmem:v0+s11+$0x0], $0xffff  }
0x2f9: {  	v1 =	vnsel vm14, $0x0, v60;
	_ =	sdelay $0x3  }
0x2fa: {  	v63 =	vadd.s32 $0xFFFFFFFF, v62;
	[tilespmem:s20+$0x1C7D0] =	vst v0  }
0x2fb: {  	vm15 =	vlt.u32 v63, $0x186A0;
	v1 =	vld.idx.msk [tilespmem:v1+s11+$0x0], $0xffff  }
0x2fc: {  	v0 =	vnsel vm15, $0x0, v62;
	_ =	sdelay $0x3  }
0x2fd: {  	[tilespmem:s20+$0x1C7E0] =	vst v1  }
0x2fe: {  	v0 =	vld.idx.msk [tilespmem:v0+s11+$0x0], $0xffff;
	_ =	sdelay $0x2  }
0x2ff: {  	s17 =	sadd.s32 $0x1, s17  }
0x300: {  	p1 =	sne.s32 s17, s8  }
.Ltmp4:
0x301: {  	s31 =	sadd.s32 $0x2000, s7;
	[tilespmem:s20+$0x1C7F0] =	vst v0;
	(pc) =	sbr.rel @p1 .LBB2_1-.Ltmp4, $4  }
0x302: {  	[hbm4b:s31+s9] =	stream.strided.scatter [tilespmem:s15], [sflag:$0x2], $0x2000, s10, s9, $0x38;
	[tilespmem:$0x1EB00] =	vst v63  }
0x303: {  	_ =	swait.ge [sflag:s13], $0x2000  }
0x304: {  	[sflag:s13] =	ssyncset.done $0x0  }
0x305: {  	[sflag:s13] =	ssyncadd.s32 $0xFFFFE000  }
0x306: {  	_ =	sfence.sel $0x180000  }
0x307: {  	[bflag:$0x0] =	sbarrier.arrive $0xFFFF  }
0x308: {  	_ =	strace $0x90000047  }
0x309: {  	s0 =	sadd.s32 @!p0 $0x100000, s0;
	[bflag:$0x2] =	sbarrier.arrive $0xFFFF  }
0x30a: {  	[sflag:s0] =	ssyncadd.tile.s32 @!p0 $0x1;
	_ =	shalt  }
.Lfunc_end2:
_tile_overlayer_lowered:
.L_overlay_start_2:
0x30b: {  	(tag) =	ssettag $0x2  }
0x30c: {  	s0 =	rddreg [dreg:$0x0];
	s2 =	stileid.u32  }
0x30d: {  	s1 =	rddreg [dreg:$0x1];
	p0 =	sne.s32 s2, $0x0  }
0x30e: {  	s3 =	rddreg [dreg:$0x2];
	[bflag:$0x3] =	sbarrier.arrive $0xFFFF;
	s2 =	simm.s32 @!p0 $0x1C02  }
0x30f: {  	[timem:s3], [sflag:s2] =	dma.local @!p0 [hbm:s0], s1  }
0x310: {  	s0 =	simm.s32 @!p0 $0x2  }
0x311: {  	_ =	swait.ge @!p0 [sflag:s0], s1  }
0x312: {  	s1 =	ssub.s32 @!p0 $0x0, s1;
	[sflag:s0] =	ssyncset.done @!p0 $0x0  }
0x313: {  	[sflag:s0] =	ssyncadd.s32 @!p0 s1  }
0x314: {  	[bflag:$0x3] =	sbarrier.arrive $0xFFFF  }
0x315: {  	_ =	shalt  }

</sc_bundles>
